<compile_context>
chip_gen: v7x
topology: tpu7x:2x2x1
jax: 0.10.2.dev20260603
libtpu: 0.0.44.dev20260713+nightly
codegen_flags: <defaults>
</compile_context>

<pallas_src>
import jax
import jax.numpy as jnp
from jax import lax
from jax.experimental import pallas as pl
from jax.experimental.pallas import tpu as pltpu
from jax.experimental.pallas import tpu_sc as plsc

SEQ = 2048
DIM = 128
NB = 4

_info = plsc.get_sparse_core_info()
_NC = _info.num_cores
_NS = _info.num_subcores
_L = _info.num_lanes
NW = _NC * _NS
SPW = SEQ // NW
BPW = NB * SPW


def _sc_body(idx_hbm, tok_hbm, pos_hbm, out_hbm, idx_v, rows_v, pos_v,
             gsems, psem, isem, osem):
    wid = lax.axis_index("s") * _NC + lax.axis_index("c")
    s0 = wid * SPW

    pcopy = pltpu.async_copy(pos_hbm.at[pl.ds(s0, SPW)], pos_v, psem)
    icopies = [
        pltpu.async_copy(idx_hbm.at[b, pl.ds(s0, SPW)],
                         idx_v.at[b // 2, pl.ds((b % 2) * SPW, SPW)], isem)
        for b in range(NB)
    ]
    for ic in icopies:
        ic.wait()

    gathers = [
        pltpu.async_copy(tok_hbm.at[idx_v.at[g]],
                         rows_v.at[pl.ds(g * 2 * SPW, 2 * SPW)], gsems.at[g])
        for g in range(NB // 2)
    ]
    for g in gathers:
        g.wait()
    pcopy.wait()

    def add_row(i, carry):
        for c in range(DIM // _L):
            sl = pl.ds(c * _L, _L)
            p = pos_v[i, sl]
            for b in range(NB):
                plsc.addupdate(rows_v.at[b * SPW + i, sl], p)
        return carry

    QR = SPW // 4
    outs = []
    for q in range(4):
        lax.fori_loop(q * QR, (q + 1) * QR, add_row, 0)
        for b in range(NB):
            outs.append(
                pltpu.async_copy(
                    rows_v.at[pl.ds(b * SPW + q * QR, QR)],
                    out_hbm.at[pl.ds(b * SEQ + s0 + q * QR, QR)], osem)
            )
    for o in outs:
        o.wait()


@jax.jit
def _sc_embed(idx, token_table, pos_table):
    kern = pl.kernel(
        _sc_body,
        out_type=jax.ShapeDtypeStruct((NB * SEQ, DIM), jnp.float32),
        mesh=plsc.VectorSubcoreMesh(core_axis_name="c", subcore_axis_name="s"),
        scratch_types=[
            pltpu.VMEM((NB // 2, 2 * SPW), jnp.int32),
            pltpu.VMEM((BPW, DIM), jnp.float32),
            pltpu.VMEM((SPW, DIM), jnp.float32),
            pltpu.SemaphoreType.DMA((NB // 2,)),
            pltpu.SemaphoreType.DMA,
            pltpu.SemaphoreType.DMA,
            pltpu.SemaphoreType.DMA,
        ],
    )
    return kern(idx, token_table, pos_table)


def kernel(inputs, token_table, pos_table):
    out = _sc_embed(inputs.astype(jnp.int32), token_table, pos_table)
    return out.reshape(NB, SEQ, DIM)

# --- scband reference (transcript-rebuilt; emitter-appended) ---
"""Pipeline reference for scband-positional-embedding-42743514529834 (READ-ONLY COPY).

The authoritative reference and input builder live on the scoring server;
editing this copy changes nothing except your own understanding.
"""

import jax, jax.numpy as jnp
import numpy as np

SEQ_LEN = 2048
VOCAB = 100000
EMBED_DIM = 128
BATCH = 4

def setup_inputs(seed: int = 0) -> dict:
    key = jax.random.key(seed)
    k1, k2, k3 = jax.random.split(key, 3)
    inputs = jax.random.randint(k1, (BATCH, SEQ_LEN), 0, VOCAB)
    token_table = jax.random.normal(k2, (VOCAB, EMBED_DIM), dtype=jnp.float32) * 0.02
    pos_table = jax.random.normal(k3, (SEQ_LEN, EMBED_DIM), dtype=jnp.float32) * 0.02
    return {"inputs": inputs, "token_table": token_table, "pos_table": pos_table}

def reference(inputs, token_table, pos_table):
    positions = jnp.arange(SEQ_LEN)
    embedded_tokens = jnp.take(token_table, inputs, axis=0)
    embedded_positions = jnp.take(pos_table, positions, axis=0)
    return embedded_tokens + embedded_positions[None, :, :]

if __name__ == "__main__":
    import jax
    _d = setup_inputs()
    print(jax.jit(kernel)(*tuple(_d.values())))

</pallas_src>

<mosaic_0001>
#map = affine_map<(d0, d1) -> (0, 0)>
module attributes {stable_mosaic.version = 14 : i64} {
  func.func @_sc_body(%arg0: i32, %arg1: i32, %arg2: memref<4x2048xi32, #tpu.memory_space<hbm>>, %arg3: memref<100000x128xf32, #tpu.memory_space<hbm>>, %arg4: memref<2048x128xf32, #tpu.memory_space<hbm>>, %arg5: memref<8192x128xf32, #tpu.memory_space<hbm>>, %arg6: memref<2x128xi32, #tpu.memory_space<vmem>>, %arg7: memref<256x128xf32, #tpu.memory_space<vmem>>, %arg8: memref<64x128xf32, #tpu.memory_space<vmem>>, %arg9: memref<2x!tpu.dma_semaphore, #tpu.memory_space<semaphore_mem>>, %arg10: memref<!tpu.dma_semaphore, #tpu.memory_space<semaphore_mem>>, %arg11: memref<!tpu.dma_semaphore, #tpu.memory_space<semaphore_mem>>, %arg12: memref<!tpu.dma_semaphore, #tpu.memory_space<semaphore_mem>>) attributes {dimension_semantics = [#tpu.dimension_semantics<core_parallel>, #tpu.dimension_semantics<subcore_parallel>], iteration_bounds = array<i64: 2, 16>, scalar_prefetch = 0 : i64, scratch_operands = 7 : i64, tpu.core_type = #tpu.core_type<sc_vector_subcore>, window_params = [{transform_indices = #map}, {transform_indices = #map}, {transform_indices = #map}, {transform_indices = #map}]} {
    %mul3A = arith.constant 2 : i32
    %mul3A_0 = arith.muli %arg1, %mul3A : i32
    %add3A = arith.addi %mul3A_0, %arg0 : i32
    %mul3A_1 = arith.constant 64 : i32
    %mul3A_2 = arith.muli %add3A, %mul3A_1 : i32
    %dma_start3A = arith.constant 0 : i32
    %dma_start3A_3 = tpu.memref_slice %arg4[%mul3A_2, %dma_start3A] : memref<2048x128xf32, #tpu.memory_space<hbm>> -> memref<64x128xf32, #tpu.memory_space<hbm>>
    %dma_start3A_4 = arith.constant 0 : i32
    %dma_start3A_5 = tpu.memref_slice %arg4[%mul3A_2, %dma_start3A_4] : memref<2048x128xf32, #tpu.memory_space<hbm>> -> memref<64x128xf32, #tpu.memory_space<hbm>>
    tpu.enqueue_dma source(%dma_start3A_5 : memref<64x128xf32, #tpu.memory_space<hbm>>) target(%arg8 : memref<64x128xf32, #tpu.memory_space<vmem>>) target_semaphore(%arg10 : memref<!tpu.dma_semaphore, #tpu.memory_space<semaphore_mem>>)
    %dma_start3A_6 = arith.constant 0 : i32
    %dma_start3A_7 = arith.constant 0 : i32
    %dma_start3A_8 = arith.constant 0 : i32
    %dma_start3A_9 = tpu.memref_slice %arg6[%dma_start3A_7, %dma_start3A_8] : memref<2x128xi32, #tpu.memory_space<vmem>> -> memref<1x64xi32, #tpu.memory_space<vmem>>
    %dma_start3A_10 = tpu.memref_squeeze %dma_start3A_9 : memref<1x64xi32, #tpu.memory_space<vmem>> -> memref<64xi32, #tpu.memory_space<vmem>>
    %dma_start3A_11 = tpu.memref_slice %arg2[%dma_start3A_6, %mul3A_2] : memref<4x2048xi32, #tpu.memory_space<hbm>> -> memref<1x64xi32, #tpu.memory_space<hbm>>
    %dma_start3A_12 = tpu.memref_squeeze %dma_start3A_11 : memref<1x64xi32, #tpu.memory_space<hbm>> -> memref<64xi32, #tpu.memory_space<hbm>>
    %dma_start3A_13 = arith.constant 0 : i32
    %dma_start3A_14 = tpu.memref_slice %arg6[%dma_start3A_7, %dma_start3A_13] : memref<2x128xi32, #tpu.memory_space<vmem>> -> memref<1x64xi32, #tpu.memory_space<vmem>>
    %dma_start3A_15 = tpu.memref_squeeze %dma_start3A_14 : memref<1x64xi32, #tpu.memory_space<vmem>> -> memref<64xi32, #tpu.memory_space<vmem>>
    %dma_start3A_16 = tpu.memref_slice %arg2[%dma_start3A_6, %mul3A_2] : memref<4x2048xi32, #tpu.memory_space<hbm>> -> memref<1x64xi32, #tpu.memory_space<hbm>>
    %dma_start3A_17 = tpu.memref_squeeze %dma_start3A_16 : memref<1x64xi32, #tpu.memory_space<hbm>> -> memref<64xi32, #tpu.memory_space<hbm>>
    tpu.enqueue_dma source(%dma_start3A_17 : memref<64xi32, #tpu.memory_space<hbm>>) target(%dma_start3A_15 : memref<64xi32, #tpu.memory_space<vmem>>) target_semaphore(%arg11 : memref<!tpu.dma_semaphore, #tpu.memory_space<semaphore_mem>>)
    %dma_start3A_18 = arith.constant 1 : i32
    %dma_start3A_19 = arith.constant 0 : i32
    %dma_start3A_20 = arith.constant 64 : i32
    %dma_start3A_21 = tpu.memref_slice %arg6[%dma_start3A_19, %dma_start3A_20] : memref<2x128xi32, #tpu.memory_space<vmem>> -> memref<1x64xi32, #tpu.memory_space<vmem>>
    %dma_start3A_22 = tpu.memref_squeeze %dma_start3A_21 : memref<1x64xi32, #tpu.memory_space<vmem>> -> memref<64xi32, #tpu.memory_space<vmem>>
    %dma_start3A_23 = tpu.memref_slice %arg2[%dma_start3A_18, %mul3A_2] : memref<4x2048xi32, #tpu.memory_space<hbm>> -> memref<1x64xi32, #tpu.memory_space<hbm>>
    %dma_start3A_24 = tpu.memref_squeeze %dma_start3A_23 : memref<1x64xi32, #tpu.memory_space<hbm>> -> memref<64xi32, #tpu.memory_space<hbm>>
    %dma_start3A_25 = arith.constant 64 : i32
    %dma_start3A_26 = tpu.memref_slice %arg6[%dma_start3A_19, %dma_start3A_25] : memref<2x128xi32, #tpu.memory_space<vmem>> -> memref<1x64xi32, #tpu.memory_space<vmem>>
    %dma_start3A_27 = tpu.memref_squeeze %dma_start3A_26 : memref<1x64xi32, #tpu.memory_space<vmem>> -> memref<64xi32, #tpu.memory_space<vmem>>
    %dma_start3A_28 = tpu.memref_slice %arg2[%dma_start3A_18, %mul3A_2] : memref<4x2048xi32, #tpu.memory_space<hbm>> -> memref<1x64xi32, #tpu.memory_space<hbm>>
    %dma_start3A_29 = tpu.memref_squeeze %dma_start3A_28 : memref<1x64xi32, #tpu.memory_space<hbm>> -> memref<64xi32, #tpu.memory_space<hbm>>
    tpu.enqueue_dma source(%dma_start3A_29 : memref<64xi32, #tpu.memory_space<hbm>>) target(%dma_start3A_27 : memref<64xi32, #tpu.memory_space<vmem>>) target_semaphore(%arg11 : memref<!tpu.dma_semaphore, #tpu.memory_space<semaphore_mem>>)
    %dma_start3A_30 = arith.constant 2 : i32
    %dma_start3A_31 = arith.constant 1 : i32
    %dma_start3A_32 = arith.constant 0 : i32
    %dma_start3A_33 = tpu.memref_slice %arg6[%dma_start3A_31, %dma_start3A_32] : memref<2x128xi32, #tpu.memory_space<vmem>> -> memref<1x64xi32, #tpu.memory_space<vmem>>
    %dma_start3A_34 = tpu.memref_squeeze %dma_start3A_33 : memref<1x64xi32, #tpu.memory_space<vmem>> -> memref<64xi32, #tpu.memory_space<vmem>>
    %dma_start3A_35 = tpu.memref_slice %arg2[%dma_start3A_30, %mul3A_2] : memref<4x2048xi32, #tpu.memory_space<hbm>> -> memref<1x64xi32, #tpu.memory_space<hbm>>
    %dma_start3A_36 = tpu.memref_squeeze %dma_start3A_35 : memref<1x64xi32, #tpu.memory_space<hbm>> -> memref<64xi32, #tpu.memory_space<hbm>>
    %dma_start3A_37 = arith.constant 0 : i32
    %dma_start3A_38 = tpu.memref_slice %arg6[%dma_start3A_31, %dma_start3A_37] : memref<2x128xi32, #tpu.memory_space<vmem>> -> memref<1x64xi32, #tpu.memory_space<vmem>>
    %dma_start3A_39 = tpu.memref_squeeze %dma_start3A_38 : memref<1x64xi32, #tpu.memory_space<vmem>> -> memref<64xi32, #tpu.memory_space<vmem>>
    %dma_start3A_40 = tpu.memref_slice %arg2[%dma_start3A_30, %mul3A_2] : memref<4x2048xi32, #tpu.memory_space<hbm>> -> memref<1x64xi32, #tpu.memory_space<hbm>>
    %dma_start3A_41 = tpu.memref_squeeze %dma_start3A_40 : memref<1x64xi32, #tpu.memory_space<hbm>> -> memref<64xi32, #tpu.memory_space<hbm>>
    tpu.enqueue_dma source(%dma_start3A_41 : memref<64xi32, #tpu.memory_space<hbm>>) target(%dma_start3A_39 : memref<64xi32, #tpu.memory_space<vmem>>) target_semaphore(%arg11 : memref<!tpu.dma_semaphore, #tpu.memory_space<semaphore_mem>>)
    %dma_start3A_42 = arith.constant 3 : i32
    %dma_start3A_43 = arith.constant 1 : i32
    %dma_start3A_44 = arith.constant 64 : i32
    %dma_start3A_45 = tpu.memref_slice %arg6[%dma_start3A_43, %dma_start3A_44] : memref<2x128xi32, #tpu.memory_space<vmem>> -> memref<1x64xi32, #tpu.memory_space<vmem>>
    %dma_start3A_46 = tpu.memref_squeeze %dma_start3A_45 : memref<1x64xi32, #tpu.memory_space<vmem>> -> memref<64xi32, #tpu.memory_space<vmem>>
    %dma_start3A_47 = tpu.memref_slice %arg2[%dma_start3A_42, %mul3A_2] : memref<4x2048xi32, #tpu.memory_space<hbm>> -> memref<1x64xi32, #tpu.memory_space<hbm>>
    %dma_start3A_48 = tpu.memref_squeeze %dma_start3A_47 : memref<1x64xi32, #tpu.memory_space<hbm>> -> memref<64xi32, #tpu.memory_space<hbm>>
    %dma_start3A_49 = arith.constant 64 : i32
    %dma_start3A_50 = tpu.memref_slice %arg6[%dma_start3A_43, %dma_start3A_49] : memref<2x128xi32, #tpu.memory_space<vmem>> -> memref<1x64xi32, #tpu.memory_space<vmem>>
    %dma_start3A_51 = tpu.memref_squeeze %dma_start3A_50 : memref<1x64xi32, #tpu.memory_space<vmem>> -> memref<64xi32, #tpu.memory_space<vmem>>
    %dma_start3A_52 = tpu.memref_slice %arg2[%dma_start3A_42, %mul3A_2] : memref<4x2048xi32, #tpu.memory_space<hbm>> -> memref<1x64xi32, #tpu.memory_space<hbm>>
    %dma_start3A_53 = tpu.memref_squeeze %dma_start3A_52 : memref<1x64xi32, #tpu.memory_space<hbm>> -> memref<64xi32, #tpu.memory_space<hbm>>
    tpu.enqueue_dma source(%dma_start3A_53 : memref<64xi32, #tpu.memory_space<hbm>>) target(%dma_start3A_51 : memref<64xi32, #tpu.memory_space<vmem>>) target_semaphore(%arg11 : memref<!tpu.dma_semaphore, #tpu.memory_space<semaphore_mem>>)
    %dma_wait3A = arith.constant 0 : i32
    %dma_wait3A_54 = arith.constant 0 : i32
    %dma_wait3A_55 = arith.constant 0 : i32
    %dma_wait3A_56 = tpu.memref_slice %arg6[%dma_wait3A_54, %dma_wait3A_55] : memref<2x128xi32, #tpu.memory_space<vmem>> -> memref<1x64xi32, #tpu.memory_space<vmem>>
    %dma_wait3A_57 = tpu.memref_squeeze %dma_wait3A_56 : memref<1x64xi32, #tpu.memory_space<vmem>> -> memref<64xi32, #tpu.memory_space<vmem>>
    %dma_wait3A_58 = tpu.memref_slice %arg2[%dma_wait3A, %mul3A_2] : memref<4x2048xi32, #tpu.memory_space<hbm>> -> memref<1x64xi32, #tpu.memory_space<hbm>>
    %dma_wait3A_59 = tpu.memref_squeeze %dma_wait3A_58 : memref<1x64xi32, #tpu.memory_space<hbm>> -> memref<64xi32, #tpu.memory_space<hbm>>
    %dma_wait3A_60 = arith.constant 0 : i32
    %dma_wait3A_61 = tpu.memref_slice %arg6[%dma_wait3A_54, %dma_wait3A_60] : memref<2x128xi32, #tpu.memory_space<vmem>> -> memref<1x64xi32, #tpu.memory_space<vmem>>
    %dma_wait3A_62 = tpu.memref_squeeze %dma_wait3A_61 : memref<1x64xi32, #tpu.memory_space<vmem>> -> memref<64xi32, #tpu.memory_space<vmem>>
    %dma_wait3A_63 = tpu.memref_slice %arg2[%dma_wait3A, %mul3A_2] : memref<4x2048xi32, #tpu.memory_space<hbm>> -> memref<1x64xi32, #tpu.memory_space<hbm>>
    %dma_wait3A_64 = tpu.memref_squeeze %dma_wait3A_63 : memref<1x64xi32, #tpu.memory_space<hbm>> -> memref<64xi32, #tpu.memory_space<hbm>>
    tpu.wait_dma2 semaphore(%arg11 : memref<!tpu.dma_semaphore, #tpu.memory_space<semaphore_mem>>) src(%dma_wait3A_64 : memref<64xi32, #tpu.memory_space<hbm>>) dst(%dma_wait3A_62 : memref<64xi32, #tpu.memory_space<vmem>>)
    %dma_wait3A_65 = arith.constant 1 : i32
    %dma_wait3A_66 = arith.constant 0 : i32
    %dma_wait3A_67 = arith.constant 64 : i32
    %dma_wait3A_68 = tpu.memref_slice %arg6[%dma_wait3A_66, %dma_wait3A_67] : memref<2x128xi32, #tpu.memory_space<vmem>> -> memref<1x64xi32, #tpu.memory_space<vmem>>
    %dma_wait3A_69 = tpu.memref_squeeze %dma_wait3A_68 : memref<1x64xi32, #tpu.memory_space<vmem>> -> memref<64xi32, #tpu.memory_space<vmem>>
    %dma_wait3A_70 = tpu.memref_slice %arg2[%dma_wait3A_65, %mul3A_2] : memref<4x2048xi32, #tpu.memory_space<hbm>> -> memref<1x64xi32, #tpu.memory_space<hbm>>
    %dma_wait3A_71 = tpu.memref_squeeze %dma_wait3A_70 : memref<1x64xi32, #tpu.memory_space<hbm>> -> memref<64xi32, #tpu.memory_space<hbm>>
    %dma_wait3A_72 = arith.constant 64 : i32
    %dma_wait3A_73 = tpu.memref_slice %arg6[%dma_wait3A_66, %dma_wait3A_72] : memref<2x128xi32, #tpu.memory_space<vmem>> -> memref<1x64xi32, #tpu.memory_space<vmem>>
    %dma_wait3A_74 = tpu.memref_squeeze %dma_wait3A_73 : memref<1x64xi32, #tpu.memory_space<vmem>> -> memref<64xi32, #tpu.memory_space<vmem>>
    %dma_wait3A_75 = tpu.memref_slice %arg2[%dma_wait3A_65, %mul3A_2] : memref<4x2048xi32, #tpu.memory_space<hbm>> -> memref<1x64xi32, #tpu.memory_space<hbm>>
    %dma_wait3A_76 = tpu.memref_squeeze %dma_wait3A_75 : memref<1x64xi32, #tpu.memory_space<hbm>> -> memref<64xi32, #tpu.memory_space<hbm>>
    tpu.wait_dma2 semaphore(%arg11 : memref<!tpu.dma_semaphore, #tpu.memory_space<semaphore_mem>>) src(%dma_wait3A_76 : memref<64xi32, #tpu.memory_space<hbm>>) dst(%dma_wait3A_74 : memref<64xi32, #tpu.memory_space<vmem>>)
    %dma_wait3A_77 = arith.constant 2 : i32
    %dma_wait3A_78 = arith.constant 1 : i32
    %dma_wait3A_79 = arith.constant 0 : i32
    %dma_wait3A_80 = tpu.memref_slice %arg6[%dma_wait3A_78, %dma_wait3A_79] : memref<2x128xi32, #tpu.memory_space<vmem>> -> memref<1x64xi32, #tpu.memory_space<vmem>>
    %dma_wait3A_81 = tpu.memref_squeeze %dma_wait3A_80 : memref<1x64xi32, #tpu.memory_space<vmem>> -> memref<64xi32, #tpu.memory_space<vmem>>
    %dma_wait3A_82 = tpu.memref_slice %arg2[%dma_wait3A_77, %mul3A_2] : memref<4x2048xi32, #tpu.memory_space<hbm>> -> memref<1x64xi32, #tpu.memory_space<hbm>>
    %dma_wait3A_83 = tpu.memref_squeeze %dma_wait3A_82 : memref<1x64xi32, #tpu.memory_space<hbm>> -> memref<64xi32, #tpu.memory_space<hbm>>
    %dma_wait3A_84 = arith.constant 0 : i32
    %dma_wait3A_85 = tpu.memref_slice %arg6[%dma_wait3A_78, %dma_wait3A_84] : memref<2x128xi32, #tpu.memory_space<vmem>> -> memref<1x64xi32, #tpu.memory_space<vmem>>
    %dma_wait3A_86 = tpu.memref_squeeze %dma_wait3A_85 : memref<1x64xi32, #tpu.memory_space<vmem>> -> memref<64xi32, #tpu.memory_space<vmem>>
    %dma_wait3A_87 = tpu.memref_slice %arg2[%dma_wait3A_77, %mul3A_2] : memref<4x2048xi32, #tpu.memory_space<hbm>> -> memref<1x64xi32, #tpu.memory_space<hbm>>
    %dma_wait3A_88 = tpu.memref_squeeze %dma_wait3A_87 : memref<1x64xi32, #tpu.memory_space<hbm>> -> memref<64xi32, #tpu.memory_space<hbm>>
    tpu.wait_dma2 semaphore(%arg11 : memref<!tpu.dma_semaphore, #tpu.memory_space<semaphore_mem>>) src(%dma_wait3A_88 : memref<64xi32, #tpu.memory_space<hbm>>) dst(%dma_wait3A_86 : memref<64xi32, #tpu.memory_space<vmem>>)
    %dma_wait3A_89 = arith.constant 3 : i32
    %dma_wait3A_90 = arith.constant 1 : i32
    %dma_wait3A_91 = arith.constant 64 : i32
    %dma_wait3A_92 = tpu.memref_slice %arg6[%dma_wait3A_90, %dma_wait3A_91] : memref<2x128xi32, #tpu.memory_space<vmem>> -> memref<1x64xi32, #tpu.memory_space<vmem>>
    %dma_wait3A_93 = tpu.memref_squeeze %dma_wait3A_92 : memref<1x64xi32, #tpu.memory_space<vmem>> -> memref<64xi32, #tpu.memory_space<vmem>>
    %dma_wait3A_94 = tpu.memref_slice %arg2[%dma_wait3A_89, %mul3A_2] : memref<4x2048xi32, #tpu.memory_space<hbm>> -> memref<1x64xi32, #tpu.memory_space<hbm>>
    %dma_wait3A_95 = tpu.memref_squeeze %dma_wait3A_94 : memref<1x64xi32, #tpu.memory_space<hbm>> -> memref<64xi32, #tpu.memory_space<hbm>>
    %dma_wait3A_96 = arith.constant 64 : i32
    %dma_wait3A_97 = tpu.memref_slice %arg6[%dma_wait3A_90, %dma_wait3A_96] : memref<2x128xi32, #tpu.memory_space<vmem>> -> memref<1x64xi32, #tpu.memory_space<vmem>>
    %dma_wait3A_98 = tpu.memref_squeeze %dma_wait3A_97 : memref<1x64xi32, #tpu.memory_space<vmem>> -> memref<64xi32, #tpu.memory_space<vmem>>
    %dma_wait3A_99 = tpu.memref_slice %arg2[%dma_wait3A_89, %mul3A_2] : memref<4x2048xi32, #tpu.memory_space<hbm>> -> memref<1x64xi32, #tpu.memory_space<hbm>>
    %dma_wait3A_100 = tpu.memref_squeeze %dma_wait3A_99 : memref<1x64xi32, #tpu.memory_space<hbm>> -> memref<64xi32, #tpu.memory_space<hbm>>
    tpu.wait_dma2 semaphore(%arg11 : memref<!tpu.dma_semaphore, #tpu.memory_space<semaphore_mem>>) src(%dma_wait3A_100 : memref<64xi32, #tpu.memory_space<hbm>>) dst(%dma_wait3A_98 : memref<64xi32, #tpu.memory_space<vmem>>)
    %dma_start3A_101 = arith.constant 0 : i32
    %dma_start3A_102 = arith.constant 0 : i32
    %dma_start3A_103 = arith.constant 0 : i32
    %dma_start3A_104 = arith.constant 0 : i32
    %dma_start3A_105 = tpu.memref_slice %arg7[%dma_start3A_103, %dma_start3A_104] : memref<256x128xf32, #tpu.memory_space<vmem>> -> memref<128x128xf32, #tpu.memory_space<vmem>>
    %dma_start3A_106 = arith.constant 0 : i32
    %dma_start3A_107 = tpu.memref_slice %arg6[%dma_start3A_101, %dma_start3A_106] : memref<2x128xi32, #tpu.memory_space<vmem>> -> memref<1x128xi32, #tpu.memory_space<vmem>>
    %dma_start3A_108 = tpu.memref_squeeze %dma_start3A_107 : memref<1x128xi32, #tpu.memory_space<vmem>> -> memref<128xi32, #tpu.memory_space<vmem>>
    %dma_start3A_109 = arith.constant 0 : i32
    %dma_start3A_110 = arith.constant 0 : i32
    %dma_start3A_111 = tpu.memref_slice %arg3[%dma_start3A_109, %dma_start3A_110] : memref<100000x128xf32, #tpu.memory_space<hbm>> -> memref<100000x128xf32, #tpu.memory_space<hbm>>
    %dma_start3A_112 = tpu.memref_slice %arg9[%dma_start3A_102] : memref<2x!tpu.dma_semaphore, #tpu.memory_space<semaphore_mem>> -> memref<1x!tpu.dma_semaphore, #tpu.memory_space<semaphore_mem>>
    %dma_start3A_113 = tpu.memref_squeeze %dma_start3A_112 : memref<1x!tpu.dma_semaphore, #tpu.memory_space<semaphore_mem>> -> memref<!tpu.dma_semaphore, #tpu.memory_space<semaphore_mem>>
    tpu.enqueue_indirect_dma source(%dma_start3A_111 : memref<100000x128xf32, #tpu.memory_space<hbm>>) target(%dma_start3A_105 : memref<128x128xf32, #tpu.memory_space<vmem>>) offsets(%dma_start3A_108 : memref<128xi32, #tpu.memory_space<vmem>>) semaphore(%dma_start3A_113 : memref<!tpu.dma_semaphore, #tpu.memory_space<semaphore_mem>>)
    %dma_start3A_114 = arith.constant 1 : i32
    %dma_start3A_115 = arith.constant 1 : i32
    %dma_start3A_116 = arith.constant 128 : i32
    %dma_start3A_117 = arith.constant 0 : i32
    %dma_start3A_118 = tpu.memref_slice %arg7[%dma_start3A_116, %dma_start3A_117] : memref<256x128xf32, #tpu.memory_space<vmem>> -> memref<128x128xf32, #tpu.memory_space<vmem>>
    %dma_start3A_119 = arith.constant 0 : i32
    %dma_start3A_120 = tpu.memref_slice %arg6[%dma_start3A_114, %dma_start3A_119] : memref<2x128xi32, #tpu.memory_space<vmem>> -> memref<1x128xi32, #tpu.memory_space<vmem>>
    %dma_start3A_121 = tpu.memref_squeeze %dma_start3A_120 : memref<1x128xi32, #tpu.memory_space<vmem>> -> memref<128xi32, #tpu.memory_space<vmem>>
    %dma_start3A_122 = arith.constant 0 : i32
    %dma_start3A_123 = arith.constant 0 : i32
    %dma_start3A_124 = tpu.memref_slice %arg3[%dma_start3A_122, %dma_start3A_123] : memref<100000x128xf32, #tpu.memory_space<hbm>> -> memref<100000x128xf32, #tpu.memory_space<hbm>>
    %dma_start3A_125 = tpu.memref_slice %arg9[%dma_start3A_115] : memref<2x!tpu.dma_semaphore, #tpu.memory_space<semaphore_mem>> -> memref<1x!tpu.dma_semaphore, #tpu.memory_space<semaphore_mem>>
    %dma_start3A_126 = tpu.memref_squeeze %dma_start3A_125 : memref<1x!tpu.dma_semaphore, #tpu.memory_space<semaphore_mem>> -> memref<!tpu.dma_semaphore, #tpu.memory_space<semaphore_mem>>
    tpu.enqueue_indirect_dma source(%dma_start3A_124 : memref<100000x128xf32, #tpu.memory_space<hbm>>) target(%dma_start3A_118 : memref<128x128xf32, #tpu.memory_space<vmem>>) offsets(%dma_start3A_121 : memref<128xi32, #tpu.memory_space<vmem>>) semaphore(%dma_start3A_126 : memref<!tpu.dma_semaphore, #tpu.memory_space<semaphore_mem>>)
    %dma_wait3A_127 = arith.constant 0 : i32
    %dma_wait3A_128 = arith.constant 0 : i32
    %dma_wait3A_129 = arith.constant 0 : i32
    %dma_wait3A_130 = arith.constant 0 : i32
    %dma_wait3A_131 = tpu.memref_slice %arg7[%dma_wait3A_129, %dma_wait3A_130] : memref<256x128xf32, #tpu.memory_space<vmem>> -> memref<128x128xf32, #tpu.memory_space<vmem>>
    %dma_wait3A_132 = arith.constant 0 : i32
    %dma_wait3A_133 = tpu.memref_slice %arg6[%dma_wait3A_127, %dma_wait3A_132] : memref<2x128xi32, #tpu.memory_space<vmem>> -> memref<1x128xi32, #tpu.memory_space<vmem>>
    %dma_wait3A_134 = tpu.memref_squeeze %dma_wait3A_133 : memref<1x128xi32, #tpu.memory_space<vmem>> -> memref<128xi32, #tpu.memory_space<vmem>>
    %dma_wait3A_135 = arith.constant 0 : i32
    %dma_wait3A_136 = arith.constant 0 : i32
    %dma_wait3A_137 = tpu.memref_slice %arg3[%dma_wait3A_135, %dma_wait3A_136] : memref<100000x128xf32, #tpu.memory_space<hbm>> -> memref<100000x128xf32, #tpu.memory_space<hbm>>
    %dma_wait3A_138 = tpu.memref_slice %arg9[%dma_wait3A_128] : memref<2x!tpu.dma_semaphore, #tpu.memory_space<semaphore_mem>> -> memref<1x!tpu.dma_semaphore, #tpu.memory_space<semaphore_mem>>
    %dma_wait3A_139 = tpu.memref_squeeze %dma_wait3A_138 : memref<1x!tpu.dma_semaphore, #tpu.memory_space<semaphore_mem>> -> memref<!tpu.dma_semaphore, #tpu.memory_space<semaphore_mem>>
    tpu.wait_indirect_dma semaphore(%dma_wait3A_139 : memref<!tpu.dma_semaphore, #tpu.memory_space<semaphore_mem>>) src(%dma_wait3A_137 : memref<100000x128xf32, #tpu.memory_space<hbm>>) dst(%dma_wait3A_131 : memref<128x128xf32, #tpu.memory_space<vmem>>)
    %dma_wait3A_140 = arith.constant 1 : i32
    %dma_wait3A_141 = arith.constant 1 : i32
    %dma_wait3A_142 = arith.constant 128 : i32
    %dma_wait3A_143 = arith.constant 0 : i32
    %dma_wait3A_144 = tpu.memref_slice %arg7[%dma_wait3A_142, %dma_wait3A_143] : memref<256x128xf32, #tpu.memory_space<vmem>> -> memref<128x128xf32, #tpu.memory_space<vmem>>
    %dma_wait3A_145 = arith.constant 0 : i32
    %dma_wait3A_146 = tpu.memref_slice %arg6[%dma_wait3A_140, %dma_wait3A_145] : memref<2x128xi32, #tpu.memory_space<vmem>> -> memref<1x128xi32, #tpu.memory_space<vmem>>
    %dma_wait3A_147 = tpu.memref_squeeze %dma_wait3A_146 : memref<1x128xi32, #tpu.memory_space<vmem>> -> memref<128xi32, #tpu.memory_space<vmem>>
    %dma_wait3A_148 = arith.constant 0 : i32
    %dma_wait3A_149 = arith.constant 0 : i32
    %dma_wait3A_150 = tpu.memref_slice %arg3[%dma_wait3A_148, %dma_wait3A_149] : memref<100000x128xf32, #tpu.memory_space<hbm>> -> memref<100000x128xf32, #tpu.memory_space<hbm>>
    %dma_wait3A_151 = tpu.memref_slice %arg9[%dma_wait3A_141] : memref<2x!tpu.dma_semaphore, #tpu.memory_space<semaphore_mem>> -> memref<1x!tpu.dma_semaphore, #tpu.memory_space<semaphore_mem>>
    %dma_wait3A_152 = tpu.memref_squeeze %dma_wait3A_151 : memref<1x!tpu.dma_semaphore, #tpu.memory_space<semaphore_mem>> -> memref<!tpu.dma_semaphore, #tpu.memory_space<semaphore_mem>>
    tpu.wait_indirect_dma semaphore(%dma_wait3A_152 : memref<!tpu.dma_semaphore, #tpu.memory_space<semaphore_mem>>) src(%dma_wait3A_150 : memref<100000x128xf32, #tpu.memory_space<hbm>>) dst(%dma_wait3A_144 : memref<128x128xf32, #tpu.memory_space<vmem>>)
    %dma_wait3A_153 = arith.constant 0 : i32
    %dma_wait3A_154 = tpu.memref_slice %arg4[%mul3A_2, %dma_wait3A_153] : memref<2048x128xf32, #tpu.memory_space<hbm>> -> memref<64x128xf32, #tpu.memory_space<hbm>>
    %dma_wait3A_155 = arith.constant 0 : i32
    %dma_wait3A_156 = tpu.memref_slice %arg4[%mul3A_2, %dma_wait3A_155] : memref<2048x128xf32, #tpu.memory_space<hbm>> -> memref<64x128xf32, #tpu.memory_space<hbm>>
    tpu.wait_dma2 semaphore(%arg10 : memref<!tpu.dma_semaphore, #tpu.memory_space<semaphore_mem>>) src(%dma_wait3A_156 : memref<64x128xf32, #tpu.memory_space<hbm>>) dst(%arg8 : memref<64x128xf32, #tpu.memory_space<vmem>>)
    %scan3A = arith.constant 0 : i32
    %scan3A_157 = arith.constant 0 : i32
    %scan3A_158 = arith.constant 16 : i32
    %scan3A_159 = arith.addi %scan3A_157, %scan3A_158 : i32
    %scan3A_160 = arith.constant 1 : i32
    scf.for %scan3A_564 = %scan3A_157 to %scan3A_159 step %scan3A_160  : i32 {
      %get3A = arith.index_cast %scan3A_564 : i32 to index
      %get3A_565 = arith.constant 0 : index
      %get3A_566 = tpu.vector_load %arg8[%get3A, %get3A_565] {strides = array<i32>} : memref<64x128xf32, #tpu.memory_space<vmem>>, vector<1x16xf32>,
      %get3A_567 = vector.shape_cast %get3A_566 : vector<1x16xf32> to vector<16xf32>
      %add3A_568 = arith.constant 0 : i32
      %add3A_569 = arith.addi %add3A_568, %scan3A_564 : i32
      %swap3A = arith.index_cast %add3A_569 : i32 to index
      %swap3A_570 = arith.constant 0 : index
      %swap3A_571 = tpu.vector_load %arg7[%swap3A, %swap3A_570] {strides = array<i32>} : memref<256x128xf32, #tpu.memory_space<vmem>>, vector<1x16xf32>,
      %swap3A_572 = vector.shape_cast %swap3A_571 : vector<1x16xf32> to vector<16xf32>
      %swap3A_573 = vector.shape_cast %get3A_567 : vector<16xf32> to vector<1x16xf32>
      tpu.vector_store %arg7[%swap3A, %swap3A_570], %swap3A_573 {add = true, strides = array<i32>} : memref<256x128xf32, #tpu.memory_space<vmem>>, vector<1x16xf32>,
      %add3A_574 = arith.constant 64 : i32
      %add3A_575 = arith.addi %add3A_574, %scan3A_564 : i32
      %swap3A_576 = arith.index_cast %add3A_575 : i32 to index
      %swap3A_577 = arith.constant 0 : index
      %swap3A_578 = tpu.vector_load %arg7[%swap3A_576, %swap3A_577] {strides = array<i32>} : memref<256x128xf32, #tpu.memory_space<vmem>>, vector<1x16xf32>,
      %swap3A_579 = vector.shape_cast %swap3A_578 : vector<1x16xf32> to vector<16xf32>
      %swap3A_580 = vector.shape_cast %get3A_567 : vector<16xf32> to vector<1x16xf32>
      tpu.vector_store %arg7[%swap3A_576, %swap3A_577], %swap3A_580 {add = true, strides = array<i32>} : memref<256x128xf32, #tpu.memory_space<vmem>>, vector<1x16xf32>,
      %add3A_581 = arith.constant 128 : i32
      %add3A_582 = arith.addi %add3A_581, %scan3A_564 : i32
      %swap3A_583 = arith.index_cast %add3A_582 : i32 to index
      %swap3A_584 = arith.constant 0 : index
      %swap3A_585 = tpu.vector_load %arg7[%swap3A_583, %swap3A_584] {strides = array<i32>} : memref<256x128xf32, #tpu.memory_space<vmem>>, vector<1x16xf32>,
      %swap3A_586 = vector.shape_cast %swap3A_585 : vector<1x16xf32> to vector<16xf32>
      %swap3A_587 = vector.shape_cast %get3A_567 : vector<16xf32> to vector<1x16xf32>
      tpu.vector_store %arg7[%swap3A_583, %swap3A_584], %swap3A_587 {add = true, strides = array<i32>} : memref<256x128xf32, #tpu.memory_space<vmem>>, vector<1x16xf32>,
      %add3A_588 = arith.constant 192 : i32
      %add3A_589 = arith.addi %add3A_588, %scan3A_564 : i32
      %swap3A_590 = arith.index_cast %add3A_589 : i32 to index
      %swap3A_591 = arith.constant 0 : index
      %swap3A_592 = tpu.vector_load %arg7[%swap3A_590, %swap3A_591] {strides = array<i32>} : memref<256x128xf32, #tpu.memory_space<vmem>>, vector<1x16xf32>,
      %swap3A_593 = vector.shape_cast %swap3A_592 : vector<1x16xf32> to vector<16xf32>
      %swap3A_594 = vector.shape_cast %get3A_567 : vector<16xf32> to vector<1x16xf32>
      tpu.vector_store %arg7[%swap3A_590, %swap3A_591], %swap3A_594 {add = true, strides = array<i32>} : memref<256x128xf32, #tpu.memory_space<vmem>>, vector<1x16xf32>,
      %get3A_595 = arith.index_cast %scan3A_564 : i32 to index
      %get3A_596 = arith.constant 16 : index
      %get3A_597 = tpu.vector_load %arg8[%get3A_595, %get3A_596] {strides = array<i32>} : memref<64x128xf32, #tpu.memory_space<vmem>>, vector<1x16xf32>,
      %get3A_598 = vector.shape_cast %get3A_597 : vector<1x16xf32> to vector<16xf32>
      %add3A_599 = arith.constant 0 : i32
      %add3A_600 = arith.addi %add3A_599, %scan3A_564 : i32
      %swap3A_601 = arith.index_cast %add3A_600 : i32 to index
      %swap3A_602 = arith.constant 16 : index
      %swap3A_603 = tpu.vector_load %arg7[%swap3A_601, %swap3A_602] {strides = array<i32>} : memref<256x128xf32, #tpu.memory_space<vmem>>, vector<1x16xf32>,
      %swap3A_604 = vector.shape_cast %swap3A_603 : vector<1x16xf32> to vector<16xf32>
      %swap3A_605 = vector.shape_cast %get3A_598 : vector<16xf32> to vector<1x16xf32>
      tpu.vector_store %arg7[%swap3A_601, %swap3A_602], %swap3A_605 {add = true, strides = array<i32>} : memref<256x128xf32, #tpu.memory_space<vmem>>, vector<1x16xf32>,
      %add3A_606 = arith.constant 64 : i32
      %add3A_607 = arith.addi %add3A_606, %scan3A_564 : i32
      %swap3A_608 = arith.index_cast %add3A_607 : i32 to index
      %swap3A_609 = arith.constant 16 : index
      %swap3A_610 = tpu.vector_load %arg7[%swap3A_608, %swap3A_609] {strides = array<i32>} : memref<256x128xf32, #tpu.memory_space<vmem>>, vector<1x16xf32>,
      %swap3A_611 = vector.shape_cast %swap3A_610 : vector<1x16xf32> to vector<16xf32>
      %swap3A_612 = vector.shape_cast %get3A_598 : vector<16xf32> to vector<1x16xf32>
      tpu.vector_store %arg7[%swap3A_608, %swap3A_609], %swap3A_612 {add = true, strides = array<i32>} : memref<256x128xf32, #tpu.memory_space<vmem>>, vector<1x16xf32>,
      %add3A_613 = arith.constant 128 : i32
      %add3A_614 = arith.addi %add3A_613, %scan3A_564 : i32
      %swap3A_615 = arith.index_cast %add3A_614 : i32 to index
      %swap3A_616 = arith.constant 16 : index
      %swap3A_617 = tpu.vector_load %arg7[%swap3A_615, %swap3A_616] {strides = array<i32>} : memref<256x128xf32, #tpu.memory_space<vmem>>, vector<1x16xf32>,
      %swap3A_618 = vector.shape_cast %swap3A_617 : vector<1x16xf32> to vector<16xf32>
      %swap3A_619 = vector.shape_cast %get3A_598 : vector<16xf32> to vector<1x16xf32>
      tpu.vector_store %arg7[%swap3A_615, %swap3A_616], %swap3A_619 {add = true, strides = array<i32>} : memref<256x128xf32, #tpu.memory_space<vmem>>, vector<1x16xf32>,
      %add3A_620 = arith.constant 192 : i32
      %add3A_621 = arith.addi %add3A_620, %scan3A_564 : i32
      %swap3A_622 = arith.index_cast %add3A_621 : i32 to index
      %swap3A_623 = arith.constant 16 : index
      %swap3A_624 = tpu.vector_load %arg7[%swap3A_622, %swap3A_623] {strides = array<i32>} : memref<256x128xf32, #tpu.memory_space<vmem>>, vector<1x16xf32>,
      %swap3A_625 = vector.shape_cast %swap3A_624 : vector<1x16xf32> to vector<16xf32>
      %swap3A_626 = vector.shape_cast %get3A_598 : vector<16xf32> to vector<1x16xf32>
      tpu.vector_store %arg7[%swap3A_622, %swap3A_623], %swap3A_626 {add = true, strides = array<i32>} : memref<256x128xf32, #tpu.memory_space<vmem>>, vector<1x16xf32>,
      %get3A_627 = arith.index_cast %scan3A_564 : i32 to index
      %get3A_628 = arith.constant 32 : index
      %get3A_629 = tpu.vector_load %arg8[%get3A_627, %get3A_628] {strides = array<i32>} : memref<64x128xf32, #tpu.memory_space<vmem>>, vector<1x16xf32>,
      %get3A_630 = vector.shape_cast %get3A_629 : vector<1x16xf32> to vector<16xf32>
      %add3A_631 = arith.constant 0 : i32
      %add3A_632 = arith.addi %add3A_631, %scan3A_564 : i32
      %swap3A_633 = arith.index_cast %add3A_632 : i32 to index
      %swap3A_634 = arith.constant 32 : index
      %swap3A_635 = tpu.vector_load %arg7[%swap3A_633, %swap3A_634] {strides = array<i32>} : memref<256x128xf32, #tpu.memory_space<vmem>>, vector<1x16xf32>,
      %swap3A_636 = vector.shape_cast %swap3A_635 : vector<1x16xf32> to vector<16xf32>
      %swap3A_637 = vector.shape_cast %get3A_630 : vector<16xf32> to vector<1x16xf32>
      tpu.vector_store %arg7[%swap3A_633, %swap3A_634], %swap3A_637 {add = true, strides = array<i32>} : memref<256x128xf32, #tpu.memory_space<vmem>>, vector<1x16xf32>,
      %add3A_638 = arith.constant 64 : i32
      %add3A_639 = arith.addi %add3A_638, %scan3A_564 : i32
      %swap3A_640 = arith.index_cast %add3A_639 : i32 to index
      %swap3A_641 = arith.constant 32 : index
      %swap3A_642 = tpu.vector_load %arg7[%swap3A_640, %swap3A_641] {strides = array<i32>} : memref<256x128xf32, #tpu.memory_space<vmem>>, vector<1x16xf32>,
      %swap3A_643 = vector.shape_cast %swap3A_642 : vector<1x16xf32> to vector<16xf32>
      %swap3A_644 = vector.shape_cast %get3A_630 : vector<16xf32> to vector<1x16xf32>
      tpu.vector_store %arg7[%swap3A_640, %swap3A_641], %swap3A_644 {add = true, strides = array<i32>} : memref<256x128xf32, #tpu.memory_space<vmem>>, vector<1x16xf32>,
      %add3A_645 = arith.constant 128 : i32
      %add3A_646 = arith.addi %add3A_645, %scan3A_564 : i32
      %swap3A_647 = arith.index_cast %add3A_646 : i32 to index
      %swap3A_648 = arith.constant 32 : index
      %swap3A_649 = tpu.vector_load %arg7[%swap3A_647, %swap3A_648] {strides = array<i32>} : memref<256x128xf32, #tpu.memory_space<vmem>>, vector<1x16xf32>,
      %swap3A_650 = vector.shape_cast %swap3A_649 : vector<1x16xf32> to vector<16xf32>
      %swap3A_651 = vector.shape_cast %get3A_630 : vector<16xf32> to vector<1x16xf32>
      tpu.vector_store %arg7[%swap3A_647, %swap3A_648], %swap3A_651 {add = true, strides = array<i32>} : memref<256x128xf32, #tpu.memory_space<vmem>>, vector<1x16xf32>,
      %add3A_652 = arith.constant 192 : i32
      %add3A_653 = arith.addi %add3A_652, %scan3A_564 : i32
      %swap3A_654 = arith.index_cast %add3A_653 : i32 to index
      %swap3A_655 = arith.constant 32 : index
      %swap3A_656 = tpu.vector_load %arg7[%swap3A_654, %swap3A_655] {strides = array<i32>} : memref<256x128xf32, #tpu.memory_space<vmem>>, vector<1x16xf32>,
      %swap3A_657 = vector.shape_cast %swap3A_656 : vector<1x16xf32> to vector<16xf32>
      %swap3A_658 = vector.shape_cast %get3A_630 : vector<16xf32> to vector<1x16xf32>
      tpu.vector_store %arg7[%swap3A_654, %swap3A_655], %swap3A_658 {add = true, strides = array<i32>} : memref<256x128xf32, #tpu.memory_space<vmem>>, vector<1x16xf32>,
      %get3A_659 = arith.index_cast %scan3A_564 : i32 to index
      %get3A_660 = arith.constant 48 : index
      %get3A_661 = tpu.vector_load %arg8[%get3A_659, %get3A_660] {strides = array<i32>} : memref<64x128xf32, #tpu.memory_space<vmem>>, vector<1x16xf32>,
      %get3A_662 = vector.shape_cast %get3A_661 : vector<1x16xf32> to vector<16xf32>
      %add3A_663 = arith.constant 0 : i32
      %add3A_664 = arith.addi %add3A_663, %scan3A_564 : i32
      %swap3A_665 = arith.index_cast %add3A_664 : i32 to index
      %swap3A_666 = arith.constant 48 : index
      %swap3A_667 = tpu.vector_load %arg7[%swap3A_665, %swap3A_666] {strides = array<i32>} : memref<256x128xf32, #tpu.memory_space<vmem>>, vector<1x16xf32>,
      %swap3A_668 = vector.shape_cast %swap3A_667 : vector<1x16xf32> to vector<16xf32>
      %swap3A_669 = vector.shape_cast %get3A_662 : vector<16xf32> to vector<1x16xf32>
      tpu.vector_store %arg7[%swap3A_665, %swap3A_666], %swap3A_669 {add = true, strides = array<i32>} : memref<256x128xf32, #tpu.memory_space<vmem>>, vector<1x16xf32>,
      %add3A_670 = arith.constant 64 : i32
      %add3A_671 = arith.addi %add3A_670, %scan3A_564 : i32
      %swap3A_672 = arith.index_cast %add3A_671 : i32 to index
      %swap3A_673 = arith.constant 48 : index
      %swap3A_674 = tpu.vector_load %arg7[%swap3A_672, %swap3A_673] {strides = array<i32>} : memref<256x128xf32, #tpu.memory_space<vmem>>, vector<1x16xf32>,
      %swap3A_675 = vector.shape_cast %swap3A_674 : vector<1x16xf32> to vector<16xf32>
      %swap3A_676 = vector.shape_cast %get3A_662 : vector<16xf32> to vector<1x16xf32>
      tpu.vector_store %arg7[%swap3A_672, %swap3A_673], %swap3A_676 {add = true, strides = array<i32>} : memref<256x128xf32, #tpu.memory_space<vmem>>, vector<1x16xf32>,
      %add3A_677 = arith.constant 128 : i32
      %add3A_678 = arith.addi %add3A_677, %scan3A_564 : i32
      %swap3A_679 = arith.index_cast %add3A_678 : i32 to index
      %swap3A_680 = arith.constant 48 : index
      %swap3A_681 = tpu.vector_load %arg7[%swap3A_679, %swap3A_680] {strides = array<i32>} : memref<256x128xf32, #tpu.memory_space<vmem>>, vector<1x16xf32>,
      %swap3A_682 = vector.shape_cast %swap3A_681 : vector<1x16xf32> to vector<16xf32>
      %swap3A_683 = vector.shape_cast %get3A_662 : vector<16xf32> to vector<1x16xf32>
      tpu.vector_store %arg7[%swap3A_679, %swap3A_680], %swap3A_683 {add = true, strides = array<i32>} : memref<256x128xf32, #tpu.memory_space<vmem>>, vector<1x16xf32>,
      %add3A_684 = arith.constant 192 : i32
      %add3A_685 = arith.addi %add3A_684, %scan3A_564 : i32
      %swap3A_686 = arith.index_cast %add3A_685 : i32 to index
      %swap3A_687 = arith.constant 48 : index
      %swap3A_688 = tpu.vector_load %arg7[%swap3A_686, %swap3A_687] {strides = array<i32>} : memref<256x128xf32, #tpu.memory_space<vmem>>, vector<1x16xf32>,
      %swap3A_689 = vector.shape_cast %swap3A_688 : vector<1x16xf32> to vector<16xf32>
      %swap3A_690 = vector.shape_cast %get3A_662 : vector<16xf32> to vector<1x16xf32>
      tpu.vector_store %arg7[%swap3A_686, %swap3A_687], %swap3A_690 {add = true, strides = array<i32>} : memref<256x128xf32, #tpu.memory_space<vmem>>, vector<1x16xf32>,
      %get3A_691 = arith.index_cast %scan3A_564 : i32 to index
      %get3A_692 = arith.constant 64 : index
      %get3A_693 = tpu.vector_load %arg8[%get3A_691, %get3A_692] {strides = array<i32>} : memref<64x128xf32, #tpu.memory_space<vmem>>, vector<1x16xf32>,
      %get3A_694 = vector.shape_cast %get3A_693 : vector<1x16xf32> to vector<16xf32>
      %add3A_695 = arith.constant 0 : i32
      %add3A_696 = arith.addi %add3A_695, %scan3A_564 : i32
      %swap3A_697 = arith.index_cast %add3A_696 : i32 to index
      %swap3A_698 = arith.constant 64 : index
      %swap3A_699 = tpu.vector_load %arg7[%swap3A_697, %swap3A_698] {strides = array<i32>} : memref<256x128xf32, #tpu.memory_space<vmem>>, vector<1x16xf32>,
      %swap3A_700 = vector.shape_cast %swap3A_699 : vector<1x16xf32> to vector<16xf32>
      %swap3A_701 = vector.shape_cast %get3A_694 : vector<16xf32> to vector<1x16xf32>
      tpu.vector_store %arg7[%swap3A_697, %swap3A_698], %swap3A_701 {add = true, strides = array<i32>} : memref<256x128xf32, #tpu.memory_space<vmem>>, vector<1x16xf32>,
      %add3A_702 = arith.constant 64 : i32
      %add3A_703 = arith.addi %add3A_702, %scan3A_564 : i32
      %swap3A_704 = arith.index_cast %add3A_703 : i32 to index
      %swap3A_705 = arith.constant 64 : index
      %swap3A_706 = tpu.vector_load %arg7[%swap3A_704, %swap3A_705] {strides = array<i32>} : memref<256x128xf32, #tpu.memory_space<vmem>>, vector<1x16xf32>,
      %swap3A_707 = vector.shape_cast %swap3A_706 : vector<1x16xf32> to vector<16xf32>
      %swap3A_708 = vector.shape_cast %get3A_694 : vector<16xf32> to vector<1x16xf32>
      tpu.vector_store %arg7[%swap3A_704, %swap3A_705], %swap3A_708 {add = true, strides = array<i32>} : memref<256x128xf32, #tpu.memory_space<vmem>>, vector<1x16xf32>,
      %add3A_709 = arith.constant 128 : i32
      %add3A_710 = arith.addi %add3A_709, %scan3A_564 : i32
      %swap3A_711 = arith.index_cast %add3A_710 : i32 to index
      %swap3A_712 = arith.constant 64 : index
      %swap3A_713 = tpu.vector_load %arg7[%swap3A_711, %swap3A_712] {strides = array<i32>} : memref<256x128xf32, #tpu.memory_space<vmem>>, vector<1x16xf32>,
      %swap3A_714 = vector.shape_cast %swap3A_713 : vector<1x16xf32> to vector<16xf32>
      %swap3A_715 = vector.shape_cast %get3A_694 : vector<16xf32> to vector<1x16xf32>
      tpu.vector_store %arg7[%swap3A_711, %swap3A_712], %swap3A_715 {add = true, strides = array<i32>} : memref<256x128xf32, #tpu.memory_space<vmem>>, vector<1x16xf32>,
      %add3A_716 = arith.constant 192 : i32
      %add3A_717 = arith.addi %add3A_716, %scan3A_564 : i32
      %swap3A_718 = arith.index_cast %add3A_717 : i32 to index
      %swap3A_719 = arith.constant 64 : index
      %swap3A_720 = tpu.vector_load %arg7[%swap3A_718, %swap3A_719] {strides = array<i32>} : memref<256x128xf32, #tpu.memory_space<vmem>>, vector<1x16xf32>,
      %swap3A_721 = vector.shape_cast %swap3A_720 : vector<1x16xf32> to vector<16xf32>
      %swap3A_722 = vector.shape_cast %get3A_694 : vector<16xf32> to vector<1x16xf32>
      tpu.vector_store %arg7[%swap3A_718, %swap3A_719], %swap3A_722 {add = true, strides = array<i32>} : memref<256x128xf32, #tpu.memory_space<vmem>>, vector<1x16xf32>,
      %get3A_723 = arith.index_cast %scan3A_564 : i32 to index
      %get3A_724 = arith.constant 80 : index
      %get3A_725 = tpu.vector_load %arg8[%get3A_723, %get3A_724] {strides = array<i32>} : memref<64x128xf32, #tpu.memory_space<vmem>>, vector<1x16xf32>,
      %get3A_726 = vector.shape_cast %get3A_725 : vector<1x16xf32> to vector<16xf32>
      %add3A_727 = arith.constant 0 : i32
      %add3A_728 = arith.addi %add3A_727, %scan3A_564 : i32
      %swap3A_729 = arith.index_cast %add3A_728 : i32 to index
      %swap3A_730 = arith.constant 80 : index
      %swap3A_731 = tpu.vector_load %arg7[%swap3A_729, %swap3A_730] {strides = array<i32>} : memref<256x128xf32, #tpu.memory_space<vmem>>, vector<1x16xf32>,
      %swap3A_732 = vector.shape_cast %swap3A_731 : vector<1x16xf32> to vector<16xf32>
      %swap3A_733 = vector.shape_cast %get3A_726 : vector<16xf32> to vector<1x16xf32>
      tpu.vector_store %arg7[%swap3A_729, %swap3A_730], %swap3A_733 {add = true, strides = array<i32>} : memref<256x128xf32, #tpu.memory_space<vmem>>, vector<1x16xf32>,
      %add3A_734 = arith.constant 64 : i32
      %add3A_735 = arith.addi %add3A_734, %scan3A_564 : i32
      %swap3A_736 = arith.index_cast %add3A_735 : i32 to index
      %swap3A_737 = arith.constant 80 : index
      %swap3A_738 = tpu.vector_load %arg7[%swap3A_736, %swap3A_737] {strides = array<i32>} : memref<256x128xf32, #tpu.memory_space<vmem>>, vector<1x16xf32>,
      %swap3A_739 = vector.shape_cast %swap3A_738 : vector<1x16xf32> to vector<16xf32>
      %swap3A_740 = vector.shape_cast %get3A_726 : vector<16xf32> to vector<1x16xf32>
      tpu.vector_store %arg7[%swap3A_736, %swap3A_737], %swap3A_740 {add = true, strides = array<i32>} : memref<256x128xf32, #tpu.memory_space<vmem>>, vector<1x16xf32>,
      %add3A_741 = arith.constant 128 : i32
      %add3A_742 = arith.addi %add3A_741, %scan3A_564 : i32
      %swap3A_743 = arith.index_cast %add3A_742 : i32 to index
      %swap3A_744 = arith.constant 80 : index
      %swap3A_745 = tpu.vector_load %arg7[%swap3A_743, %swap3A_744] {strides = array<i32>} : memref<256x128xf32, #tpu.memory_space<vmem>>, vector<1x16xf32>,
      %swap3A_746 = vector.shape_cast %swap3A_745 : vector<1x16xf32> to vector<16xf32>
      %swap3A_747 = vector.shape_cast %get3A_726 : vector<16xf32> to vector<1x16xf32>
      tpu.vector_store %arg7[%swap3A_743, %swap3A_744], %swap3A_747 {add = true, strides = array<i32>} : memref<256x128xf32, #tpu.memory_space<vmem>>, vector<1x16xf32>,
      %add3A_748 = arith.constant 192 : i32
      %add3A_749 = arith.addi %add3A_748, %scan3A_564 : i32
      %swap3A_750 = arith.index_cast %add3A_749 : i32 to index
      %swap3A_751 = arith.constant 80 : index
      %swap3A_752 = tpu.vector_load %arg7[%swap3A_750, %swap3A_751] {strides = array<i32>} : memref<256x128xf32, #tpu.memory_space<vmem>>, vector<1x16xf32>,
      %swap3A_753 = vector.shape_cast %swap3A_752 : vector<1x16xf32> to vector<16xf32>
      %swap3A_754 = vector.shape_cast %get3A_726 : vector<16xf32> to vector<1x16xf32>
      tpu.vector_store %arg7[%swap3A_750, %swap3A_751], %swap3A_754 {add = true, strides = array<i32>} : memref<256x128xf32, #tpu.memory_space<vmem>>, vector<1x16xf32>,
      %get3A_755 = arith.index_cast %scan3A_564 : i32 to index
      %get3A_756 = arith.constant 96 : index
      %get3A_757 = tpu.vector_load %arg8[%get3A_755, %get3A_756] {strides = array<i32>} : memref<64x128xf32, #tpu.memory_space<vmem>>, vector<1x16xf32>,
      %get3A_758 = vector.shape_cast %get3A_757 : vector<1x16xf32> to vector<16xf32>
      %add3A_759 = arith.constant 0 : i32
      %add3A_760 = arith.addi %add3A_759, %scan3A_564 : i32
      %swap3A_761 = arith.index_cast %add3A_760 : i32 to index
      %swap3A_762 = arith.constant 96 : index
      %swap3A_763 = tpu.vector_load %arg7[%swap3A_761, %swap3A_762] {strides = array<i32>} : memref<256x128xf32, #tpu.memory_space<vmem>>, vector<1x16xf32>,
      %swap3A_764 = vector.shape_cast %swap3A_763 : vector<1x16xf32> to vector<16xf32>
      %swap3A_765 = vector.shape_cast %get3A_758 : vector<16xf32> to vector<1x16xf32>
      tpu.vector_store %arg7[%swap3A_761, %swap3A_762], %swap3A_765 {add = true, strides = array<i32>} : memref<256x128xf32, #tpu.memory_space<vmem>>, vector<1x16xf32>,
      %add3A_766 = arith.constant 64 : i32
      %add3A_767 = arith.addi %add3A_766, %scan3A_564 : i32
      %swap3A_768 = arith.index_cast %add3A_767 : i32 to index
      %swap3A_769 = arith.constant 96 : index
      %swap3A_770 = tpu.vector_load %arg7[%swap3A_768, %swap3A_769] {strides = array<i32>} : memref<256x128xf32, #tpu.memory_space<vmem>>, vector<1x16xf32>,
      %swap3A_771 = vector.shape_cast %swap3A_770 : vector<1x16xf32> to vector<16xf32>
      %swap3A_772 = vector.shape_cast %get3A_758 : vector<16xf32> to vector<1x16xf32>
      tpu.vector_store %arg7[%swap3A_768, %swap3A_769], %swap3A_772 {add = true, strides = array<i32>} : memref<256x128xf32, #tpu.memory_space<vmem>>, vector<1x16xf32>,
      %add3A_773 = arith.constant 128 : i32
      %add3A_774 = arith.addi %add3A_773, %scan3A_564 : i32
      %swap3A_775 = arith.index_cast %add3A_774 : i32 to index
      %swap3A_776 = arith.constant 96 : index
      %swap3A_777 = tpu.vector_load %arg7[%swap3A_775, %swap3A_776] {strides = array<i32>} : memref<256x128xf32, #tpu.memory_space<vmem>>, vector<1x16xf32>,
      %swap3A_778 = vector.shape_cast %swap3A_777 : vector<1x16xf32> to vector<16xf32>
      %swap3A_779 = vector.shape_cast %get3A_758 : vector<16xf32> to vector<1x16xf32>
      tpu.vector_store %arg7[%swap3A_775, %swap3A_776], %swap3A_779 {add = true, strides = array<i32>} : memref<256x128xf32, #tpu.memory_space<vmem>>, vector<1x16xf32>,
      %add3A_780 = arith.constant 192 : i32
      %add3A_781 = arith.addi %add3A_780, %scan3A_564 : i32
      %swap3A_782 = arith.index_cast %add3A_781 : i32 to index
      %swap3A_783 = arith.constant 96 : index
      %swap3A_784 = tpu.vector_load %arg7[%swap3A_782, %swap3A_783] {strides = array<i32>} : memref<256x128xf32, #tpu.memory_space<vmem>>, vector<1x16xf32>,
      %swap3A_785 = vector.shape_cast %swap3A_784 : vector<1x16xf32> to vector<16xf32>
      %swap3A_786 = vector.shape_cast %get3A_758 : vector<16xf32> to vector<1x16xf32>
      tpu.vector_store %arg7[%swap3A_782, %swap3A_783], %swap3A_786 {add = true, strides = array<i32>} : memref<256x128xf32, #tpu.memory_space<vmem>>, vector<1x16xf32>,
      %get3A_787 = arith.index_cast %scan3A_564 : i32 to index
      %get3A_788 = arith.constant 112 : index
      %get3A_789 = tpu.vector_load %arg8[%get3A_787, %get3A_788] {strides = array<i32>} : memref<64x128xf32, #tpu.memory_space<vmem>>, vector<1x16xf32>,
      %get3A_790 = vector.shape_cast %get3A_789 : vector<1x16xf32> to vector<16xf32>
      %add3A_791 = arith.constant 0 : i32
      %add3A_792 = arith.addi %add3A_791, %scan3A_564 : i32
      %swap3A_793 = arith.index_cast %add3A_792 : i32 to index
      %swap3A_794 = arith.constant 112 : index
      %swap3A_795 = tpu.vector_load %arg7[%swap3A_793, %swap3A_794] {strides = array<i32>} : memref<256x128xf32, #tpu.memory_space<vmem>>, vector<1x16xf32>,
      %swap3A_796 = vector.shape_cast %swap3A_795 : vector<1x16xf32> to vector<16xf32>
      %swap3A_797 = vector.shape_cast %get3A_790 : vector<16xf32> to vector<1x16xf32>
      tpu.vector_store %arg7[%swap3A_793, %swap3A_794], %swap3A_797 {add = true, strides = array<i32>} : memref<256x128xf32, #tpu.memory_space<vmem>>, vector<1x16xf32>,
      %add3A_798 = arith.constant 64 : i32
      %add3A_799 = arith.addi %add3A_798, %scan3A_564 : i32
      %swap3A_800 = arith.index_cast %add3A_799 : i32 to index
      %swap3A_801 = arith.constant 112 : index
      %swap3A_802 = tpu.vector_load %arg7[%swap3A_800, %swap3A_801] {strides = array<i32>} : memref<256x128xf32, #tpu.memory_space<vmem>>, vector<1x16xf32>,
      %swap3A_803 = vector.shape_cast %swap3A_802 : vector<1x16xf32> to vector<16xf32>
      %swap3A_804 = vector.shape_cast %get3A_790 : vector<16xf32> to vector<1x16xf32>
      tpu.vector_store %arg7[%swap3A_800, %swap3A_801], %swap3A_804 {add = true, strides = array<i32>} : memref<256x128xf32, #tpu.memory_space<vmem>>, vector<1x16xf32>,
      %add3A_805 = arith.constant 128 : i32
      %add3A_806 = arith.addi %add3A_805, %scan3A_564 : i32
      %swap3A_807 = arith.index_cast %add3A_806 : i32 to index
      %swap3A_808 = arith.constant 112 : index
      %swap3A_809 = tpu.vector_load %arg7[%swap3A_807, %swap3A_808] {strides = array<i32>} : memref<256x128xf32, #tpu.memory_space<vmem>>, vector<1x16xf32>,
      %swap3A_810 = vector.shape_cast %swap3A_809 : vector<1x16xf32> to vector<16xf32>
      %swap3A_811 = vector.shape_cast %get3A_790 : vector<16xf32> to vector<1x16xf32>
      tpu.vector_store %arg7[%swap3A_807, %swap3A_808], %swap3A_811 {add = true, strides = array<i32>} : memref<256x128xf32, #tpu.memory_space<vmem>>, vector<1x16xf32>,
      %add3A_812 = arith.constant 192 : i32
      %add3A_813 = arith.addi %add3A_812, %scan3A_564 : i32
      %swap3A_814 = arith.index_cast %add3A_813 : i32 to index
      %swap3A_815 = arith.constant 112 : index
      %swap3A_816 = tpu.vector_load %arg7[%swap3A_814, %swap3A_815] {strides = array<i32>} : memref<256x128xf32, #tpu.memory_space<vmem>>, vector<1x16xf32>,
      %swap3A_817 = vector.shape_cast %swap3A_816 : vector<1x16xf32> to vector<16xf32>
      %swap3A_818 = vector.shape_cast %get3A_790 : vector<16xf32> to vector<1x16xf32>
      tpu.vector_store %arg7[%swap3A_814, %swap3A_815], %swap3A_818 {add = true, strides = array<i32>} : memref<256x128xf32, #tpu.memory_space<vmem>>, vector<1x16xf32>,
    }
    %scan3A_161 = arith.constant 16 : i32
    %add3A_162 = arith.constant 0 : i32
    %add3A_163 = arith.addi %add3A_162, %mul3A_2 : i32
    %add3A_164 = arith.constant 0 : i32
    %add3A_165 = arith.addi %add3A_163, %add3A_164 : i32
    %dma_start3A_166 = arith.constant 0 : i32
    %dma_start3A_167 = arith.constant 0 : i32
    %dma_start3A_168 = tpu.memref_slice %arg7[%dma_start3A_166, %dma_start3A_167] : memref<256x128xf32, #tpu.memory_space<vmem>> -> memref<16x128xf32, #tpu.memory_space<vmem>>
    %dma_start3A_169 = arith.constant 0 : i32
    %dma_start3A_170 = tpu.memref_slice %arg5[%add3A_165, %dma_start3A_169] : memref<8192x128xf32, #tpu.memory_space<hbm>> -> memref<16x128xf32, #tpu.memory_space<hbm>>
    %dma_start3A_171 = arith.constant 0 : i32
    %dma_start3A_172 = tpu.memref_slice %arg5[%add3A_165, %dma_start3A_171] : memref<8192x128xf32, #tpu.memory_space<hbm>> -> memref<16x128xf32, #tpu.memory_space<hbm>>
    %dma_start3A_173 = arith.constant 0 : i32
    %dma_start3A_174 = arith.constant 0 : i32
    %dma_start3A_175 = tpu.memref_slice %arg7[%dma_start3A_173, %dma_start3A_174] : memref<256x128xf32, #tpu.memory_space<vmem>> -> memref<16x128xf32, #tpu.memory_space<vmem>>
    tpu.enqueue_dma source(%dma_start3A_175 : memref<16x128xf32, #tpu.memory_space<vmem>>) target(%dma_start3A_172 : memref<16x128xf32, #tpu.memory_space<hbm>>) target_semaphore(%arg12 : memref<!tpu.dma_semaphore, #tpu.memory_space<semaphore_mem>>)
    %add3A_176 = arith.constant 2048 : i32
    %add3A_177 = arith.addi %add3A_176, %mul3A_2 : i32
    %add3A_178 = arith.constant 0 : i32
    %add3A_179 = arith.addi %add3A_177, %add3A_178 : i32
    %dma_start3A_180 = arith.constant 64 : i32
    %dma_start3A_181 = arith.constant 0 : i32
    %dma_start3A_182 = tpu.memref_slice %arg7[%dma_start3A_180, %dma_start3A_181] : memref<256x128xf32, #tpu.memory_space<vmem>> -> memref<16x128xf32, #tpu.memory_space<vmem>>
    %dma_start3A_183 = arith.constant 0 : i32
    %dma_start3A_184 = tpu.memref_slice %arg5[%add3A_179, %dma_start3A_183] : memref<8192x128xf32, #tpu.memory_space<hbm>> -> memref<16x128xf32, #tpu.memory_space<hbm>>
    %dma_start3A_185 = arith.constant 0 : i32
    %dma_start3A_186 = tpu.memref_slice %arg5[%add3A_179, %dma_start3A_185] : memref<8192x128xf32, #tpu.memory_space<hbm>> -> memref<16x128xf32, #tpu.memory_space<hbm>>
    %dma_start3A_187 = arith.constant 64 : i32
    %dma_start3A_188 = arith.constant 0 : i32
    %dma_start3A_189 = tpu.memref_slice %arg7[%dma_start3A_187, %dma_start3A_188] : memref<256x128xf32, #tpu.memory_space<vmem>> -> memref<16x128xf32, #tpu.memory_space<vmem>>
    tpu.enqueue_dma source(%dma_start3A_189 : memref<16x128xf32, #tpu.memory_space<vmem>>) target(%dma_start3A_186 : memref<16x128xf32, #tpu.memory_space<hbm>>) target_semaphore(%arg12 : memref<!tpu.dma_semaphore, #tpu.memory_space<semaphore_mem>>)
    %add3A_190 = arith.constant 4096 : i32
    %add3A_191 = arith.addi %add3A_190, %mul3A_2 : i32
    %add3A_192 = arith.constant 0 : i32
    %add3A_193 = arith.addi %add3A_191, %add3A_192 : i32
    %dma_start3A_194 = arith.constant 128 : i32
    %dma_start3A_195 = arith.constant 0 : i32
    %dma_start3A_196 = tpu.memref_slice %arg7[%dma_start3A_194, %dma_start3A_195] : memref<256x128xf32, #tpu.memory_space<vmem>> -> memref<16x128xf32, #tpu.memory_space<vmem>>
    %dma_start3A_197 = arith.constant 0 : i32
    %dma_start3A_198 = tpu.memref_slice %arg5[%add3A_193, %dma_start3A_197] : memref<8192x128xf32, #tpu.memory_space<hbm>> -> memref<16x128xf32, #tpu.memory_space<hbm>>
    %dma_start3A_199 = arith.constant 0 : i32
    %dma_start3A_200 = tpu.memref_slice %arg5[%add3A_193, %dma_start3A_199] : memref<8192x128xf32, #tpu.memory_space<hbm>> -> memref<16x128xf32, #tpu.memory_space<hbm>>
    %dma_start3A_201 = arith.constant 128 : i32
    %dma_start3A_202 = arith.constant 0 : i32
    %dma_start3A_203 = tpu.memref_slice %arg7[%dma_start3A_201, %dma_start3A_202] : memref<256x128xf32, #tpu.memory_space<vmem>> -> memref<16x128xf32, #tpu.memory_space<vmem>>
    tpu.enqueue_dma source(%dma_start3A_203 : memref<16x128xf32, #tpu.memory_space<vmem>>) target(%dma_start3A_200 : memref<16x128xf32, #tpu.memory_space<hbm>>) target_semaphore(%arg12 : memref<!tpu.dma_semaphore, #tpu.memory_space<semaphore_mem>>)
    %add3A_204 = arith.constant 6144 : i32
    %add3A_205 = arith.addi %add3A_204, %mul3A_2 : i32
    %add3A_206 = arith.constant 0 : i32
    %add3A_207 = arith.addi %add3A_205, %add3A_206 : i32
    %dma_start3A_208 = arith.constant 192 : i32
    %dma_start3A_209 = arith.constant 0 : i32
    %dma_start3A_210 = tpu.memref_slice %arg7[%dma_start3A_208, %dma_start3A_209] : memref<256x128xf32, #tpu.memory_space<vmem>> -> memref<16x128xf32, #tpu.memory_space<vmem>>
    %dma_start3A_211 = arith.constant 0 : i32
    %dma_start3A_212 = tpu.memref_slice %arg5[%add3A_207, %dma_start3A_211] : memref<8192x128xf32, #tpu.memory_space<hbm>> -> memref<16x128xf32, #tpu.memory_space<hbm>>
    %dma_start3A_213 = arith.constant 0 : i32
    %dma_start3A_214 = tpu.memref_slice %arg5[%add3A_207, %dma_start3A_213] : memref<8192x128xf32, #tpu.memory_space<hbm>> -> memref<16x128xf32, #tpu.memory_space<hbm>>
    %dma_start3A_215 = arith.constant 192 : i32
    %dma_start3A_216 = arith.constant 0 : i32
    %dma_start3A_217 = tpu.memref_slice %arg7[%dma_start3A_215, %dma_start3A_216] : memref<256x128xf32, #tpu.memory_space<vmem>> -> memref<16x128xf32, #tpu.memory_space<vmem>>
    tpu.enqueue_dma source(%dma_start3A_217 : memref<16x128xf32, #tpu.memory_space<vmem>>) target(%dma_start3A_214 : memref<16x128xf32, #tpu.memory_space<hbm>>) target_semaphore(%arg12 : memref<!tpu.dma_semaphore, #tpu.memory_space<semaphore_mem>>)
    %scan3A_218 = arith.constant 0 : i32
    %scan3A_219 = arith.constant 16 : i32
    %scan3A_220 = arith.constant 16 : i32
    %scan3A_221 = arith.addi %scan3A_219, %scan3A_220 : i32
    %scan3A_222 = arith.constant 1 : i32
    scf.for %scan3A_564 = %scan3A_219 to %scan3A_221 step %scan3A_222  : i32 {
      %get3A = arith.index_cast %scan3A_564 : i32 to index
      %get3A_565 = arith.constant 0 : index
      %get3A_566 = tpu.vector_load %arg8[%get3A, %get3A_565] {strides = array<i32>} : memref<64x128xf32, #tpu.memory_space<vmem>>, vector<1x16xf32>,
      %get3A_567 = vector.shape_cast %get3A_566 : vector<1x16xf32> to vector<16xf32>
      %add3A_568 = arith.constant 0 : i32
      %add3A_569 = arith.addi %add3A_568, %scan3A_564 : i32
      %swap3A = arith.index_cast %add3A_569 : i32 to index
      %swap3A_570 = arith.constant 0 : index
      %swap3A_571 = tpu.vector_load %arg7[%swap3A, %swap3A_570] {strides = array<i32>} : memref<256x128xf32, #tpu.memory_space<vmem>>, vector<1x16xf32>,
      %swap3A_572 = vector.shape_cast %swap3A_571 : vector<1x16xf32> to vector<16xf32>
      %swap3A_573 = vector.shape_cast %get3A_567 : vector<16xf32> to vector<1x16xf32>
      tpu.vector_store %arg7[%swap3A, %swap3A_570], %swap3A_573 {add = true, strides = array<i32>} : memref<256x128xf32, #tpu.memory_space<vmem>>, vector<1x16xf32>,
      %add3A_574 = arith.constant 64 : i32
      %add3A_575 = arith.addi %add3A_574, %scan3A_564 : i32
      %swap3A_576 = arith.index_cast %add3A_575 : i32 to index
      %swap3A_577 = arith.constant 0 : index
      %swap3A_578 = tpu.vector_load %arg7[%swap3A_576, %swap3A_577] {strides = array<i32>} : memref<256x128xf32, #tpu.memory_space<vmem>>, vector<1x16xf32>,
      %swap3A_579 = vector.shape_cast %swap3A_578 : vector<1x16xf32> to vector<16xf32>
      %swap3A_580 = vector.shape_cast %get3A_567 : vector<16xf32> to vector<1x16xf32>
      tpu.vector_store %arg7[%swap3A_576, %swap3A_577], %swap3A_580 {add = true, strides = array<i32>} : memref<256x128xf32, #tpu.memory_space<vmem>>, vector<1x16xf32>,
      %add3A_581 = arith.constant 128 : i32
      %add3A_582 = arith.addi %add3A_581, %scan3A_564 : i32
      %swap3A_583 = arith.index_cast %add3A_582 : i32 to index
      %swap3A_584 = arith.constant 0 : index
      %swap3A_585 = tpu.vector_load %arg7[%swap3A_583, %swap3A_584] {strides = array<i32>} : memref<256x128xf32, #tpu.memory_space<vmem>>, vector<1x16xf32>,
      %swap3A_586 = vector.shape_cast %swap3A_585 : vector<1x16xf32> to vector<16xf32>
      %swap3A_587 = vector.shape_cast %get3A_567 : vector<16xf32> to vector<1x16xf32>
      tpu.vector_store %arg7[%swap3A_583, %swap3A_584], %swap3A_587 {add = true, strides = array<i32>} : memref<256x128xf32, #tpu.memory_space<vmem>>, vector<1x16xf32>,
      %add3A_588 = arith.constant 192 : i32
      %add3A_589 = arith.addi %add3A_588, %scan3A_564 : i32
      %swap3A_590 = arith.index_cast %add3A_589 : i32 to index
      %swap3A_591 = arith.constant 0 : index
      %swap3A_592 = tpu.vector_load %arg7[%swap3A_590, %swap3A_591] {strides = array<i32>} : memref<256x128xf32, #tpu.memory_space<vmem>>, vector<1x16xf32>,
      %swap3A_593 = vector.shape_cast %swap3A_592 : vector<1x16xf32> to vector<16xf32>
      %swap3A_594 = vector.shape_cast %get3A_567 : vector<16xf32> to vector<1x16xf32>
      tpu.vector_store %arg7[%swap3A_590, %swap3A_591], %swap3A_594 {add = true, strides = array<i32>} : memref<256x128xf32, #tpu.memory_space<vmem>>, vector<1x16xf32>,
      %get3A_595 = arith.index_cast %scan3A_564 : i32 to index
      %get3A_596 = arith.constant 16 : index
      %get3A_597 = tpu.vector_load %arg8[%get3A_595, %get3A_596] {strides = array<i32>} : memref<64x128xf32, #tpu.memory_space<vmem>>, vector<1x16xf32>,
      %get3A_598 = vector.shape_cast %get3A_597 : vector<1x16xf32> to vector<16xf32>
      %add3A_599 = arith.constant 0 : i32
      %add3A_600 = arith.addi %add3A_599, %scan3A_564 : i32
      %swap3A_601 = arith.index_cast %add3A_600 : i32 to index
      %swap3A_602 = arith.constant 16 : index
      %swap3A_603 = tpu.vector_load %arg7[%swap3A_601, %swap3A_602] {strides = array<i32>} : memref<256x128xf32, #tpu.memory_space<vmem>>, vector<1x16xf32>,
      %swap3A_604 = vector.shape_cast %swap3A_603 : vector<1x16xf32> to vector<16xf32>
      %swap3A_605 = vector.shape_cast %get3A_598 : vector<16xf32> to vector<1x16xf32>
      tpu.vector_store %arg7[%swap3A_601, %swap3A_602], %swap3A_605 {add = true, strides = array<i32>} : memref<256x128xf32, #tpu.memory_space<vmem>>, vector<1x16xf32>,
      %add3A_606 = arith.constant 64 : i32
      %add3A_607 = arith.addi %add3A_606, %scan3A_564 : i32
      %swap3A_608 = arith.index_cast %add3A_607 : i32 to index
      %swap3A_609 = arith.constant 16 : index
      %swap3A_610 = tpu.vector_load %arg7[%swap3A_608, %swap3A_609] {strides = array<i32>} : memref<256x128xf32, #tpu.memory_space<vmem>>, vector<1x16xf32>,
      %swap3A_611 = vector.shape_cast %swap3A_610 : vector<1x16xf32> to vector<16xf32>
      %swap3A_612 = vector.shape_cast %get3A_598 : vector<16xf32> to vector<1x16xf32>
      tpu.vector_store %arg7[%swap3A_608, %swap3A_609], %swap3A_612 {add = true, strides = array<i32>} : memref<256x128xf32, #tpu.memory_space<vmem>>, vector<1x16xf32>,
      %add3A_613 = arith.constant 128 : i32
      %add3A_614 = arith.addi %add3A_613, %scan3A_564 : i32
      %swap3A_615 = arith.index_cast %add3A_614 : i32 to index
      %swap3A_616 = arith.constant 16 : index
      %swap3A_617 = tpu.vector_load %arg7[%swap3A_615, %swap3A_616] {strides = array<i32>} : memref<256x128xf32, #tpu.memory_space<vmem>>, vector<1x16xf32>,
      %swap3A_618 = vector.shape_cast %swap3A_617 : vector<1x16xf32> to vector<16xf32>
      %swap3A_619 = vector.shape_cast %get3A_598 : vector<16xf32> to vector<1x16xf32>
      tpu.vector_store %arg7[%swap3A_615, %swap3A_616], %swap3A_619 {add = true, strides = array<i32>} : memref<256x128xf32, #tpu.memory_space<vmem>>, vector<1x16xf32>,
      %add3A_620 = arith.constant 192 : i32
      %add3A_621 = arith.addi %add3A_620, %scan3A_564 : i32
      %swap3A_622 = arith.index_cast %add3A_621 : i32 to index
      %swap3A_623 = arith.constant 16 : index
      %swap3A_624 = tpu.vector_load %arg7[%swap3A_622, %swap3A_623] {strides = array<i32>} : memref<256x128xf32, #tpu.memory_space<vmem>>, vector<1x16xf32>,
      %swap3A_625 = vector.shape_cast %swap3A_624 : vector<1x16xf32> to vector<16xf32>
      %swap3A_626 = vector.shape_cast %get3A_598 : vector<16xf32> to vector<1x16xf32>
      tpu.vector_store %arg7[%swap3A_622, %swap3A_623], %swap3A_626 {add = true, strides = array<i32>} : memref<256x128xf32, #tpu.memory_space<vmem>>, vector<1x16xf32>,
      %get3A_627 = arith.index_cast %scan3A_564 : i32 to index
      %get3A_628 = arith.constant 32 : index
      %get3A_629 = tpu.vector_load %arg8[%get3A_627, %get3A_628] {strides = array<i32>} : memref<64x128xf32, #tpu.memory_space<vmem>>, vector<1x16xf32>,
      %get3A_630 = vector.shape_cast %get3A_629 : vector<1x16xf32> to vector<16xf32>
      %add3A_631 = arith.constant 0 : i32
      %add3A_632 = arith.addi %add3A_631, %scan3A_564 : i32
      %swap3A_633 = arith.index_cast %add3A_632 : i32 to index
      %swap3A_634 = arith.constant 32 : index
      %swap3A_635 = tpu.vector_load %arg7[%swap3A_633, %swap3A_634] {strides = array<i32>} : memref<256x128xf32, #tpu.memory_space<vmem>>, vector<1x16xf32>,
      %swap3A_636 = vector.shape_cast %swap3A_635 : vector<1x16xf32> to vector<16xf32>
      %swap3A_637 = vector.shape_cast %get3A_630 : vector<16xf32> to vector<1x16xf32>
      tpu.vector_store %arg7[%swap3A_633, %swap3A_634], %swap3A_637 {add = true, strides = array<i32>} : memref<256x128xf32, #tpu.memory_space<vmem>>, vector<1x16xf32>,
      %add3A_638 = arith.constant 64 : i32
      %add3A_639 = arith.addi %add3A_638, %scan3A_564 : i32
      %swap3A_640 = arith.index_cast %add3A_639 : i32 to index
      %swap3A_641 = arith.constant 32 : index
      %swap3A_642 = tpu.vector_load %arg7[%swap3A_640, %swap3A_641] {strides = array<i32>} : memref<256x128xf32, #tpu.memory_space<vmem>>, vector<1x16xf32>,
      %swap3A_643 = vector.shape_cast %swap3A_642 : vector<1x16xf32> to vector<16xf32>
      %swap3A_644 = vector.shape_cast %get3A_630 : vector<16xf32> to vector<1x16xf32>
      tpu.vector_store %arg7[%swap3A_640, %swap3A_641], %swap3A_644 {add = true, strides = array<i32>} : memref<256x128xf32, #tpu.memory_space<vmem>>, vector<1x16xf32>,
      %add3A_645 = arith.constant 128 : i32
      %add3A_646 = arith.addi %add3A_645, %scan3A_564 : i32
      %swap3A_647 = arith.index_cast %add3A_646 : i32 to index
      %swap3A_648 = arith.constant 32 : index
      %swap3A_649 = tpu.vector_load %arg7[%swap3A_647, %swap3A_648] {strides = array<i32>} : memref<256x128xf32, #tpu.memory_space<vmem>>, vector<1x16xf32>,
      %swap3A_650 = vector.shape_cast %swap3A_649 : vector<1x16xf32> to vector<16xf32>
      %swap3A_651 = vector.shape_cast %get3A_630 : vector<16xf32> to vector<1x16xf32>
      tpu.vector_store %arg7[%swap3A_647, %swap3A_648], %swap3A_651 {add = true, strides = array<i32>} : memref<256x128xf32, #tpu.memory_space<vmem>>, vector<1x16xf32>,
      %add3A_652 = arith.constant 192 : i32
      %add3A_653 = arith.addi %add3A_652, %scan3A_564 : i32
      %swap3A_654 = arith.index_cast %add3A_653 : i32 to index
      %swap3A_655 = arith.constant 32 : index
      %swap3A_656 = tpu.vector_load %arg7[%swap3A_654, %swap3A_655] {strides = array<i32>} : memref<256x128xf32, #tpu.memory_space<vmem>>, vector<1x16xf32>,
      %swap3A_657 = vector.shape_cast %swap3A_656 : vector<1x16xf32> to vector<16xf32>
      %swap3A_658 = vector.shape_cast %get3A_630 : vector<16xf32> to vector<1x16xf32>
      tpu.vector_store %arg7[%swap3A_654, %swap3A_655], %swap3A_658 {add = true, strides = array<i32>} : memref<256x128xf32, #tpu.memory_space<vmem>>, vector<1x16xf32>,
      %get3A_659 = arith.index_cast %scan3A_564 : i32 to index
      %get3A_660 = arith.constant 48 : index
      %get3A_661 = tpu.vector_load %arg8[%get3A_659, %get3A_660] {strides = array<i32>} : memref<64x128xf32, #tpu.memory_space<vmem>>, vector<1x16xf32>,
      %get3A_662 = vector.shape_cast %get3A_661 : vector<1x16xf32> to vector<16xf32>
      %add3A_663 = arith.constant 0 : i32
      %add3A_664 = arith.addi %add3A_663, %scan3A_564 : i32
      %swap3A_665 = arith.index_cast %add3A_664 : i32 to index
      %swap3A_666 = arith.constant 48 : index
      %swap3A_667 = tpu.vector_load %arg7[%swap3A_665, %swap3A_666] {strides = array<i32>} : memref<256x128xf32, #tpu.memory_space<vmem>>, vector<1x16xf32>,
      %swap3A_668 = vector.shape_cast %swap3A_667 : vector<1x16xf32> to vector<16xf32>
      %swap3A_669 = vector.shape_cast %get3A_662 : vector<16xf32> to vector<1x16xf32>
      tpu.vector_store %arg7[%swap3A_665, %swap3A_666], %swap3A_669 {add = true, strides = array<i32>} : memref<256x128xf32, #tpu.memory_space<vmem>>, vector<1x16xf32>,
      %add3A_670 = arith.constant 64 : i32
      %add3A_671 = arith.addi %add3A_670, %scan3A_564 : i32
      %swap3A_672 = arith.index_cast %add3A_671 : i32 to index
      %swap3A_673 = arith.constant 48 : index
      %swap3A_674 = tpu.vector_load %arg7[%swap3A_672, %swap3A_673] {strides = array<i32>} : memref<256x128xf32, #tpu.memory_space<vmem>>, vector<1x16xf32>,
      %swap3A_675 = vector.shape_cast %swap3A_674 : vector<1x16xf32> to vector<16xf32>
      %swap3A_676 = vector.shape_cast %get3A_662 : vector<16xf32> to vector<1x16xf32>
      tpu.vector_store %arg7[%swap3A_672, %swap3A_673], %swap3A_676 {add = true, strides = array<i32>} : memref<256x128xf32, #tpu.memory_space<vmem>>, vector<1x16xf32>,
      %add3A_677 = arith.constant 128 : i32
      %add3A_678 = arith.addi %add3A_677, %scan3A_564 : i32
      %swap3A_679 = arith.index_cast %add3A_678 : i32 to index
      %swap3A_680 = arith.constant 48 : index
      %swap3A_681 = tpu.vector_load %arg7[%swap3A_679, %swap3A_680] {strides = array<i32>} : memref<256x128xf32, #tpu.memory_space<vmem>>, vector<1x16xf32>,
      %swap3A_682 = vector.shape_cast %swap3A_681 : vector<1x16xf32> to vector<16xf32>
      %swap3A_683 = vector.shape_cast %get3A_662 : vector<16xf32> to vector<1x16xf32>
      tpu.vector_store %arg7[%swap3A_679, %swap3A_680], %swap3A_683 {add = true, strides = array<i32>} : memref<256x128xf32, #tpu.memory_space<vmem>>, vector<1x16xf32>,
      %add3A_684 = arith.constant 192 : i32
      %add3A_685 = arith.addi %add3A_684, %scan3A_564 : i32
      %swap3A_686 = arith.index_cast %add3A_685 : i32 to index
      %swap3A_687 = arith.constant 48 : index
      %swap3A_688 = tpu.vector_load %arg7[%swap3A_686, %swap3A_687] {strides = array<i32>} : memref<256x128xf32, #tpu.memory_space<vmem>>, vector<1x16xf32>,
      %swap3A_689 = vector.shape_cast %swap3A_688 : vector<1x16xf32> to vector<16xf32>
      %swap3A_690 = vector.shape_cast %get3A_662 : vector<16xf32> to vector<1x16xf32>
      tpu.vector_store %arg7[%swap3A_686, %swap3A_687], %swap3A_690 {add = true, strides = array<i32>} : memref<256x128xf32, #tpu.memory_space<vmem>>, vector<1x16xf32>,
      %get3A_691 = arith.index_cast %scan3A_564 : i32 to index
      %get3A_692 = arith.constant 64 : index
      %get3A_693 = tpu.vector_load %arg8[%get3A_691, %get3A_692] {strides = array<i32>} : memref<64x128xf32, #tpu.memory_space<vmem>>, vector<1x16xf32>,
      %get3A_694 = vector.shape_cast %get3A_693 : vector<1x16xf32> to vector<16xf32>
      %add3A_695 = arith.constant 0 : i32
      %add3A_696 = arith.addi %add3A_695, %scan3A_564 : i32
      %swap3A_697 = arith.index_cast %add3A_696 : i32 to index
      %swap3A_698 = arith.constant 64 : index
      %swap3A_699 = tpu.vector_load %arg7[%swap3A_697, %swap3A_698] {strides = array<i32>} : memref<256x128xf32, #tpu.memory_space<vmem>>, vector<1x16xf32>,
      %swap3A_700 = vector.shape_cast %swap3A_699 : vector<1x16xf32> to vector<16xf32>
      %swap3A_701 = vector.shape_cast %get3A_694 : vector<16xf32> to vector<1x16xf32>
      tpu.vector_store %arg7[%swap3A_697, %swap3A_698], %swap3A_701 {add = true, strides = array<i32>} : memref<256x128xf32, #tpu.memory_space<vmem>>, vector<1x16xf32>,
      %add3A_702 = arith.constant 64 : i32
      %add3A_703 = arith.addi %add3A_702, %scan3A_564 : i32
      %swap3A_704 = arith.index_cast %add3A_703 : i32 to index
      %swap3A_705 = arith.constant 64 : index
      %swap3A_706 = tpu.vector_load %arg7[%swap3A_704, %swap3A_705] {strides = array<i32>} : memref<256x128xf32, #tpu.memory_space<vmem>>, vector<1x16xf32>,
      %swap3A_707 = vector.shape_cast %swap3A_706 : vector<1x16xf32> to vector<16xf32>
      %swap3A_708 = vector.shape_cast %get3A_694 : vector<16xf32> to vector<1x16xf32>
      tpu.vector_store %arg7[%swap3A_704, %swap3A_705], %swap3A_708 {add = true, strides = array<i32>} : memref<256x128xf32, #tpu.memory_space<vmem>>, vector<1x16xf32>,
      %add3A_709 = arith.constant 128 : i32
      %add3A_710 = arith.addi %add3A_709, %scan3A_564 : i32
      %swap3A_711 = arith.index_cast %add3A_710 : i32 to index
      %swap3A_712 = arith.constant 64 : index
      %swap3A_713 = tpu.vector_load %arg7[%swap3A_711, %swap3A_712] {strides = array<i32>} : memref<256x128xf32, #tpu.memory_space<vmem>>, vector<1x16xf32>,
      %swap3A_714 = vector.shape_cast %swap3A_713 : vector<1x16xf32> to vector<16xf32>
      %swap3A_715 = vector.shape_cast %get3A_694 : vector<16xf32> to vector<1x16xf32>
      tpu.vector_store %arg7[%swap3A_711, %swap3A_712], %swap3A_715 {add = true, strides = array<i32>} : memref<256x128xf32, #tpu.memory_space<vmem>>, vector<1x16xf32>,
      %add3A_716 = arith.constant 192 : i32
      %add3A_717 = arith.addi %add3A_716, %scan3A_564 : i32
      %swap3A_718 = arith.index_cast %add3A_717 : i32 to index
      %swap3A_719 = arith.constant 64 : index
      %swap3A_720 = tpu.vector_load %arg7[%swap3A_718, %swap3A_719] {strides = array<i32>} : memref<256x128xf32, #tpu.memory_space<vmem>>, vector<1x16xf32>,
      %swap3A_721 = vector.shape_cast %swap3A_720 : vector<1x16xf32> to vector<16xf32>
      %swap3A_722 = vector.shape_cast %get3A_694 : vector<16xf32> to vector<1x16xf32>
      tpu.vector_store %arg7[%swap3A_718, %swap3A_719], %swap3A_722 {add = true, strides = array<i32>} : memref<256x128xf32, #tpu.memory_space<vmem>>, vector<1x16xf32>,
      %get3A_723 = arith.index_cast %scan3A_564 : i32 to index
      %get3A_724 = arith.constant 80 : index
      %get3A_725 = tpu.vector_load %arg8[%get3A_723, %get3A_724] {strides = array<i32>} : memref<64x128xf32, #tpu.memory_space<vmem>>, vector<1x16xf32>,
      %get3A_726 = vector.shape_cast %get3A_725 : vector<1x16xf32> to vector<16xf32>
      %add3A_727 = arith.constant 0 : i32
      %add3A_728 = arith.addi %add3A_727, %scan3A_564 : i32
      %swap3A_729 = arith.index_cast %add3A_728 : i32 to index
      %swap3A_730 = arith.constant 80 : index
      %swap3A_731 = tpu.vector_load %arg7[%swap3A_729, %swap3A_730] {strides = array<i32>} : memref<256x128xf32, #tpu.memory_space<vmem>>, vector<1x16xf32>,
      %swap3A_732 = vector.shape_cast %swap3A_731 : vector<1x16xf32> to vector<16xf32>
      %swap3A_733 = vector.shape_cast %get3A_726 : vector<16xf32> to vector<1x16xf32>
      tpu.vector_store %arg7[%swap3A_729, %swap3A_730], %swap3A_733 {add = true, strides = array<i32>} : memref<256x128xf32, #tpu.memory_space<vmem>>, vector<1x16xf32>,
      %add3A_734 = arith.constant 64 : i32
      %add3A_735 = arith.addi %add3A_734, %scan3A_564 : i32
      %swap3A_736 = arith.index_cast %add3A_735 : i32 to index
      %swap3A_737 = arith.constant 80 : index
      %swap3A_738 = tpu.vector_load %arg7[%swap3A_736, %swap3A_737] {strides = array<i32>} : memref<256x128xf32, #tpu.memory_space<vmem>>, vector<1x16xf32>,
      %swap3A_739 = vector.shape_cast %swap3A_738 : vector<1x16xf32> to vector<16xf32>
      %swap3A_740 = vector.shape_cast %get3A_726 : vector<16xf32> to vector<1x16xf32>
      tpu.vector_store %arg7[%swap3A_736, %swap3A_737], %swap3A_740 {add = true, strides = array<i32>} : memref<256x128xf32, #tpu.memory_space<vmem>>, vector<1x16xf32>,
      %add3A_741 = arith.constant 128 : i32
      %add3A_742 = arith.addi %add3A_741, %scan3A_564 : i32
      %swap3A_743 = arith.index_cast %add3A_742 : i32 to index
      %swap3A_744 = arith.constant 80 : index
      %swap3A_745 = tpu.vector_load %arg7[%swap3A_743, %swap3A_744] {strides = array<i32>} : memref<256x128xf32, #tpu.memory_space<vmem>>, vector<1x16xf32>,
      %swap3A_746 = vector.shape_cast %swap3A_745 : vector<1x16xf32> to vector<16xf32>
      %swap3A_747 = vector.shape_cast %get3A_726 : vector<16xf32> to vector<1x16xf32>
      tpu.vector_store %arg7[%swap3A_743, %swap3A_744], %swap3A_747 {add = true, strides = array<i32>} : memref<256x128xf32, #tpu.memory_space<vmem>>, vector<1x16xf32>,
      %add3A_748 = arith.constant 192 : i32
      %add3A_749 = arith.addi %add3A_748, %scan3A_564 : i32
      %swap3A_750 = arith.index_cast %add3A_749 : i32 to index
      %swap3A_751 = arith.constant 80 : index
      %swap3A_752 = tpu.vector_load %arg7[%swap3A_750, %swap3A_751] {strides = array<i32>} : memref<256x128xf32, #tpu.memory_space<vmem>>, vector<1x16xf32>,
      %swap3A_753 = vector.shape_cast %swap3A_752 : vector<1x16xf32> to vector<16xf32>
      %swap3A_754 = vector.shape_cast %get3A_726 : vector<16xf32> to vector<1x16xf32>
      tpu.vector_store %arg7[%swap3A_750, %swap3A_751], %swap3A_754 {add = true, strides = array<i32>} : memref<256x128xf32, #tpu.memory_space<vmem>>, vector<1x16xf32>,
      %get3A_755 = arith.index_cast %scan3A_564 : i32 to index
      %get3A_756 = arith.constant 96 : index
      %get3A_757 = tpu.vector_load %arg8[%get3A_755, %get3A_756] {strides = array<i32>} : memref<64x128xf32, #tpu.memory_space<vmem>>, vector<1x16xf32>,
      %get3A_758 = vector.shape_cast %get3A_757 : vector<1x16xf32> to vector<16xf32>
      %add3A_759 = arith.constant 0 : i32
      %add3A_760 = arith.addi %add3A_759, %scan3A_564 : i32
      %swap3A_761 = arith.index_cast %add3A_760 : i32 to index
      %swap3A_762 = arith.constant 96 : index
      %swap3A_763 = tpu.vector_load %arg7[%swap3A_761, %swap3A_762] {strides = array<i32>} : memref<256x128xf32, #tpu.memory_space<vmem>>, vector<1x16xf32>,
      %swap3A_764 = vector.shape_cast %swap3A_763 : vector<1x16xf32> to vector<16xf32>
      %swap3A_765 = vector.shape_cast %get3A_758 : vector<16xf32> to vector<1x16xf32>
      tpu.vector_store %arg7[%swap3A_761, %swap3A_762], %swap3A_765 {add = true, strides = array<i32>} : memref<256x128xf32, #tpu.memory_space<vmem>>, vector<1x16xf32>,
      %add3A_766 = arith.constant 64 : i32
      %add3A_767 = arith.addi %add3A_766, %scan3A_564 : i32
      %swap3A_768 = arith.index_cast %add3A_767 : i32 to index
      %swap3A_769 = arith.constant 96 : index
      %swap3A_770 = tpu.vector_load %arg7[%swap3A_768, %swap3A_769] {strides = array<i32>} : memref<256x128xf32, #tpu.memory_space<vmem>>, vector<1x16xf32>,
      %swap3A_771 = vector.shape_cast %swap3A_770 : vector<1x16xf32> to vector<16xf32>
      %swap3A_772 = vector.shape_cast %get3A_758 : vector<16xf32> to vector<1x16xf32>
      tpu.vector_store %arg7[%swap3A_768, %swap3A_769], %swap3A_772 {add = true, strides = array<i32>} : memref<256x128xf32, #tpu.memory_space<vmem>>, vector<1x16xf32>,
      %add3A_773 = arith.constant 128 : i32
      %add3A_774 = arith.addi %add3A_773, %scan3A_564 : i32
      %swap3A_775 = arith.index_cast %add3A_774 : i32 to index
      %swap3A_776 = arith.constant 96 : index
      %swap3A_777 = tpu.vector_load %arg7[%swap3A_775, %swap3A_776] {strides = array<i32>} : memref<256x128xf32, #tpu.memory_space<vmem>>, vector<1x16xf32>,
      %swap3A_778 = vector.shape_cast %swap3A_777 : vector<1x16xf32> to vector<16xf32>
      %swap3A_779 = vector.shape_cast %get3A_758 : vector<16xf32> to vector<1x16xf32>
      tpu.vector_store %arg7[%swap3A_775, %swap3A_776], %swap3A_779 {add = true, strides = array<i32>} : memref<256x128xf32, #tpu.memory_space<vmem>>, vector<1x16xf32>,
      %add3A_780 = arith.constant 192 : i32
      %add3A_781 = arith.addi %add3A_780, %scan3A_564 : i32
      %swap3A_782 = arith.index_cast %add3A_781 : i32 to index
      %swap3A_783 = arith.constant 96 : index
      %swap3A_784 = tpu.vector_load %arg7[%swap3A_782, %swap3A_783] {strides = array<i32>} : memref<256x128xf32, #tpu.memory_space<vmem>>, vector<1x16xf32>,
      %swap3A_785 = vector.shape_cast %swap3A_784 : vector<1x16xf32> to vector<16xf32>
      %swap3A_786 = vector.shape_cast %get3A_758 : vector<16xf32> to vector<1x16xf32>
      tpu.vector_store %arg7[%swap3A_782, %swap3A_783], %swap3A_786 {add = true, strides = array<i32>} : memref<256x128xf32, #tpu.memory_space<vmem>>, vector<1x16xf32>,
      %get3A_787 = arith.index_cast %scan3A_564 : i32 to index
      %get3A_788 = arith.constant 112 : index
      %get3A_789 = tpu.vector_load %arg8[%get3A_787, %get3A_788] {strides = array<i32>} : memref<64x128xf32, #tpu.memory_space<vmem>>, vector<1x16xf32>,
      %get3A_790 = vector.shape_cast %get3A_789 : vector<1x16xf32> to vector<16xf32>
      %add3A_791 = arith.constant 0 : i32
      %add3A_792 = arith.addi %add3A_791, %scan3A_564 : i32
      %swap3A_793 = arith.index_cast %add3A_792 : i32 to index
      %swap3A_794 = arith.constant 112 : index
      %swap3A_795 = tpu.vector_load %arg7[%swap3A_793, %swap3A_794] {strides = array<i32>} : memref<256x128xf32, #tpu.memory_space<vmem>>, vector<1x16xf32>,
      %swap3A_796 = vector.shape_cast %swap3A_795 : vector<1x16xf32> to vector<16xf32>
      %swap3A_797 = vector.shape_cast %get3A_790 : vector<16xf32> to vector<1x16xf32>
      tpu.vector_store %arg7[%swap3A_793, %swap3A_794], %swap3A_797 {add = true, strides = array<i32>} : memref<256x128xf32, #tpu.memory_space<vmem>>, vector<1x16xf32>,
      %add3A_798 = arith.constant 64 : i32
      %add3A_799 = arith.addi %add3A_798, %scan3A_564 : i32
      %swap3A_800 = arith.index_cast %add3A_799 : i32 to index
      %swap3A_801 = arith.constant 112 : index
      %swap3A_802 = tpu.vector_load %arg7[%swap3A_800, %swap3A_801] {strides = array<i32>} : memref<256x128xf32, #tpu.memory_space<vmem>>, vector<1x16xf32>,
      %swap3A_803 = vector.shape_cast %swap3A_802 : vector<1x16xf32> to vector<16xf32>
      %swap3A_804 = vector.shape_cast %get3A_790 : vector<16xf32> to vector<1x16xf32>
      tpu.vector_store %arg7[%swap3A_800, %swap3A_801], %swap3A_804 {add = true, strides = array<i32>} : memref<256x128xf32, #tpu.memory_space<vmem>>, vector<1x16xf32>,
      %add3A_805 = arith.constant 128 : i32
      %add3A_806 = arith.addi %add3A_805, %scan3A_564 : i32
      %swap3A_807 = arith.index_cast %add3A_806 : i32 to index
      %swap3A_808 = arith.constant 112 : index
      %swap3A_809 = tpu.vector_load %arg7[%swap3A_807, %swap3A_808] {strides = array<i32>} : memref<256x128xf32, #tpu.memory_space<vmem>>, vector<1x16xf32>,
      %swap3A_810 = vector.shape_cast %swap3A_809 : vector<1x16xf32> to vector<16xf32>
      %swap3A_811 = vector.shape_cast %get3A_790 : vector<16xf32> to vector<1x16xf32>
      tpu.vector_store %arg7[%swap3A_807, %swap3A_808], %swap3A_811 {add = true, strides = array<i32>} : memref<256x128xf32, #tpu.memory_space<vmem>>, vector<1x16xf32>,
      %add3A_812 = arith.constant 192 : i32
      %add3A_813 = arith.addi %add3A_812, %scan3A_564 : i32
      %swap3A_814 = arith.index_cast %add3A_813 : i32 to index
      %swap3A_815 = arith.constant 112 : index
      %swap3A_816 = tpu.vector_load %arg7[%swap3A_814, %swap3A_815] {strides = array<i32>} : memref<256x128xf32, #tpu.memory_space<vmem>>, vector<1x16xf32>,
      %swap3A_817 = vector.shape_cast %swap3A_816 : vector<1x16xf32> to vector<16xf32>
      %swap3A_818 = vector.shape_cast %get3A_790 : vector<16xf32> to vector<1x16xf32>
      tpu.vector_store %arg7[%swap3A_814, %swap3A_815], %swap3A_818 {add = true, strides = array<i32>} : memref<256x128xf32, #tpu.memory_space<vmem>>, vector<1x16xf32>,
    }
    %scan3A_223 = arith.constant 16 : i32
    %add3A_224 = arith.constant 0 : i32
    %add3A_225 = arith.addi %add3A_224, %mul3A_2 : i32
    %add3A_226 = arith.constant 16 : i32
    %add3A_227 = arith.addi %add3A_225, %add3A_226 : i32
    %dma_start3A_228 = arith.constant 16 : i32
    %dma_start3A_229 = arith.constant 0 : i32
    %dma_start3A_230 = tpu.memref_slice %arg7[%dma_start3A_228, %dma_start3A_229] : memref<256x128xf32, #tpu.memory_space<vmem>> -> memref<16x128xf32, #tpu.memory_space<vmem>>
    %dma_start3A_231 = arith.constant 0 : i32
    %dma_start3A_232 = tpu.memref_slice %arg5[%add3A_227, %dma_start3A_231] : memref<8192x128xf32, #tpu.memory_space<hbm>> -> memref<16x128xf32, #tpu.memory_space<hbm>>
    %dma_start3A_233 = arith.constant 0 : i32
    %dma_start3A_234 = tpu.memref_slice %arg5[%add3A_227, %dma_start3A_233] : memref<8192x128xf32, #tpu.memory_space<hbm>> -> memref<16x128xf32, #tpu.memory_space<hbm>>
    %dma_start3A_235 = arith.constant 16 : i32
    %dma_start3A_236 = arith.constant 0 : i32
    %dma_start3A_237 = tpu.memref_slice %arg7[%dma_start3A_235, %dma_start3A_236] : memref<256x128xf32, #tpu.memory_space<vmem>> -> memref<16x128xf32, #tpu.memory_space<vmem>>
    tpu.enqueue_dma source(%dma_start3A_237 : memref<16x128xf32, #tpu.memory_space<vmem>>) target(%dma_start3A_234 : memref<16x128xf32, #tpu.memory_space<hbm>>) target_semaphore(%arg12 : memref<!tpu.dma_semaphore, #tpu.memory_space<semaphore_mem>>)
    %add3A_238 = arith.constant 2048 : i32
    %add3A_239 = arith.addi %add3A_238, %mul3A_2 : i32
    %add3A_240 = arith.constant 16 : i32
    %add3A_241 = arith.addi %add3A_239, %add3A_240 : i32
    %dma_start3A_242 = arith.constant 80 : i32
    %dma_start3A_243 = arith.constant 0 : i32
    %dma_start3A_244 = tpu.memref_slice %arg7[%dma_start3A_242, %dma_start3A_243] : memref<256x128xf32, #tpu.memory_space<vmem>> -> memref<16x128xf32, #tpu.memory_space<vmem>>
    %dma_start3A_245 = arith.constant 0 : i32
    %dma_start3A_246 = tpu.memref_slice %arg5[%add3A_241, %dma_start3A_245] : memref<8192x128xf32, #tpu.memory_space<hbm>> -> memref<16x128xf32, #tpu.memory_space<hbm>>
    %dma_start3A_247 = arith.constant 0 : i32
    %dma_start3A_248 = tpu.memref_slice %arg5[%add3A_241, %dma_start3A_247] : memref<8192x128xf32, #tpu.memory_space<hbm>> -> memref<16x128xf32, #tpu.memory_space<hbm>>
    %dma_start3A_249 = arith.constant 80 : i32
    %dma_start3A_250 = arith.constant 0 : i32
    %dma_start3A_251 = tpu.memref_slice %arg7[%dma_start3A_249, %dma_start3A_250] : memref<256x128xf32, #tpu.memory_space<vmem>> -> memref<16x128xf32, #tpu.memory_space<vmem>>
    tpu.enqueue_dma source(%dma_start3A_251 : memref<16x128xf32, #tpu.memory_space<vmem>>) target(%dma_start3A_248 : memref<16x128xf32, #tpu.memory_space<hbm>>) target_semaphore(%arg12 : memref<!tpu.dma_semaphore, #tpu.memory_space<semaphore_mem>>)
    %add3A_252 = arith.constant 4096 : i32
    %add3A_253 = arith.addi %add3A_252, %mul3A_2 : i32
    %add3A_254 = arith.constant 16 : i32
    %add3A_255 = arith.addi %add3A_253, %add3A_254 : i32
    %dma_start3A_256 = arith.constant 144 : i32
    %dma_start3A_257 = arith.constant 0 : i32
    %dma_start3A_258 = tpu.memref_slice %arg7[%dma_start3A_256, %dma_start3A_257] : memref<256x128xf32, #tpu.memory_space<vmem>> -> memref<16x128xf32, #tpu.memory_space<vmem>>
    %dma_start3A_259 = arith.constant 0 : i32
    %dma_start3A_260 = tpu.memref_slice %arg5[%add3A_255, %dma_start3A_259] : memref<8192x128xf32, #tpu.memory_space<hbm>> -> memref<16x128xf32, #tpu.memory_space<hbm>>
    %dma_start3A_261 = arith.constant 0 : i32
    %dma_start3A_262 = tpu.memref_slice %arg5[%add3A_255, %dma_start3A_261] : memref<8192x128xf32, #tpu.memory_space<hbm>> -> memref<16x128xf32, #tpu.memory_space<hbm>>
    %dma_start3A_263 = arith.constant 144 : i32
    %dma_start3A_264 = arith.constant 0 : i32
    %dma_start3A_265 = tpu.memref_slice %arg7[%dma_start3A_263, %dma_start3A_264] : memref<256x128xf32, #tpu.memory_space<vmem>> -> memref<16x128xf32, #tpu.memory_space<vmem>>
    tpu.enqueue_dma source(%dma_start3A_265 : memref<16x128xf32, #tpu.memory_space<vmem>>) target(%dma_start3A_262 : memref<16x128xf32, #tpu.memory_space<hbm>>) target_semaphore(%arg12 : memref<!tpu.dma_semaphore, #tpu.memory_space<semaphore_mem>>)
    %add3A_266 = arith.constant 6144 : i32
    %add3A_267 = arith.addi %add3A_266, %mul3A_2 : i32
    %add3A_268 = arith.constant 16 : i32
    %add3A_269 = arith.addi %add3A_267, %add3A_268 : i32
    %dma_start3A_270 = arith.constant 208 : i32
    %dma_start3A_271 = arith.constant 0 : i32
    %dma_start3A_272 = tpu.memref_slice %arg7[%dma_start3A_270, %dma_start3A_271] : memref<256x128xf32, #tpu.memory_space<vmem>> -> memref<16x128xf32, #tpu.memory_space<vmem>>
    %dma_start3A_273 = arith.constant 0 : i32
    %dma_start3A_274 = tpu.memref_slice %arg5[%add3A_269, %dma_start3A_273] : memref<8192x128xf32, #tpu.memory_space<hbm>> -> memref<16x128xf32, #tpu.memory_space<hbm>>
    %dma_start3A_275 = arith.constant 0 : i32
    %dma_start3A_276 = tpu.memref_slice %arg5[%add3A_269, %dma_start3A_275] : memref<8192x128xf32, #tpu.memory_space<hbm>> -> memref<16x128xf32, #tpu.memory_space<hbm>>
    %dma_start3A_277 = arith.constant 208 : i32
    %dma_start3A_278 = arith.constant 0 : i32
    %dma_start3A_279 = tpu.memref_slice %arg7[%dma_start3A_277, %dma_start3A_278] : memref<256x128xf32, #tpu.memory_space<vmem>> -> memref<16x128xf32, #tpu.memory_space<vmem>>
    tpu.enqueue_dma source(%dma_start3A_279 : memref<16x128xf32, #tpu.memory_space<vmem>>) target(%dma_start3A_276 : memref<16x128xf32, #tpu.memory_space<hbm>>) target_semaphore(%arg12 : memref<!tpu.dma_semaphore, #tpu.memory_space<semaphore_mem>>)
    %scan3A_280 = arith.constant 0 : i32
    %scan3A_281 = arith.constant 32 : i32
    %scan3A_282 = arith.constant 16 : i32
    %scan3A_283 = arith.addi %scan3A_281, %scan3A_282 : i32
    %scan3A_284 = arith.constant 1 : i32
    scf.for %scan3A_564 = %scan3A_281 to %scan3A_283 step %scan3A_284  : i32 {
      %get3A = arith.index_cast %scan3A_564 : i32 to index
      %get3A_565 = arith.constant 0 : index
      %get3A_566 = tpu.vector_load %arg8[%get3A, %get3A_565] {strides = array<i32>} : memref<64x128xf32, #tpu.memory_space<vmem>>, vector<1x16xf32>,
      %get3A_567 = vector.shape_cast %get3A_566 : vector<1x16xf32> to vector<16xf32>
      %add3A_568 = arith.constant 0 : i32
      %add3A_569 = arith.addi %add3A_568, %scan3A_564 : i32
      %swap3A = arith.index_cast %add3A_569 : i32 to index
      %swap3A_570 = arith.constant 0 : index
      %swap3A_571 = tpu.vector_load %arg7[%swap3A, %swap3A_570] {strides = array<i32>} : memref<256x128xf32, #tpu.memory_space<vmem>>, vector<1x16xf32>,
      %swap3A_572 = vector.shape_cast %swap3A_571 : vector<1x16xf32> to vector<16xf32>
      %swap3A_573 = vector.shape_cast %get3A_567 : vector<16xf32> to vector<1x16xf32>
      tpu.vector_store %arg7[%swap3A, %swap3A_570], %swap3A_573 {add = true, strides = array<i32>} : memref<256x128xf32, #tpu.memory_space<vmem>>, vector<1x16xf32>,
      %add3A_574 = arith.constant 64 : i32
      %add3A_575 = arith.addi %add3A_574, %scan3A_564 : i32
      %swap3A_576 = arith.index_cast %add3A_575 : i32 to index
      %swap3A_577 = arith.constant 0 : index
      %swap3A_578 = tpu.vector_load %arg7[%swap3A_576, %swap3A_577] {strides = array<i32>} : memref<256x128xf32, #tpu.memory_space<vmem>>, vector<1x16xf32>,
      %swap3A_579 = vector.shape_cast %swap3A_578 : vector<1x16xf32> to vector<16xf32>
      %swap3A_580 = vector.shape_cast %get3A_567 : vector<16xf32> to vector<1x16xf32>
      tpu.vector_store %arg7[%swap3A_576, %swap3A_577], %swap3A_580 {add = true, strides = array<i32>} : memref<256x128xf32, #tpu.memory_space<vmem>>, vector<1x16xf32>,
      %add3A_581 = arith.constant 128 : i32
      %add3A_582 = arith.addi %add3A_581, %scan3A_564 : i32
      %swap3A_583 = arith.index_cast %add3A_582 : i32 to index
      %swap3A_584 = arith.constant 0 : index
      %swap3A_585 = tpu.vector_load %arg7[%swap3A_583, %swap3A_584] {strides = array<i32>} : memref<256x128xf32, #tpu.memory_space<vmem>>, vector<1x16xf32>,
      %swap3A_586 = vector.shape_cast %swap3A_585 : vector<1x16xf32> to vector<16xf32>
      %swap3A_587 = vector.shape_cast %get3A_567 : vector<16xf32> to vector<1x16xf32>
      tpu.vector_store %arg7[%swap3A_583, %swap3A_584], %swap3A_587 {add = true, strides = array<i32>} : memref<256x128xf32, #tpu.memory_space<vmem>>, vector<1x16xf32>,
      %add3A_588 = arith.constant 192 : i32
      %add3A_589 = arith.addi %add3A_588, %scan3A_564 : i32
      %swap3A_590 = arith.index_cast %add3A_589 : i32 to index
      %swap3A_591 = arith.constant 0 : index
      %swap3A_592 = tpu.vector_load %arg7[%swap3A_590, %swap3A_591] {strides = array<i32>} : memref<256x128xf32, #tpu.memory_space<vmem>>, vector<1x16xf32>,
      %swap3A_593 = vector.shape_cast %swap3A_592 : vector<1x16xf32> to vector<16xf32>
      %swap3A_594 = vector.shape_cast %get3A_567 : vector<16xf32> to vector<1x16xf32>
      tpu.vector_store %arg7[%swap3A_590, %swap3A_591], %swap3A_594 {add = true, strides = array<i32>} : memref<256x128xf32, #tpu.memory_space<vmem>>, vector<1x16xf32>,
      %get3A_595 = arith.index_cast %scan3A_564 : i32 to index
      %get3A_596 = arith.constant 16 : index
      %get3A_597 = tpu.vector_load %arg8[%get3A_595, %get3A_596] {strides = array<i32>} : memref<64x128xf32, #tpu.memory_space<vmem>>, vector<1x16xf32>,
      %get3A_598 = vector.shape_cast %get3A_597 : vector<1x16xf32> to vector<16xf32>
      %add3A_599 = arith.constant 0 : i32
      %add3A_600 = arith.addi %add3A_599, %scan3A_564 : i32
      %swap3A_601 = arith.index_cast %add3A_600 : i32 to index
      %swap3A_602 = arith.constant 16 : index
      %swap3A_603 = tpu.vector_load %arg7[%swap3A_601, %swap3A_602] {strides = array<i32>} : memref<256x128xf32, #tpu.memory_space<vmem>>, vector<1x16xf32>,
      %swap3A_604 = vector.shape_cast %swap3A_603 : vector<1x16xf32> to vector<16xf32>
      %swap3A_605 = vector.shape_cast %get3A_598 : vector<16xf32> to vector<1x16xf32>
      tpu.vector_store %arg7[%swap3A_601, %swap3A_602], %swap3A_605 {add = true, strides = array<i32>} : memref<256x128xf32, #tpu.memory_space<vmem>>, vector<1x16xf32>,
      %add3A_606 = arith.constant 64 : i32
      %add3A_607 = arith.addi %add3A_606, %scan3A_564 : i32
      %swap3A_608 = arith.index_cast %add3A_607 : i32 to index
      %swap3A_609 = arith.constant 16 : index
      %swap3A_610 = tpu.vector_load %arg7[%swap3A_608, %swap3A_609] {strides = array<i32>} : memref<256x128xf32, #tpu.memory_space<vmem>>, vector<1x16xf32>,
      %swap3A_611 = vector.shape_cast %swap3A_610 : vector<1x16xf32> to vector<16xf32>
      %swap3A_612 = vector.shape_cast %get3A_598 : vector<16xf32> to vector<1x16xf32>
      tpu.vector_store %arg7[%swap3A_608, %swap3A_609], %swap3A_612 {add = true, strides = array<i32>} : memref<256x128xf32, #tpu.memory_space<vmem>>, vector<1x16xf32>,
      %add3A_613 = arith.constant 128 : i32
      %add3A_614 = arith.addi %add3A_613, %scan3A_564 : i32
      %swap3A_615 = arith.index_cast %add3A_614 : i32 to index
      %swap3A_616 = arith.constant 16 : index
      %swap3A_617 = tpu.vector_load %arg7[%swap3A_615, %swap3A_616] {strides = array<i32>} : memref<256x128xf32, #tpu.memory_space<vmem>>, vector<1x16xf32>,
      %swap3A_618 = vector.shape_cast %swap3A_617 : vector<1x16xf32> to vector<16xf32>
      %swap3A_619 = vector.shape_cast %get3A_598 : vector<16xf32> to vector<1x16xf32>
      tpu.vector_store %arg7[%swap3A_615, %swap3A_616], %swap3A_619 {add = true, strides = array<i32>} : memref<256x128xf32, #tpu.memory_space<vmem>>, vector<1x16xf32>,
      %add3A_620 = arith.constant 192 : i32
      %add3A_621 = arith.addi %add3A_620, %scan3A_564 : i32
      %swap3A_622 = arith.index_cast %add3A_621 : i32 to index
      %swap3A_623 = arith.constant 16 : index
      %swap3A_624 = tpu.vector_load %arg7[%swap3A_622, %swap3A_623] {strides = array<i32>} : memref<256x128xf32, #tpu.memory_space<vmem>>, vector<1x16xf32>,
      %swap3A_625 = vector.shape_cast %swap3A_624 : vector<1x16xf32> to vector<16xf32>
      %swap3A_626 = vector.shape_cast %get3A_598 : vector<16xf32> to vector<1x16xf32>
      tpu.vector_store %arg7[%swap3A_622, %swap3A_623], %swap3A_626 {add = true, strides = array<i32>} : memref<256x128xf32, #tpu.memory_space<vmem>>, vector<1x16xf32>,
      %get3A_627 = arith.index_cast %scan3A_564 : i32 to index
      %get3A_628 = arith.constant 32 : index
      %get3A_629 = tpu.vector_load %arg8[%get3A_627, %get3A_628] {strides = array<i32>} : memref<64x128xf32, #tpu.memory_space<vmem>>, vector<1x16xf32>,
      %get3A_630 = vector.shape_cast %get3A_629 : vector<1x16xf32> to vector<16xf32>
      %add3A_631 = arith.constant 0 : i32
      %add3A_632 = arith.addi %add3A_631, %scan3A_564 : i32
      %swap3A_633 = arith.index_cast %add3A_632 : i32 to index
      %swap3A_634 = arith.constant 32 : index
      %swap3A_635 = tpu.vector_load %arg7[%swap3A_633, %swap3A_634] {strides = array<i32>} : memref<256x128xf32, #tpu.memory_space<vmem>>, vector<1x16xf32>,
      %swap3A_636 = vector.shape_cast %swap3A_635 : vector<1x16xf32> to vector<16xf32>
      %swap3A_637 = vector.shape_cast %get3A_630 : vector<16xf32> to vector<1x16xf32>
      tpu.vector_store %arg7[%swap3A_633, %swap3A_634], %swap3A_637 {add = true, strides = array<i32>} : memref<256x128xf32, #tpu.memory_space<vmem>>, vector<1x16xf32>,
      %add3A_638 = arith.constant 64 : i32
      %add3A_639 = arith.addi %add3A_638, %scan3A_564 : i32
      %swap3A_640 = arith.index_cast %add3A_639 : i32 to index
      %swap3A_641 = arith.constant 32 : index
      %swap3A_642 = tpu.vector_load %arg7[%swap3A_640, %swap3A_641] {strides = array<i32>} : memref<256x128xf32, #tpu.memory_space<vmem>>, vector<1x16xf32>,
      %swap3A_643 = vector.shape_cast %swap3A_642 : vector<1x16xf32> to vector<16xf32>
      %swap3A_644 = vector.shape_cast %get3A_630 : vector<16xf32> to vector<1x16xf32>
      tpu.vector_store %arg7[%swap3A_640, %swap3A_641], %swap3A_644 {add = true, strides = array<i32>} : memref<256x128xf32, #tpu.memory_space<vmem>>, vector<1x16xf32>,
      %add3A_645 = arith.constant 128 : i32
      %add3A_646 = arith.addi %add3A_645, %scan3A_564 : i32
      %swap3A_647 = arith.index_cast %add3A_646 : i32 to index
      %swap3A_648 = arith.constant 32 : index
      %swap3A_649 = tpu.vector_load %arg7[%swap3A_647, %swap3A_648] {strides = array<i32>} : memref<256x128xf32, #tpu.memory_space<vmem>>, vector<1x16xf32>,
      %swap3A_650 = vector.shape_cast %swap3A_649 : vector<1x16xf32> to vector<16xf32>
      %swap3A_651 = vector.shape_cast %get3A_630 : vector<16xf32> to vector<1x16xf32>
      tpu.vector_store %arg7[%swap3A_647, %swap3A_648], %swap3A_651 {add = true, strides = array<i32>} : memref<256x128xf32, #tpu.memory_space<vmem>>, vector<1x16xf32>,
      %add3A_652 = arith.constant 192 : i32
      %add3A_653 = arith.addi %add3A_652, %scan3A_564 : i32
      %swap3A_654 = arith.index_cast %add3A_653 : i32 to index
      %swap3A_655 = arith.constant 32 : index
      %swap3A_656 = tpu.vector_load %arg7[%swap3A_654, %swap3A_655] {strides = array<i32>} : memref<256x128xf32, #tpu.memory_space<vmem>>, vector<1x16xf32>,
      %swap3A_657 = vector.shape_cast %swap3A_656 : vector<1x16xf32> to vector<16xf32>
      %swap3A_658 = vector.shape_cast %get3A_630 : vector<16xf32> to vector<1x16xf32>
      tpu.vector_store %arg7[%swap3A_654, %swap3A_655], %swap3A_658 {add = true, strides = array<i32>} : memref<256x128xf32, #tpu.memory_space<vmem>>, vector<1x16xf32>,
      %get3A_659 = arith.index_cast %scan3A_564 : i32 to index
      %get3A_660 = arith.constant 48 : index
      %get3A_661 = tpu.vector_load %arg8[%get3A_659, %get3A_660] {strides = array<i32>} : memref<64x128xf32, #tpu.memory_space<vmem>>, vector<1x16xf32>,
      %get3A_662 = vector.shape_cast %get3A_661 : vector<1x16xf32> to vector<16xf32>
      %add3A_663 = arith.constant 0 : i32
      %add3A_664 = arith.addi %add3A_663, %scan3A_564 : i32
      %swap3A_665 = arith.index_cast %add3A_664 : i32 to index
      %swap3A_666 = arith.constant 48 : index
      %swap3A_667 = tpu.vector_load %arg7[%swap3A_665, %swap3A_666] {strides = array<i32>} : memref<256x128xf32, #tpu.memory_space<vmem>>, vector<1x16xf32>,
      %swap3A_668 = vector.shape_cast %swap3A_667 : vector<1x16xf32> to vector<16xf32>
      %swap3A_669 = vector.shape_cast %get3A_662 : vector<16xf32> to vector<1x16xf32>
      tpu.vector_store %arg7[%swap3A_665, %swap3A_666], %swap3A_669 {add = true, strides = array<i32>} : memref<256x128xf32, #tpu.memory_space<vmem>>, vector<1x16xf32>,
      %add3A_670 = arith.constant 64 : i32
      %add3A_671 = arith.addi %add3A_670, %scan3A_564 : i32
      %swap3A_672 = arith.index_cast %add3A_671 : i32 to index
      %swap3A_673 = arith.constant 48 : index
      %swap3A_674 = tpu.vector_load %arg7[%swap3A_672, %swap3A_673] {strides = array<i32>} : memref<256x128xf32, #tpu.memory_space<vmem>>, vector<1x16xf32>,
      %swap3A_675 = vector.shape_cast %swap3A_674 : vector<1x16xf32> to vector<16xf32>
      %swap3A_676 = vector.shape_cast %get3A_662 : vector<16xf32> to vector<1x16xf32>
      tpu.vector_store %arg7[%swap3A_672, %swap3A_673], %swap3A_676 {add = true, strides = array<i32>} : memref<256x128xf32, #tpu.memory_space<vmem>>, vector<1x16xf32>,
      %add3A_677 = arith.constant 128 : i32
      %add3A_678 = arith.addi %add3A_677, %scan3A_564 : i32
      %swap3A_679 = arith.index_cast %add3A_678 : i32 to index
      %swap3A_680 = arith.constant 48 : index
      %swap3A_681 = tpu.vector_load %arg7[%swap3A_679, %swap3A_680] {strides = array<i32>} : memref<256x128xf32, #tpu.memory_space<vmem>>, vector<1x16xf32>,
      %swap3A_682 = vector.shape_cast %swap3A_681 : vector<1x16xf32> to vector<16xf32>
      %swap3A_683 = vector.shape_cast %get3A_662 : vector<16xf32> to vector<1x16xf32>
      tpu.vector_store %arg7[%swap3A_679, %swap3A_680], %swap3A_683 {add = true, strides = array<i32>} : memref<256x128xf32, #tpu.memory_space<vmem>>, vector<1x16xf32>,
      %add3A_684 = arith.constant 192 : i32
      %add3A_685 = arith.addi %add3A_684, %scan3A_564 : i32
      %swap3A_686 = arith.index_cast %add3A_685 : i32 to index
      %swap3A_687 = arith.constant 48 : index
      %swap3A_688 = tpu.vector_load %arg7[%swap3A_686, %swap3A_687] {strides = array<i32>} : memref<256x128xf32, #tpu.memory_space<vmem>>, vector<1x16xf32>,
      %swap3A_689 = vector.shape_cast %swap3A_688 : vector<1x16xf32> to vector<16xf32>
      %swap3A_690 = vector.shape_cast %get3A_662 : vector<16xf32> to vector<1x16xf32>
      tpu.vector_store %arg7[%swap3A_686, %swap3A_687], %swap3A_690 {add = true, strides = array<i32>} : memref<256x128xf32, #tpu.memory_space<vmem>>, vector<1x16xf32>,
      %get3A_691 = arith.index_cast %scan3A_564 : i32 to index
      %get3A_692 = arith.constant 64 : index
      %get3A_693 = tpu.vector_load %arg8[%get3A_691, %get3A_692] {strides = array<i32>} : memref<64x128xf32, #tpu.memory_space<vmem>>, vector<1x16xf32>,
      %get3A_694 = vector.shape_cast %get3A_693 : vector<1x16xf32> to vector<16xf32>
      %add3A_695 = arith.constant 0 : i32
      %add3A_696 = arith.addi %add3A_695, %scan3A_564 : i32
      %swap3A_697 = arith.index_cast %add3A_696 : i32 to index
      %swap3A_698 = arith.constant 64 : index
      %swap3A_699 = tpu.vector_load %arg7[%swap3A_697, %swap3A_698] {strides = array<i32>} : memref<256x128xf32, #tpu.memory_space<vmem>>, vector<1x16xf32>,
      %swap3A_700 = vector.shape_cast %swap3A_699 : vector<1x16xf32> to vector<16xf32>
      %swap3A_701 = vector.shape_cast %get3A_694 : vector<16xf32> to vector<1x16xf32>
      tpu.vector_store %arg7[%swap3A_697, %swap3A_698], %swap3A_701 {add = true, strides = array<i32>} : memref<256x128xf32, #tpu.memory_space<vmem>>, vector<1x16xf32>,
      %add3A_702 = arith.constant 64 : i32
      %add3A_703 = arith.addi %add3A_702, %scan3A_564 : i32
      %swap3A_704 = arith.index_cast %add3A_703 : i32 to index
      %swap3A_705 = arith.constant 64 : index
      %swap3A_706 = tpu.vector_load %arg7[%swap3A_704, %swap3A_705] {strides = array<i32>} : memref<256x128xf32, #tpu.memory_space<vmem>>, vector<1x16xf32>,
      %swap3A_707 = vector.shape_cast %swap3A_706 : vector<1x16xf32> to vector<16xf32>
      %swap3A_708 = vector.shape_cast %get3A_694 : vector<16xf32> to vector<1x16xf32>
      tpu.vector_store %arg7[%swap3A_704, %swap3A_705], %swap3A_708 {add = true, strides = array<i32>} : memref<256x128xf32, #tpu.memory_space<vmem>>, vector<1x16xf32>,
      %add3A_709 = arith.constant 128 : i32
      %add3A_710 = arith.addi %add3A_709, %scan3A_564 : i32
      %swap3A_711 = arith.index_cast %add3A_710 : i32 to index
      %swap3A_712 = arith.constant 64 : index
      %swap3A_713 = tpu.vector_load %arg7[%swap3A_711, %swap3A_712] {strides = array<i32>} : memref<256x128xf32, #tpu.memory_space<vmem>>, vector<1x16xf32>,
      %swap3A_714 = vector.shape_cast %swap3A_713 : vector<1x16xf32> to vector<16xf32>
      %swap3A_715 = vector.shape_cast %get3A_694 : vector<16xf32> to vector<1x16xf32>
      tpu.vector_store %arg7[%swap3A_711, %swap3A_712], %swap3A_715 {add = true, strides = array<i32>} : memref<256x128xf32, #tpu.memory_space<vmem>>, vector<1x16xf32>,
      %add3A_716 = arith.constant 192 : i32
      %add3A_717 = arith.addi %add3A_716, %scan3A_564 : i32
      %swap3A_718 = arith.index_cast %add3A_717 : i32 to index
      %swap3A_719 = arith.constant 64 : index
      %swap3A_720 = tpu.vector_load %arg7[%swap3A_718, %swap3A_719] {strides = array<i32>} : memref<256x128xf32, #tpu.memory_space<vmem>>, vector<1x16xf32>,
      %swap3A_721 = vector.shape_cast %swap3A_720 : vector<1x16xf32> to vector<16xf32>
      %swap3A_722 = vector.shape_cast %get3A_694 : vector<16xf32> to vector<1x16xf32>
      tpu.vector_store %arg7[%swap3A_718, %swap3A_719], %swap3A_722 {add = true, strides = array<i32>} : memref<256x128xf32, #tpu.memory_space<vmem>>, vector<1x16xf32>,
      %get3A_723 = arith.index_cast %scan3A_564 : i32 to index
      %get3A_724 = arith.constant 80 : index
      %get3A_725 = tpu.vector_load %arg8[%get3A_723, %get3A_724] {strides = array<i32>} : memref<64x128xf32, #tpu.memory_space<vmem>>, vector<1x16xf32>,
      %get3A_726 = vector.shape_cast %get3A_725 : vector<1x16xf32> to vector<16xf32>
      %add3A_727 = arith.constant 0 : i32
      %add3A_728 = arith.addi %add3A_727, %scan3A_564 : i32
      %swap3A_729 = arith.index_cast %add3A_728 : i32 to index
      %swap3A_730 = arith.constant 80 : index
      %swap3A_731 = tpu.vector_load %arg7[%swap3A_729, %swap3A_730] {strides = array<i32>} : memref<256x128xf32, #tpu.memory_space<vmem>>, vector<1x16xf32>,
      %swap3A_732 = vector.shape_cast %swap3A_731 : vector<1x16xf32> to vector<16xf32>
      %swap3A_733 = vector.shape_cast %get3A_726 : vector<16xf32> to vector<1x16xf32>
      tpu.vector_store %arg7[%swap3A_729, %swap3A_730], %swap3A_733 {add = true, strides = array<i32>} : memref<256x128xf32, #tpu.memory_space<vmem>>, vector<1x16xf32>,
      %add3A_734 = arith.constant 64 : i32
      %add3A_735 = arith.addi %add3A_734, %scan3A_564 : i32
      %swap3A_736 = arith.index_cast %add3A_735 : i32 to index
      %swap3A_737 = arith.constant 80 : index
      %swap3A_738 = tpu.vector_load %arg7[%swap3A_736, %swap3A_737] {strides = array<i32>} : memref<256x128xf32, #tpu.memory_space<vmem>>, vector<1x16xf32>,
      %swap3A_739 = vector.shape_cast %swap3A_738 : vector<1x16xf32> to vector<16xf32>
      %swap3A_740 = vector.shape_cast %get3A_726 : vector<16xf32> to vector<1x16xf32>
      tpu.vector_store %arg7[%swap3A_736, %swap3A_737], %swap3A_740 {add = true, strides = array<i32>} : memref<256x128xf32, #tpu.memory_space<vmem>>, vector<1x16xf32>,
      %add3A_741 = arith.constant 128 : i32
      %add3A_742 = arith.addi %add3A_741, %scan3A_564 : i32
      %swap3A_743 = arith.index_cast %add3A_742 : i32 to index
      %swap3A_744 = arith.constant 80 : index
      %swap3A_745 = tpu.vector_load %arg7[%swap3A_743, %swap3A_744] {strides = array<i32>} : memref<256x128xf32, #tpu.memory_space<vmem>>, vector<1x16xf32>,
      %swap3A_746 = vector.shape_cast %swap3A_745 : vector<1x16xf32> to vector<16xf32>
      %swap3A_747 = vector.shape_cast %get3A_726 : vector<16xf32> to vector<1x16xf32>
      tpu.vector_store %arg7[%swap3A_743, %swap3A_744], %swap3A_747 {add = true, strides = array<i32>} : memref<256x128xf32, #tpu.memory_space<vmem>>, vector<1x16xf32>,
      %add3A_748 = arith.constant 192 : i32
      %add3A_749 = arith.addi %add3A_748, %scan3A_564 : i32
      %swap3A_750 = arith.index_cast %add3A_749 : i32 to index
      %swap3A_751 = arith.constant 80 : index
      %swap3A_752 = tpu.vector_load %arg7[%swap3A_750, %swap3A_751] {strides = array<i32>} : memref<256x128xf32, #tpu.memory_space<vmem>>, vector<1x16xf32>,
      %swap3A_753 = vector.shape_cast %swap3A_752 : vector<1x16xf32> to vector<16xf32>
      %swap3A_754 = vector.shape_cast %get3A_726 : vector<16xf32> to vector<1x16xf32>
      tpu.vector_store %arg7[%swap3A_750, %swap3A_751], %swap3A_754 {add = true, strides = array<i32>} : memref<256x128xf32, #tpu.memory_space<vmem>>, vector<1x16xf32>,
      %get3A_755 = arith.index_cast %scan3A_564 : i32 to index
      %get3A_756 = arith.constant 96 : index
      %get3A_757 = tpu.vector_load %arg8[%get3A_755, %get3A_756] {strides = array<i32>} : memref<64x128xf32, #tpu.memory_space<vmem>>, vector<1x16xf32>,
      %get3A_758 = vector.shape_cast %get3A_757 : vector<1x16xf32> to vector<16xf32>
      %add3A_759 = arith.constant 0 : i32
      %add3A_760 = arith.addi %add3A_759, %scan3A_564 : i32
      %swap3A_761 = arith.index_cast %add3A_760 : i32 to index
      %swap3A_762 = arith.constant 96 : index
      %swap3A_763 = tpu.vector_load %arg7[%swap3A_761, %swap3A_762] {strides = array<i32>} : memref<256x128xf32, #tpu.memory_space<vmem>>, vector<1x16xf32>,
      %swap3A_764 = vector.shape_cast %swap3A_763 : vector<1x16xf32> to vector<16xf32>
      %swap3A_765 = vector.shape_cast %get3A_758 : vector<16xf32> to vector<1x16xf32>
      tpu.vector_store %arg7[%swap3A_761, %swap3A_762], %swap3A_765 {add = true, strides = array<i32>} : memref<256x128xf32, #tpu.memory_space<vmem>>, vector<1x16xf32>,
      %add3A_766 = arith.constant 64 : i32
      %add3A_767 = arith.addi %add3A_766, %scan3A_564 : i32
      %swap3A_768 = arith.index_cast %add3A_767 : i32 to index
      %swap3A_769 = arith.constant 96 : index
      %swap3A_770 = tpu.vector_load %arg7[%swap3A_768, %swap3A_769] {strides = array<i32>} : memref<256x128xf32, #tpu.memory_space<vmem>>, vector<1x16xf32>,
      %swap3A_771 = vector.shape_cast %swap3A_770 : vector<1x16xf32> to vector<16xf32>
      %swap3A_772 = vector.shape_cast %get3A_758 : vector<16xf32> to vector<1x16xf32>
      tpu.vector_store %arg7[%swap3A_768, %swap3A_769], %swap3A_772 {add = true, strides = array<i32>} : memref<256x128xf32, #tpu.memory_space<vmem>>, vector<1x16xf32>,
      %add3A_773 = arith.constant 128 : i32
      %add3A_774 = arith.addi %add3A_773, %scan3A_564 : i32
      %swap3A_775 = arith.index_cast %add3A_774 : i32 to index
      %swap3A_776 = arith.constant 96 : index
      %swap3A_777 = tpu.vector_load %arg7[%swap3A_775, %swap3A_776] {strides = array<i32>} : memref<256x128xf32, #tpu.memory_space<vmem>>, vector<1x16xf32>,
      %swap3A_778 = vector.shape_cast %swap3A_777 : vector<1x16xf32> to vector<16xf32>
      %swap3A_779 = vector.shape_cast %get3A_758 : vector<16xf32> to vector<1x16xf32>
      tpu.vector_store %arg7[%swap3A_775, %swap3A_776], %swap3A_779 {add = true, strides = array<i32>} : memref<256x128xf32, #tpu.memory_space<vmem>>, vector<1x16xf32>,
      %add3A_780 = arith.constant 192 : i32
      %add3A_781 = arith.addi %add3A_780, %scan3A_564 : i32
      %swap3A_782 = arith.index_cast %add3A_781 : i32 to index
      %swap3A_783 = arith.constant 96 : index
      %swap3A_784 = tpu.vector_load %arg7[%swap3A_782, %swap3A_783] {strides = array<i32>} : memref<256x128xf32, #tpu.memory_space<vmem>>, vector<1x16xf32>,
      %swap3A_785 = vector.shape_cast %swap3A_784 : vector<1x16xf32> to vector<16xf32>
      %swap3A_786 = vector.shape_cast %get3A_758 : vector<16xf32> to vector<1x16xf32>
      tpu.vector_store %arg7[%swap3A_782, %swap3A_783], %swap3A_786 {add = true, strides = array<i32>} : memref<256x128xf32, #tpu.memory_space<vmem>>, vector<1x16xf32>,
      %get3A_787 = arith.index_cast %scan3A_564 : i32 to index
      %get3A_788 = arith.constant 112 : index
      %get3A_789 = tpu.vector_load %arg8[%get3A_787, %get3A_788] {strides = array<i32>} : memref<64x128xf32, #tpu.memory_space<vmem>>, vector<1x16xf32>,
      %get3A_790 = vector.shape_cast %get3A_789 : vector<1x16xf32> to vector<16xf32>
      %add3A_791 = arith.constant 0 : i32
      %add3A_792 = arith.addi %add3A_791, %scan3A_564 : i32
      %swap3A_793 = arith.index_cast %add3A_792 : i32 to index
      %swap3A_794 = arith.constant 112 : index
      %swap3A_795 = tpu.vector_load %arg7[%swap3A_793, %swap3A_794] {strides = array<i32>} : memref<256x128xf32, #tpu.memory_space<vmem>>, vector<1x16xf32>,
      %swap3A_796 = vector.shape_cast %swap3A_795 : vector<1x16xf32> to vector<16xf32>
      %swap3A_797 = vector.shape_cast %get3A_790 : vector<16xf32> to vector<1x16xf32>
      tpu.vector_store %arg7[%swap3A_793, %swap3A_794], %swap3A_797 {add = true, strides = array<i32>} : memref<256x128xf32, #tpu.memory_space<vmem>>, vector<1x16xf32>,
      %add3A_798 = arith.constant 64 : i32
      %add3A_799 = arith.addi %add3A_798, %scan3A_564 : i32
      %swap3A_800 = arith.index_cast %add3A_799 : i32 to index
      %swap3A_801 = arith.constant 112 : index
      %swap3A_802 = tpu.vector_load %arg7[%swap3A_800, %swap3A_801] {strides = array<i32>} : memref<256x128xf32, #tpu.memory_space<vmem>>, vector<1x16xf32>,
      %swap3A_803 = vector.shape_cast %swap3A_802 : vector<1x16xf32> to vector<16xf32>
      %swap3A_804 = vector.shape_cast %get3A_790 : vector<16xf32> to vector<1x16xf32>
      tpu.vector_store %arg7[%swap3A_800, %swap3A_801], %swap3A_804 {add = true, strides = array<i32>} : memref<256x128xf32, #tpu.memory_space<vmem>>, vector<1x16xf32>,
      %add3A_805 = arith.constant 128 : i32
      %add3A_806 = arith.addi %add3A_805, %scan3A_564 : i32
      %swap3A_807 = arith.index_cast %add3A_806 : i32 to index
      %swap3A_808 = arith.constant 112 : index
      %swap3A_809 = tpu.vector_load %arg7[%swap3A_807, %swap3A_808] {strides = array<i32>} : memref<256x128xf32, #tpu.memory_space<vmem>>, vector<1x16xf32>,
      %swap3A_810 = vector.shape_cast %swap3A_809 : vector<1x16xf32> to vector<16xf32>
      %swap3A_811 = vector.shape_cast %get3A_790 : vector<16xf32> to vector<1x16xf32>
      tpu.vector_store %arg7[%swap3A_807, %swap3A_808], %swap3A_811 {add = true, strides = array<i32>} : memref<256x128xf32, #tpu.memory_space<vmem>>, vector<1x16xf32>,
      %add3A_812 = arith.constant 192 : i32
      %add3A_813 = arith.addi %add3A_812, %scan3A_564 : i32
      %swap3A_814 = arith.index_cast %add3A_813 : i32 to index
      %swap3A_815 = arith.constant 112 : index
      %swap3A_816 = tpu.vector_load %arg7[%swap3A_814, %swap3A_815] {strides = array<i32>} : memref<256x128xf32, #tpu.memory_space<vmem>>, vector<1x16xf32>,
      %swap3A_817 = vector.shape_cast %swap3A_816 : vector<1x16xf32> to vector<16xf32>
      %swap3A_818 = vector.shape_cast %get3A_790 : vector<16xf32> to vector<1x16xf32>
      tpu.vector_store %arg7[%swap3A_814, %swap3A_815], %swap3A_818 {add = true, strides = array<i32>} : memref<256x128xf32, #tpu.memory_space<vmem>>, vector<1x16xf32>,
    }
    %scan3A_285 = arith.constant 16 : i32
    %add3A_286 = arith.constant 0 : i32
    %add3A_287 = arith.addi %add3A_286, %mul3A_2 : i32
    %add3A_288 = arith.constant 32 : i32
    %add3A_289 = arith.addi %add3A_287, %add3A_288 : i32
    %dma_start3A_290 = arith.constant 32 : i32
    %dma_start3A_291 = arith.constant 0 : i32
    %dma_start3A_292 = tpu.memref_slice %arg7[%dma_start3A_290, %dma_start3A_291] : memref<256x128xf32, #tpu.memory_space<vmem>> -> memref<16x128xf32, #tpu.memory_space<vmem>>
    %dma_start3A_293 = arith.constant 0 : i32
    %dma_start3A_294 = tpu.memref_slice %arg5[%add3A_289, %dma_start3A_293] : memref<8192x128xf32, #tpu.memory_space<hbm>> -> memref<16x128xf32, #tpu.memory_space<hbm>>
    %dma_start3A_295 = arith.constant 0 : i32
    %dma_start3A_296 = tpu.memref_slice %arg5[%add3A_289, %dma_start3A_295] : memref<8192x128xf32, #tpu.memory_space<hbm>> -> memref<16x128xf32, #tpu.memory_space<hbm>>
    %dma_start3A_297 = arith.constant 32 : i32
    %dma_start3A_298 = arith.constant 0 : i32
    %dma_start3A_299 = tpu.memref_slice %arg7[%dma_start3A_297, %dma_start3A_298] : memref<256x128xf32, #tpu.memory_space<vmem>> -> memref<16x128xf32, #tpu.memory_space<vmem>>
    tpu.enqueue_dma source(%dma_start3A_299 : memref<16x128xf32, #tpu.memory_space<vmem>>) target(%dma_start3A_296 : memref<16x128xf32, #tpu.memory_space<hbm>>) target_semaphore(%arg12 : memref<!tpu.dma_semaphore, #tpu.memory_space<semaphore_mem>>)
    %add3A_300 = arith.constant 2048 : i32
    %add3A_301 = arith.addi %add3A_300, %mul3A_2 : i32
    %add3A_302 = arith.constant 32 : i32
    %add3A_303 = arith.addi %add3A_301, %add3A_302 : i32
    %dma_start3A_304 = arith.constant 96 : i32
    %dma_start3A_305 = arith.constant 0 : i32
    %dma_start3A_306 = tpu.memref_slice %arg7[%dma_start3A_304, %dma_start3A_305] : memref<256x128xf32, #tpu.memory_space<vmem>> -> memref<16x128xf32, #tpu.memory_space<vmem>>
    %dma_start3A_307 = arith.constant 0 : i32
    %dma_start3A_308 = tpu.memref_slice %arg5[%add3A_303, %dma_start3A_307] : memref<8192x128xf32, #tpu.memory_space<hbm>> -> memref<16x128xf32, #tpu.memory_space<hbm>>
    %dma_start3A_309 = arith.constant 0 : i32
    %dma_start3A_310 = tpu.memref_slice %arg5[%add3A_303, %dma_start3A_309] : memref<8192x128xf32, #tpu.memory_space<hbm>> -> memref<16x128xf32, #tpu.memory_space<hbm>>
    %dma_start3A_311 = arith.constant 96 : i32
    %dma_start3A_312 = arith.constant 0 : i32
    %dma_start3A_313 = tpu.memref_slice %arg7[%dma_start3A_311, %dma_start3A_312] : memref<256x128xf32, #tpu.memory_space<vmem>> -> memref<16x128xf32, #tpu.memory_space<vmem>>
    tpu.enqueue_dma source(%dma_start3A_313 : memref<16x128xf32, #tpu.memory_space<vmem>>) target(%dma_start3A_310 : memref<16x128xf32, #tpu.memory_space<hbm>>) target_semaphore(%arg12 : memref<!tpu.dma_semaphore, #tpu.memory_space<semaphore_mem>>)
    %add3A_314 = arith.constant 4096 : i32
    %add3A_315 = arith.addi %add3A_314, %mul3A_2 : i32
    %add3A_316 = arith.constant 32 : i32
    %add3A_317 = arith.addi %add3A_315, %add3A_316 : i32
    %dma_start3A_318 = arith.constant 160 : i32
    %dma_start3A_319 = arith.constant 0 : i32
    %dma_start3A_320 = tpu.memref_slice %arg7[%dma_start3A_318, %dma_start3A_319] : memref<256x128xf32, #tpu.memory_space<vmem>> -> memref<16x128xf32, #tpu.memory_space<vmem>>
    %dma_start3A_321 = arith.constant 0 : i32
    %dma_start3A_322 = tpu.memref_slice %arg5[%add3A_317, %dma_start3A_321] : memref<8192x128xf32, #tpu.memory_space<hbm>> -> memref<16x128xf32, #tpu.memory_space<hbm>>
    %dma_start3A_323 = arith.constant 0 : i32
    %dma_start3A_324 = tpu.memref_slice %arg5[%add3A_317, %dma_start3A_323] : memref<8192x128xf32, #tpu.memory_space<hbm>> -> memref<16x128xf32, #tpu.memory_space<hbm>>
    %dma_start3A_325 = arith.constant 160 : i32
    %dma_start3A_326 = arith.constant 0 : i32
    %dma_start3A_327 = tpu.memref_slice %arg7[%dma_start3A_325, %dma_start3A_326] : memref<256x128xf32, #tpu.memory_space<vmem>> -> memref<16x128xf32, #tpu.memory_space<vmem>>
    tpu.enqueue_dma source(%dma_start3A_327 : memref<16x128xf32, #tpu.memory_space<vmem>>) target(%dma_start3A_324 : memref<16x128xf32, #tpu.memory_space<hbm>>) target_semaphore(%arg12 : memref<!tpu.dma_semaphore, #tpu.memory_space<semaphore_mem>>)
    %add3A_328 = arith.constant 6144 : i32
    %add3A_329 = arith.addi %add3A_328, %mul3A_2 : i32
    %add3A_330 = arith.constant 32 : i32
    %add3A_331 = arith.addi %add3A_329, %add3A_330 : i32
    %dma_start3A_332 = arith.constant 224 : i32
    %dma_start3A_333 = arith.constant 0 : i32
    %dma_start3A_334 = tpu.memref_slice %arg7[%dma_start3A_332, %dma_start3A_333] : memref<256x128xf32, #tpu.memory_space<vmem>> -> memref<16x128xf32, #tpu.memory_space<vmem>>
    %dma_start3A_335 = arith.constant 0 : i32
    %dma_start3A_336 = tpu.memref_slice %arg5[%add3A_331, %dma_start3A_335] : memref<8192x128xf32, #tpu.memory_space<hbm>> -> memref<16x128xf32, #tpu.memory_space<hbm>>
    %dma_start3A_337 = arith.constant 0 : i32
    %dma_start3A_338 = tpu.memref_slice %arg5[%add3A_331, %dma_start3A_337] : memref<8192x128xf32, #tpu.memory_space<hbm>> -> memref<16x128xf32, #tpu.memory_space<hbm>>
    %dma_start3A_339 = arith.constant 224 : i32
    %dma_start3A_340 = arith.constant 0 : i32
    %dma_start3A_341 = tpu.memref_slice %arg7[%dma_start3A_339, %dma_start3A_340] : memref<256x128xf32, #tpu.memory_space<vmem>> -> memref<16x128xf32, #tpu.memory_space<vmem>>
    tpu.enqueue_dma source(%dma_start3A_341 : memref<16x128xf32, #tpu.memory_space<vmem>>) target(%dma_start3A_338 : memref<16x128xf32, #tpu.memory_space<hbm>>) target_semaphore(%arg12 : memref<!tpu.dma_semaphore, #tpu.memory_space<semaphore_mem>>)
    %scan3A_342 = arith.constant 0 : i32
    %scan3A_343 = arith.constant 48 : i32
    %scan3A_344 = arith.constant 16 : i32
    %scan3A_345 = arith.addi %scan3A_343, %scan3A_344 : i32
    %scan3A_346 = arith.constant 1 : i32
    scf.for %scan3A_564 = %scan3A_343 to %scan3A_345 step %scan3A_346  : i32 {
      %get3A = arith.index_cast %scan3A_564 : i32 to index
      %get3A_565 = arith.constant 0 : index
      %get3A_566 = tpu.vector_load %arg8[%get3A, %get3A_565] {strides = array<i32>} : memref<64x128xf32, #tpu.memory_space<vmem>>, vector<1x16xf32>,
      %get3A_567 = vector.shape_cast %get3A_566 : vector<1x16xf32> to vector<16xf32>
      %add3A_568 = arith.constant 0 : i32
      %add3A_569 = arith.addi %add3A_568, %scan3A_564 : i32
      %swap3A = arith.index_cast %add3A_569 : i32 to index
      %swap3A_570 = arith.constant 0 : index
      %swap3A_571 = tpu.vector_load %arg7[%swap3A, %swap3A_570] {strides = array<i32>} : memref<256x128xf32, #tpu.memory_space<vmem>>, vector<1x16xf32>,
      %swap3A_572 = vector.shape_cast %swap3A_571 : vector<1x16xf32> to vector<16xf32>
      %swap3A_573 = vector.shape_cast %get3A_567 : vector<16xf32> to vector<1x16xf32>
      tpu.vector_store %arg7[%swap3A, %swap3A_570], %swap3A_573 {add = true, strides = array<i32>} : memref<256x128xf32, #tpu.memory_space<vmem>>, vector<1x16xf32>,
      %add3A_574 = arith.constant 64 : i32
      %add3A_575 = arith.addi %add3A_574, %scan3A_564 : i32
      %swap3A_576 = arith.index_cast %add3A_575 : i32 to index
      %swap3A_577 = arith.constant 0 : index
      %swap3A_578 = tpu.vector_load %arg7[%swap3A_576, %swap3A_577] {strides = array<i32>} : memref<256x128xf32, #tpu.memory_space<vmem>>, vector<1x16xf32>,
      %swap3A_579 = vector.shape_cast %swap3A_578 : vector<1x16xf32> to vector<16xf32>
      %swap3A_580 = vector.shape_cast %get3A_567 : vector<16xf32> to vector<1x16xf32>
      tpu.vector_store %arg7[%swap3A_576, %swap3A_577], %swap3A_580 {add = true, strides = array<i32>} : memref<256x128xf32, #tpu.memory_space<vmem>>, vector<1x16xf32>,
      %add3A_581 = arith.constant 128 : i32
      %add3A_582 = arith.addi %add3A_581, %scan3A_564 : i32
      %swap3A_583 = arith.index_cast %add3A_582 : i32 to index
      %swap3A_584 = arith.constant 0 : index
      %swap3A_585 = tpu.vector_load %arg7[%swap3A_583, %swap3A_584] {strides = array<i32>} : memref<256x128xf32, #tpu.memory_space<vmem>>, vector<1x16xf32>,
      %swap3A_586 = vector.shape_cast %swap3A_585 : vector<1x16xf32> to vector<16xf32>
      %swap3A_587 = vector.shape_cast %get3A_567 : vector<16xf32> to vector<1x16xf32>
      tpu.vector_store %arg7[%swap3A_583, %swap3A_584], %swap3A_587 {add = true, strides = array<i32>} : memref<256x128xf32, #tpu.memory_space<vmem>>, vector<1x16xf32>,
      %add3A_588 = arith.constant 192 : i32
      %add3A_589 = arith.addi %add3A_588, %scan3A_564 : i32
      %swap3A_590 = arith.index_cast %add3A_589 : i32 to index
      %swap3A_591 = arith.constant 0 : index
      %swap3A_592 = tpu.vector_load %arg7[%swap3A_590, %swap3A_591] {strides = array<i32>} : memref<256x128xf32, #tpu.memory_space<vmem>>, vector<1x16xf32>,
      %swap3A_593 = vector.shape_cast %swap3A_592 : vector<1x16xf32> to vector<16xf32>
      %swap3A_594 = vector.shape_cast %get3A_567 : vector<16xf32> to vector<1x16xf32>
      tpu.vector_store %arg7[%swap3A_590, %swap3A_591], %swap3A_594 {add = true, strides = array<i32>} : memref<256x128xf32, #tpu.memory_space<vmem>>, vector<1x16xf32>,
      %get3A_595 = arith.index_cast %scan3A_564 : i32 to index
      %get3A_596 = arith.constant 16 : index
      %get3A_597 = tpu.vector_load %arg8[%get3A_595, %get3A_596] {strides = array<i32>} : memref<64x128xf32, #tpu.memory_space<vmem>>, vector<1x16xf32>,
      %get3A_598 = vector.shape_cast %get3A_597 : vector<1x16xf32> to vector<16xf32>
      %add3A_599 = arith.constant 0 : i32
      %add3A_600 = arith.addi %add3A_599, %scan3A_564 : i32
      %swap3A_601 = arith.index_cast %add3A_600 : i32 to index
      %swap3A_602 = arith.constant 16 : index
      %swap3A_603 = tpu.vector_load %arg7[%swap3A_601, %swap3A_602] {strides = array<i32>} : memref<256x128xf32, #tpu.memory_space<vmem>>, vector<1x16xf32>,
      %swap3A_604 = vector.shape_cast %swap3A_603 : vector<1x16xf32> to vector<16xf32>
      %swap3A_605 = vector.shape_cast %get3A_598 : vector<16xf32> to vector<1x16xf32>
      tpu.vector_store %arg7[%swap3A_601, %swap3A_602], %swap3A_605 {add = true, strides = array<i32>} : memref<256x128xf32, #tpu.memory_space<vmem>>, vector<1x16xf32>,
      %add3A_606 = arith.constant 64 : i32
      %add3A_607 = arith.addi %add3A_606, %scan3A_564 : i32
      %swap3A_608 = arith.index_cast %add3A_607 : i32 to index
      %swap3A_609 = arith.constant 16 : index
      %swap3A_610 = tpu.vector_load %arg7[%swap3A_608, %swap3A_609] {strides = array<i32>} : memref<256x128xf32, #tpu.memory_space<vmem>>, vector<1x16xf32>,
      %swap3A_611 = vector.shape_cast %swap3A_610 : vector<1x16xf32> to vector<16xf32>
      %swap3A_612 = vector.shape_cast %get3A_598 : vector<16xf32> to vector<1x16xf32>
      tpu.vector_store %arg7[%swap3A_608, %swap3A_609], %swap3A_612 {add = true, strides = array<i32>} : memref<256x128xf32, #tpu.memory_space<vmem>>, vector<1x16xf32>,
      %add3A_613 = arith.constant 128 : i32
      %add3A_614 = arith.addi %add3A_613, %scan3A_564 : i32
      %swap3A_615 = arith.index_cast %add3A_614 : i32 to index
      %swap3A_616 = arith.constant 16 : index
      %swap3A_617 = tpu.vector_load %arg7[%swap3A_615, %swap3A_616] {strides = array<i32>} : memref<256x128xf32, #tpu.memory_space<vmem>>, vector<1x16xf32>,
      %swap3A_618 = vector.shape_cast %swap3A_617 : vector<1x16xf32> to vector<16xf32>
      %swap3A_619 = vector.shape_cast %get3A_598 : vector<16xf32> to vector<1x16xf32>
      tpu.vector_store %arg7[%swap3A_615, %swap3A_616], %swap3A_619 {add = true, strides = array<i32>} : memref<256x128xf32, #tpu.memory_space<vmem>>, vector<1x16xf32>,
      %add3A_620 = arith.constant 192 : i32
      %add3A_621 = arith.addi %add3A_620, %scan3A_564 : i32
      %swap3A_622 = arith.index_cast %add3A_621 : i32 to index
      %swap3A_623 = arith.constant 16 : index
      %swap3A_624 = tpu.vector_load %arg7[%swap3A_622, %swap3A_623] {strides = array<i32>} : memref<256x128xf32, #tpu.memory_space<vmem>>, vector<1x16xf32>,
      %swap3A_625 = vector.shape_cast %swap3A_624 : vector<1x16xf32> to vector<16xf32>
      %swap3A_626 = vector.shape_cast %get3A_598 : vector<16xf32> to vector<1x16xf32>
      tpu.vector_store %arg7[%swap3A_622, %swap3A_623], %swap3A_626 {add = true, strides = array<i32>} : memref<256x128xf32, #tpu.memory_space<vmem>>, vector<1x16xf32>,
      %get3A_627 = arith.index_cast %scan3A_564 : i32 to index
      %get3A_628 = arith.constant 32 : index
      %get3A_629 = tpu.vector_load %arg8[%get3A_627, %get3A_628] {strides = array<i32>} : memref<64x128xf32, #tpu.memory_space<vmem>>, vector<1x16xf32>,
      %get3A_630 = vector.shape_cast %get3A_629 : vector<1x16xf32> to vector<16xf32>
      %add3A_631 = arith.constant 0 : i32
      %add3A_632 = arith.addi %add3A_631, %scan3A_564 : i32
      %swap3A_633 = arith.index_cast %add3A_632 : i32 to index
      %swap3A_634 = arith.constant 32 : index
      %swap3A_635 = tpu.vector_load %arg7[%swap3A_633, %swap3A_634] {strides = array<i32>} : memref<256x128xf32, #tpu.memory_space<vmem>>, vector<1x16xf32>,
      %swap3A_636 = vector.shape_cast %swap3A_635 : vector<1x16xf32> to vector<16xf32>
      %swap3A_637 = vector.shape_cast %get3A_630 : vector<16xf32> to vector<1x16xf32>
      tpu.vector_store %arg7[%swap3A_633, %swap3A_634], %swap3A_637 {add = true, strides = array<i32>} : memref<256x128xf32, #tpu.memory_space<vmem>>, vector<1x16xf32>,
      %add3A_638 = arith.constant 64 : i32
      %add3A_639 = arith.addi %add3A_638, %scan3A_564 : i32
      %swap3A_640 = arith.index_cast %add3A_639 : i32 to index
      %swap3A_641 = arith.constant 32 : index
      %swap3A_642 = tpu.vector_load %arg7[%swap3A_640, %swap3A_641] {strides = array<i32>} : memref<256x128xf32, #tpu.memory_space<vmem>>, vector<1x16xf32>,
      %swap3A_643 = vector.shape_cast %swap3A_642 : vector<1x16xf32> to vector<16xf32>
      %swap3A_644 = vector.shape_cast %get3A_630 : vector<16xf32> to vector<1x16xf32>
      tpu.vector_store %arg7[%swap3A_640, %swap3A_641], %swap3A_644 {add = true, strides = array<i32>} : memref<256x128xf32, #tpu.memory_space<vmem>>, vector<1x16xf32>,
      %add3A_645 = arith.constant 128 : i32
      %add3A_646 = arith.addi %add3A_645, %scan3A_564 : i32
      %swap3A_647 = arith.index_cast %add3A_646 : i32 to index
      %swap3A_648 = arith.constant 32 : index
      %swap3A_649 = tpu.vector_load %arg7[%swap3A_647, %swap3A_648] {strides = array<i32>} : memref<256x128xf32, #tpu.memory_space<vmem>>, vector<1x16xf32>,
      %swap3A_650 = vector.shape_cast %swap3A_649 : vector<1x16xf32> to vector<16xf32>
      %swap3A_651 = vector.shape_cast %get3A_630 : vector<16xf32> to vector<1x16xf32>
      tpu.vector_store %arg7[%swap3A_647, %swap3A_648], %swap3A_651 {add = true, strides = array<i32>} : memref<256x128xf32, #tpu.memory_space<vmem>>, vector<1x16xf32>,
      %add3A_652 = arith.constant 192 : i32
      %add3A_653 = arith.addi %add3A_652, %scan3A_564 : i32
      %swap3A_654 = arith.index_cast %add3A_653 : i32 to index
      %swap3A_655 = arith.constant 32 : index
      %swap3A_656 = tpu.vector_load %arg7[%swap3A_654, %swap3A_655] {strides = array<i32>} : memref<256x128xf32, #tpu.memory_space<vmem>>, vector<1x16xf32>,
      %swap3A_657 = vector.shape_cast %swap3A_656 : vector<1x16xf32> to vector<16xf32>
      %swap3A_658 = vector.shape_cast %get3A_630 : vector<16xf32> to vector<1x16xf32>
      tpu.vector_store %arg7[%swap3A_654, %swap3A_655], %swap3A_658 {add = true, strides = array<i32>} : memref<256x128xf32, #tpu.memory_space<vmem>>, vector<1x16xf32>,
      %get3A_659 = arith.index_cast %scan3A_564 : i32 to index
      %get3A_660 = arith.constant 48 : index
      %get3A_661 = tpu.vector_load %arg8[%get3A_659, %get3A_660] {strides = array<i32>} : memref<64x128xf32, #tpu.memory_space<vmem>>, vector<1x16xf32>,
      %get3A_662 = vector.shape_cast %get3A_661 : vector<1x16xf32> to vector<16xf32>
      %add3A_663 = arith.constant 0 : i32
      %add3A_664 = arith.addi %add3A_663, %scan3A_564 : i32
      %swap3A_665 = arith.index_cast %add3A_664 : i32 to index
      %swap3A_666 = arith.constant 48 : index
      %swap3A_667 = tpu.vector_load %arg7[%swap3A_665, %swap3A_666] {strides = array<i32>} : memref<256x128xf32, #tpu.memory_space<vmem>>, vector<1x16xf32>,
      %swap3A_668 = vector.shape_cast %swap3A_667 : vector<1x16xf32> to vector<16xf32>
      %swap3A_669 = vector.shape_cast %get3A_662 : vector<16xf32> to vector<1x16xf32>
      tpu.vector_store %arg7[%swap3A_665, %swap3A_666], %swap3A_669 {add = true, strides = array<i32>} : memref<256x128xf32, #tpu.memory_space<vmem>>, vector<1x16xf32>,
      %add3A_670 = arith.constant 64 : i32
      %add3A_671 = arith.addi %add3A_670, %scan3A_564 : i32
      %swap3A_672 = arith.index_cast %add3A_671 : i32 to index
      %swap3A_673 = arith.constant 48 : index
      %swap3A_674 = tpu.vector_load %arg7[%swap3A_672, %swap3A_673] {strides = array<i32>} : memref<256x128xf32, #tpu.memory_space<vmem>>, vector<1x16xf32>,
      %swap3A_675 = vector.shape_cast %swap3A_674 : vector<1x16xf32> to vector<16xf32>
      %swap3A_676 = vector.shape_cast %get3A_662 : vector<16xf32> to vector<1x16xf32>
      tpu.vector_store %arg7[%swap3A_672, %swap3A_673], %swap3A_676 {add = true, strides = array<i32>} : memref<256x128xf32, #tpu.memory_space<vmem>>, vector<1x16xf32>,
      %add3A_677 = arith.constant 128 : i32
      %add3A_678 = arith.addi %add3A_677, %scan3A_564 : i32
      %swap3A_679 = arith.index_cast %add3A_678 : i32 to index
      %swap3A_680 = arith.constant 48 : index
      %swap3A_681 = tpu.vector_load %arg7[%swap3A_679, %swap3A_680] {strides = array<i32>} : memref<256x128xf32, #tpu.memory_space<vmem>>, vector<1x16xf32>,
      %swap3A_682 = vector.shape_cast %swap3A_681 : vector<1x16xf32> to vector<16xf32>
      %swap3A_683 = vector.shape_cast %get3A_662 : vector<16xf32> to vector<1x16xf32>
      tpu.vector_store %arg7[%swap3A_679, %swap3A_680], %swap3A_683 {add = true, strides = array<i32>} : memref<256x128xf32, #tpu.memory_space<vmem>>, vector<1x16xf32>,
      %add3A_684 = arith.constant 192 : i32
      %add3A_685 = arith.addi %add3A_684, %scan3A_564 : i32
      %swap3A_686 = arith.index_cast %add3A_685 : i32 to index
      %swap3A_687 = arith.constant 48 : index
      %swap3A_688 = tpu.vector_load %arg7[%swap3A_686, %swap3A_687] {strides = array<i32>} : memref<256x128xf32, #tpu.memory_space<vmem>>, vector<1x16xf32>,
      %swap3A_689 = vector.shape_cast %swap3A_688 : vector<1x16xf32> to vector<16xf32>
      %swap3A_690 = vector.shape_cast %get3A_662 : vector<16xf32> to vector<1x16xf32>
      tpu.vector_store %arg7[%swap3A_686, %swap3A_687], %swap3A_690 {add = true, strides = array<i32>} : memref<256x128xf32, #tpu.memory_space<vmem>>, vector<1x16xf32>,
      %get3A_691 = arith.index_cast %scan3A_564 : i32 to index
      %get3A_692 = arith.constant 64 : index
      %get3A_693 = tpu.vector_load %arg8[%get3A_691, %get3A_692] {strides = array<i32>} : memref<64x128xf32, #tpu.memory_space<vmem>>, vector<1x16xf32>,
      %get3A_694 = vector.shape_cast %get3A_693 : vector<1x16xf32> to vector<16xf32>
      %add3A_695 = arith.constant 0 : i32
      %add3A_696 = arith.addi %add3A_695, %scan3A_564 : i32
      %swap3A_697 = arith.index_cast %add3A_696 : i32 to index
      %swap3A_698 = arith.constant 64 : index
      %swap3A_699 = tpu.vector_load %arg7[%swap3A_697, %swap3A_698] {strides = array<i32>} : memref<256x128xf32, #tpu.memory_space<vmem>>, vector<1x16xf32>,
      %swap3A_700 = vector.shape_cast %swap3A_699 : vector<1x16xf32> to vector<16xf32>
      %swap3A_701 = vector.shape_cast %get3A_694 : vector<16xf32> to vector<1x16xf32>
      tpu.vector_store %arg7[%swap3A_697, %swap3A_698], %swap3A_701 {add = true, strides = array<i32>} : memref<256x128xf32, #tpu.memory_space<vmem>>, vector<1x16xf32>,
      %add3A_702 = arith.constant 64 : i32
      %add3A_703 = arith.addi %add3A_702, %scan3A_564 : i32
      %swap3A_704 = arith.index_cast %add3A_703 : i32 to index
      %swap3A_705 = arith.constant 64 : index
      %swap3A_706 = tpu.vector_load %arg7[%swap3A_704, %swap3A_705] {strides = array<i32>} : memref<256x128xf32, #tpu.memory_space<vmem>>, vector<1x16xf32>,
      %swap3A_707 = vector.shape_cast %swap3A_706 : vector<1x16xf32> to vector<16xf32>
      %swap3A_708 = vector.shape_cast %get3A_694 : vector<16xf32> to vector<1x16xf32>
      tpu.vector_store %arg7[%swap3A_704, %swap3A_705], %swap3A_708 {add = true, strides = array<i32>} : memref<256x128xf32, #tpu.memory_space<vmem>>, vector<1x16xf32>,
      %add3A_709 = arith.constant 128 : i32
      %add3A_710 = arith.addi %add3A_709, %scan3A_564 : i32
      %swap3A_711 = arith.index_cast %add3A_710 : i32 to index
      %swap3A_712 = arith.constant 64 : index
      %swap3A_713 = tpu.vector_load %arg7[%swap3A_711, %swap3A_712] {strides = array<i32>} : memref<256x128xf32, #tpu.memory_space<vmem>>, vector<1x16xf32>,
      %swap3A_714 = vector.shape_cast %swap3A_713 : vector<1x16xf32> to vector<16xf32>
      %swap3A_715 = vector.shape_cast %get3A_694 : vector<16xf32> to vector<1x16xf32>
      tpu.vector_store %arg7[%swap3A_711, %swap3A_712], %swap3A_715 {add = true, strides = array<i32>} : memref<256x128xf32, #tpu.memory_space<vmem>>, vector<1x16xf32>,
      %add3A_716 = arith.constant 192 : i32
      %add3A_717 = arith.addi %add3A_716, %scan3A_564 : i32
      %swap3A_718 = arith.index_cast %add3A_717 : i32 to index
      %swap3A_719 = arith.constant 64 : index
      %swap3A_720 = tpu.vector_load %arg7[%swap3A_718, %swap3A_719] {strides = array<i32>} : memref<256x128xf32, #tpu.memory_space<vmem>>, vector<1x16xf32>,
      %swap3A_721 = vector.shape_cast %swap3A_720 : vector<1x16xf32> to vector<16xf32>
      %swap3A_722 = vector.shape_cast %get3A_694 : vector<16xf32> to vector<1x16xf32>
      tpu.vector_store %arg7[%swap3A_718, %swap3A_719], %swap3A_722 {add = true, strides = array<i32>} : memref<256x128xf32, #tpu.memory_space<vmem>>, vector<1x16xf32>,
      %get3A_723 = arith.index_cast %scan3A_564 : i32 to index
      %get3A_724 = arith.constant 80 : index
      %get3A_725 = tpu.vector_load %arg8[%get3A_723, %get3A_724] {strides = array<i32>} : memref<64x128xf32, #tpu.memory_space<vmem>>, vector<1x16xf32>,
      %get3A_726 = vector.shape_cast %get3A_725 : vector<1x16xf32> to vector<16xf32>
      %add3A_727 = arith.constant 0 : i32
      %add3A_728 = arith.addi %add3A_727, %scan3A_564 : i32
      %swap3A_729 = arith.index_cast %add3A_728 : i32 to index
      %swap3A_730 = arith.constant 80 : index
      %swap3A_731 = tpu.vector_load %arg7[%swap3A_729, %swap3A_730] {strides = array<i32>} : memref<256x128xf32, #tpu.memory_space<vmem>>, vector<1x16xf32>,
      %swap3A_732 = vector.shape_cast %swap3A_731 : vector<1x16xf32> to vector<16xf32>
      %swap3A_733 = vector.shape_cast %get3A_726 : vector<16xf32> to vector<1x16xf32>
      tpu.vector_store %arg7[%swap3A_729, %swap3A_730], %swap3A_733 {add = true, strides = array<i32>} : memref<256x128xf32, #tpu.memory_space<vmem>>, vector<1x16xf32>,
      %add3A_734 = arith.constant 64 : i32
      %add3A_735 = arith.addi %add3A_734, %scan3A_564 : i32
      %swap3A_736 = arith.index_cast %add3A_735 : i32 to index
      %swap3A_737 = arith.constant 80 : index
      %swap3A_738 = tpu.vector_load %arg7[%swap3A_736, %swap3A_737] {strides = array<i32>} : memref<256x128xf32, #tpu.memory_space<vmem>>, vector<1x16xf32>,
      %swap3A_739 = vector.shape_cast %swap3A_738 : vector<1x16xf32> to vector<16xf32>
      %swap3A_740 = vector.shape_cast %get3A_726 : vector<16xf32> to vector<1x16xf32>
      tpu.vector_store %arg7[%swap3A_736, %swap3A_737], %swap3A_740 {add = true, strides = array<i32>} : memref<256x128xf32, #tpu.memory_space<vmem>>, vector<1x16xf32>,
      %add3A_741 = arith.constant 128 : i32
      %add3A_742 = arith.addi %add3A_741, %scan3A_564 : i32
      %swap3A_743 = arith.index_cast %add3A_742 : i32 to index
      %swap3A_744 = arith.constant 80 : index
      %swap3A_745 = tpu.vector_load %arg7[%swap3A_743, %swap3A_744] {strides = array<i32>} : memref<256x128xf32, #tpu.memory_space<vmem>>, vector<1x16xf32>,
      %swap3A_746 = vector.shape_cast %swap3A_745 : vector<1x16xf32> to vector<16xf32>
      %swap3A_747 = vector.shape_cast %get3A_726 : vector<16xf32> to vector<1x16xf32>
      tpu.vector_store %arg7[%swap3A_743, %swap3A_744], %swap3A_747 {add = true, strides = array<i32>} : memref<256x128xf32, #tpu.memory_space<vmem>>, vector<1x16xf32>,
      %add3A_748 = arith.constant 192 : i32
      %add3A_749 = arith.addi %add3A_748, %scan3A_564 : i32
      %swap3A_750 = arith.index_cast %add3A_749 : i32 to index
      %swap3A_751 = arith.constant 80 : index
      %swap3A_752 = tpu.vector_load %arg7[%swap3A_750, %swap3A_751] {strides = array<i32>} : memref<256x128xf32, #tpu.memory_space<vmem>>, vector<1x16xf32>,
      %swap3A_753 = vector.shape_cast %swap3A_752 : vector<1x16xf32> to vector<16xf32>
      %swap3A_754 = vector.shape_cast %get3A_726 : vector<16xf32> to vector<1x16xf32>
      tpu.vector_store %arg7[%swap3A_750, %swap3A_751], %swap3A_754 {add = true, strides = array<i32>} : memref<256x128xf32, #tpu.memory_space<vmem>>, vector<1x16xf32>,
      %get3A_755 = arith.index_cast %scan3A_564 : i32 to index
      %get3A_756 = arith.constant 96 : index
      %get3A_757 = tpu.vector_load %arg8[%get3A_755, %get3A_756] {strides = array<i32>} : memref<64x128xf32, #tpu.memory_space<vmem>>, vector<1x16xf32>,
      %get3A_758 = vector.shape_cast %get3A_757 : vector<1x16xf32> to vector<16xf32>
      %add3A_759 = arith.constant 0 : i32
      %add3A_760 = arith.addi %add3A_759, %scan3A_564 : i32
      %swap3A_761 = arith.index_cast %add3A_760 : i32 to index
      %swap3A_762 = arith.constant 96 : index
      %swap3A_763 = tpu.vector_load %arg7[%swap3A_761, %swap3A_762] {strides = array<i32>} : memref<256x128xf32, #tpu.memory_space<vmem>>, vector<1x16xf32>,
      %swap3A_764 = vector.shape_cast %swap3A_763 : vector<1x16xf32> to vector<16xf32>
      %swap3A_765 = vector.shape_cast %get3A_758 : vector<16xf32> to vector<1x16xf32>
      tpu.vector_store %arg7[%swap3A_761, %swap3A_762], %swap3A_765 {add = true, strides = array<i32>} : memref<256x128xf32, #tpu.memory_space<vmem>>, vector<1x16xf32>,
      %add3A_766 = arith.constant 64 : i32
      %add3A_767 = arith.addi %add3A_766, %scan3A_564 : i32
      %swap3A_768 = arith.index_cast %add3A_767 : i32 to index
      %swap3A_769 = arith.constant 96 : index
      %swap3A_770 = tpu.vector_load %arg7[%swap3A_768, %swap3A_769] {strides = array<i32>} : memref<256x128xf32, #tpu.memory_space<vmem>>, vector<1x16xf32>,
      %swap3A_771 = vector.shape_cast %swap3A_770 : vector<1x16xf32> to vector<16xf32>
      %swap3A_772 = vector.shape_cast %get3A_758 : vector<16xf32> to vector<1x16xf32>
      tpu.vector_store %arg7[%swap3A_768, %swap3A_769], %swap3A_772 {add = true, strides = array<i32>} : memref<256x128xf32, #tpu.memory_space<vmem>>, vector<1x16xf32>,
      %add3A_773 = arith.constant 128 : i32
      %add3A_774 = arith.addi %add3A_773, %scan3A_564 : i32
      %swap3A_775 = arith.index_cast %add3A_774 : i32 to index
      %swap3A_776 = arith.constant 96 : index
      %swap3A_777 = tpu.vector_load %arg7[%swap3A_775, %swap3A_776] {strides = array<i32>} : memref<256x128xf32, #tpu.memory_space<vmem>>, vector<1x16xf32>,
      %swap3A_778 = vector.shape_cast %swap3A_777 : vector<1x16xf32> to vector<16xf32>
      %swap3A_779 = vector.shape_cast %get3A_758 : vector<16xf32> to vector<1x16xf32>
      tpu.vector_store %arg7[%swap3A_775, %swap3A_776], %swap3A_779 {add = true, strides = array<i32>} : memref<256x128xf32, #tpu.memory_space<vmem>>, vector<1x16xf32>,
      %add3A_780 = arith.constant 192 : i32
      %add3A_781 = arith.addi %add3A_780, %scan3A_564 : i32
      %swap3A_782 = arith.index_cast %add3A_781 : i32 to index
      %swap3A_783 = arith.constant 96 : index
      %swap3A_784 = tpu.vector_load %arg7[%swap3A_782, %swap3A_783] {strides = array<i32>} : memref<256x128xf32, #tpu.memory_space<vmem>>, vector<1x16xf32>,
      %swap3A_785 = vector.shape_cast %swap3A_784 : vector<1x16xf32> to vector<16xf32>
      %swap3A_786 = vector.shape_cast %get3A_758 : vector<16xf32> to vector<1x16xf32>
      tpu.vector_store %arg7[%swap3A_782, %swap3A_783], %swap3A_786 {add = true, strides = array<i32>} : memref<256x128xf32, #tpu.memory_space<vmem>>, vector<1x16xf32>,
      %get3A_787 = arith.index_cast %scan3A_564 : i32 to index
      %get3A_788 = arith.constant 112 : index
      %get3A_789 = tpu.vector_load %arg8[%get3A_787, %get3A_788] {strides = array<i32>} : memref<64x128xf32, #tpu.memory_space<vmem>>, vector<1x16xf32>,
      %get3A_790 = vector.shape_cast %get3A_789 : vector<1x16xf32> to vector<16xf32>
      %add3A_791 = arith.constant 0 : i32
      %add3A_792 = arith.addi %add3A_791, %scan3A_564 : i32
      %swap3A_793 = arith.index_cast %add3A_792 : i32 to index
      %swap3A_794 = arith.constant 112 : index
      %swap3A_795 = tpu.vector_load %arg7[%swap3A_793, %swap3A_794] {strides = array<i32>} : memref<256x128xf32, #tpu.memory_space<vmem>>, vector<1x16xf32>,
      %swap3A_796 = vector.shape_cast %swap3A_795 : vector<1x16xf32> to vector<16xf32>
      %swap3A_797 = vector.shape_cast %get3A_790 : vector<16xf32> to vector<1x16xf32>
      tpu.vector_store %arg7[%swap3A_793, %swap3A_794], %swap3A_797 {add = true, strides = array<i32>} : memref<256x128xf32, #tpu.memory_space<vmem>>, vector<1x16xf32>,
      %add3A_798 = arith.constant 64 : i32
      %add3A_799 = arith.addi %add3A_798, %scan3A_564 : i32
      %swap3A_800 = arith.index_cast %add3A_799 : i32 to index
      %swap3A_801 = arith.constant 112 : index
      %swap3A_802 = tpu.vector_load %arg7[%swap3A_800, %swap3A_801] {strides = array<i32>} : memref<256x128xf32, #tpu.memory_space<vmem>>, vector<1x16xf32>,
      %swap3A_803 = vector.shape_cast %swap3A_802 : vector<1x16xf32> to vector<16xf32>
      %swap3A_804 = vector.shape_cast %get3A_790 : vector<16xf32> to vector<1x16xf32>
      tpu.vector_store %arg7[%swap3A_800, %swap3A_801], %swap3A_804 {add = true, strides = array<i32>} : memref<256x128xf32, #tpu.memory_space<vmem>>, vector<1x16xf32>,
      %add3A_805 = arith.constant 128 : i32
      %add3A_806 = arith.addi %add3A_805, %scan3A_564 : i32
      %swap3A_807 = arith.index_cast %add3A_806 : i32 to index
      %swap3A_808 = arith.constant 112 : index
      %swap3A_809 = tpu.vector_load %arg7[%swap3A_807, %swap3A_808] {strides = array<i32>} : memref<256x128xf32, #tpu.memory_space<vmem>>, vector<1x16xf32>,
      %swap3A_810 = vector.shape_cast %swap3A_809 : vector<1x16xf32> to vector<16xf32>
      %swap3A_811 = vector.shape_cast %get3A_790 : vector<16xf32> to vector<1x16xf32>
      tpu.vector_store %arg7[%swap3A_807, %swap3A_808], %swap3A_811 {add = true, strides = array<i32>} : memref<256x128xf32, #tpu.memory_space<vmem>>, vector<1x16xf32>,
      %add3A_812 = arith.constant 192 : i32
      %add3A_813 = arith.addi %add3A_812, %scan3A_564 : i32
      %swap3A_814 = arith.index_cast %add3A_813 : i32 to index
      %swap3A_815 = arith.constant 112 : index
      %swap3A_816 = tpu.vector_load %arg7[%swap3A_814, %swap3A_815] {strides = array<i32>} : memref<256x128xf32, #tpu.memory_space<vmem>>, vector<1x16xf32>,
      %swap3A_817 = vector.shape_cast %swap3A_816 : vector<1x16xf32> to vector<16xf32>
      %swap3A_818 = vector.shape_cast %get3A_790 : vector<16xf32> to vector<1x16xf32>
      tpu.vector_store %arg7[%swap3A_814, %swap3A_815], %swap3A_818 {add = true, strides = array<i32>} : memref<256x128xf32, #tpu.memory_space<vmem>>, vector<1x16xf32>,
    }
    %scan3A_347 = arith.constant 16 : i32
    %add3A_348 = arith.constant 0 : i32
    %add3A_349 = arith.addi %add3A_348, %mul3A_2 : i32
    %add3A_350 = arith.constant 48 : i32
    %add3A_351 = arith.addi %add3A_349, %add3A_350 : i32
    %dma_start3A_352 = arith.constant 48 : i32
    %dma_start3A_353 = arith.constant 0 : i32
    %dma_start3A_354 = tpu.memref_slice %arg7[%dma_start3A_352, %dma_start3A_353] : memref<256x128xf32, #tpu.memory_space<vmem>> -> memref<16x128xf32, #tpu.memory_space<vmem>>
    %dma_start3A_355 = arith.constant 0 : i32
    %dma_start3A_356 = tpu.memref_slice %arg5[%add3A_351, %dma_start3A_355] : memref<8192x128xf32, #tpu.memory_space<hbm>> -> memref<16x128xf32, #tpu.memory_space<hbm>>
    %dma_start3A_357 = arith.constant 0 : i32
    %dma_start3A_358 = tpu.memref_slice %arg5[%add3A_351, %dma_start3A_357] : memref<8192x128xf32, #tpu.memory_space<hbm>> -> memref<16x128xf32, #tpu.memory_space<hbm>>
    %dma_start3A_359 = arith.constant 48 : i32
    %dma_start3A_360 = arith.constant 0 : i32
    %dma_start3A_361 = tpu.memref_slice %arg7[%dma_start3A_359, %dma_start3A_360] : memref<256x128xf32, #tpu.memory_space<vmem>> -> memref<16x128xf32, #tpu.memory_space<vmem>>
    tpu.enqueue_dma source(%dma_start3A_361 : memref<16x128xf32, #tpu.memory_space<vmem>>) target(%dma_start3A_358 : memref<16x128xf32, #tpu.memory_space<hbm>>) target_semaphore(%arg12 : memref<!tpu.dma_semaphore, #tpu.memory_space<semaphore_mem>>)
    %add3A_362 = arith.constant 2048 : i32
    %add3A_363 = arith.addi %add3A_362, %mul3A_2 : i32
    %add3A_364 = arith.constant 48 : i32
    %add3A_365 = arith.addi %add3A_363, %add3A_364 : i32
    %dma_start3A_366 = arith.constant 112 : i32
    %dma_start3A_367 = arith.constant 0 : i32
    %dma_start3A_368 = tpu.memref_slice %arg7[%dma_start3A_366, %dma_start3A_367] : memref<256x128xf32, #tpu.memory_space<vmem>> -> memref<16x128xf32, #tpu.memory_space<vmem>>
    %dma_start3A_369 = arith.constant 0 : i32
    %dma_start3A_370 = tpu.memref_slice %arg5[%add3A_365, %dma_start3A_369] : memref<8192x128xf32, #tpu.memory_space<hbm>> -> memref<16x128xf32, #tpu.memory_space<hbm>>
    %dma_start3A_371 = arith.constant 0 : i32
    %dma_start3A_372 = tpu.memref_slice %arg5[%add3A_365, %dma_start3A_371] : memref<8192x128xf32, #tpu.memory_space<hbm>> -> memref<16x128xf32, #tpu.memory_space<hbm>>
    %dma_start3A_373 = arith.constant 112 : i32
    %dma_start3A_374 = arith.constant 0 : i32
    %dma_start3A_375 = tpu.memref_slice %arg7[%dma_start3A_373, %dma_start3A_374] : memref<256x128xf32, #tpu.memory_space<vmem>> -> memref<16x128xf32, #tpu.memory_space<vmem>>
    tpu.enqueue_dma source(%dma_start3A_375 : memref<16x128xf32, #tpu.memory_space<vmem>>) target(%dma_start3A_372 : memref<16x128xf32, #tpu.memory_space<hbm>>) target_semaphore(%arg12 : memref<!tpu.dma_semaphore, #tpu.memory_space<semaphore_mem>>)
    %add3A_376 = arith.constant 4096 : i32
    %add3A_377 = arith.addi %add3A_376, %mul3A_2 : i32
    %add3A_378 = arith.constant 48 : i32
    %add3A_379 = arith.addi %add3A_377, %add3A_378 : i32
    %dma_start3A_380 = arith.constant 176 : i32
    %dma_start3A_381 = arith.constant 0 : i32
    %dma_start3A_382 = tpu.memref_slice %arg7[%dma_start3A_380, %dma_start3A_381] : memref<256x128xf32, #tpu.memory_space<vmem>> -> memref<16x128xf32, #tpu.memory_space<vmem>>
    %dma_start3A_383 = arith.constant 0 : i32
    %dma_start3A_384 = tpu.memref_slice %arg5[%add3A_379, %dma_start3A_383] : memref<8192x128xf32, #tpu.memory_space<hbm>> -> memref<16x128xf32, #tpu.memory_space<hbm>>
    %dma_start3A_385 = arith.constant 0 : i32
    %dma_start3A_386 = tpu.memref_slice %arg5[%add3A_379, %dma_start3A_385] : memref<8192x128xf32, #tpu.memory_space<hbm>> -> memref<16x128xf32, #tpu.memory_space<hbm>>
    %dma_start3A_387 = arith.constant 176 : i32
    %dma_start3A_388 = arith.constant 0 : i32
    %dma_start3A_389 = tpu.memref_slice %arg7[%dma_start3A_387, %dma_start3A_388] : memref<256x128xf32, #tpu.memory_space<vmem>> -> memref<16x128xf32, #tpu.memory_space<vmem>>
    tpu.enqueue_dma source(%dma_start3A_389 : memref<16x128xf32, #tpu.memory_space<vmem>>) target(%dma_start3A_386 : memref<16x128xf32, #tpu.memory_space<hbm>>) target_semaphore(%arg12 : memref<!tpu.dma_semaphore, #tpu.memory_space<semaphore_mem>>)
    %add3A_390 = arith.constant 6144 : i32
    %add3A_391 = arith.addi %add3A_390, %mul3A_2 : i32
    %add3A_392 = arith.constant 48 : i32
    %add3A_393 = arith.addi %add3A_391, %add3A_392 : i32
    %dma_start3A_394 = arith.constant 240 : i32
    %dma_start3A_395 = arith.constant 0 : i32
    %dma_start3A_396 = tpu.memref_slice %arg7[%dma_start3A_394, %dma_start3A_395] : memref<256x128xf32, #tpu.memory_space<vmem>> -> memref<16x128xf32, #tpu.memory_space<vmem>>
    %dma_start3A_397 = arith.constant 0 : i32
    %dma_start3A_398 = tpu.memref_slice %arg5[%add3A_393, %dma_start3A_397] : memref<8192x128xf32, #tpu.memory_space<hbm>> -> memref<16x128xf32, #tpu.memory_space<hbm>>
    %dma_start3A_399 = arith.constant 0 : i32
    %dma_start3A_400 = tpu.memref_slice %arg5[%add3A_393, %dma_start3A_399] : memref<8192x128xf32, #tpu.memory_space<hbm>> -> memref<16x128xf32, #tpu.memory_space<hbm>>
    %dma_start3A_401 = arith.constant 240 : i32
    %dma_start3A_402 = arith.constant 0 : i32
    %dma_start3A_403 = tpu.memref_slice %arg7[%dma_start3A_401, %dma_start3A_402] : memref<256x128xf32, #tpu.memory_space<vmem>> -> memref<16x128xf32, #tpu.memory_space<vmem>>
    tpu.enqueue_dma source(%dma_start3A_403 : memref<16x128xf32, #tpu.memory_space<vmem>>) target(%dma_start3A_400 : memref<16x128xf32, #tpu.memory_space<hbm>>) target_semaphore(%arg12 : memref<!tpu.dma_semaphore, #tpu.memory_space<semaphore_mem>>)
    %dma_wait3A_404 = arith.constant 0 : i32
    %dma_wait3A_405 = arith.constant 0 : i32
    %dma_wait3A_406 = tpu.memref_slice %arg7[%dma_wait3A_404, %dma_wait3A_405] : memref<256x128xf32, #tpu.memory_space<vmem>> -> memref<16x128xf32, #tpu.memory_space<vmem>>
    %dma_wait3A_407 = arith.constant 0 : i32
    %dma_wait3A_408 = tpu.memref_slice %arg5[%add3A_165, %dma_wait3A_407] : memref<8192x128xf32, #tpu.memory_space<hbm>> -> memref<16x128xf32, #tpu.memory_space<hbm>>
    %dma_wait3A_409 = arith.constant 0 : i32
    %dma_wait3A_410 = tpu.memref_slice %arg5[%add3A_165, %dma_wait3A_409] : memref<8192x128xf32, #tpu.memory_space<hbm>> -> memref<16x128xf32, #tpu.memory_space<hbm>>
    %dma_wait3A_411 = arith.constant 0 : i32
    %dma_wait3A_412 = arith.constant 0 : i32
    %dma_wait3A_413 = tpu.memref_slice %arg7[%dma_wait3A_411, %dma_wait3A_412] : memref<256x128xf32, #tpu.memory_space<vmem>> -> memref<16x128xf32, #tpu.memory_space<vmem>>
    tpu.wait_dma2 semaphore(%arg12 : memref<!tpu.dma_semaphore, #tpu.memory_space<semaphore_mem>>) src(%dma_wait3A_413 : memref<16x128xf32, #tpu.memory_space<vmem>>) dst(%dma_wait3A_410 : memref<16x128xf32, #tpu.memory_space<hbm>>)
    %dma_wait3A_414 = arith.constant 64 : i32
    %dma_wait3A_415 = arith.constant 0 : i32
    %dma_wait3A_416 = tpu.memref_slice %arg7[%dma_wait3A_414, %dma_wait3A_415] : memref<256x128xf32, #tpu.memory_space<vmem>> -> memref<16x128xf32, #tpu.memory_space<vmem>>
    %dma_wait3A_417 = arith.constant 0 : i32
    %dma_wait3A_418 = tpu.memref_slice %arg5[%add3A_179, %dma_wait3A_417] : memref<8192x128xf32, #tpu.memory_space<hbm>> -> memref<16x128xf32, #tpu.memory_space<hbm>>
    %dma_wait3A_419 = arith.constant 0 : i32
    %dma_wait3A_420 = tpu.memref_slice %arg5[%add3A_179, %dma_wait3A_419] : memref<8192x128xf32, #tpu.memory_space<hbm>> -> memref<16x128xf32, #tpu.memory_space<hbm>>
    %dma_wait3A_421 = arith.constant 64 : i32
    %dma_wait3A_422 = arith.constant 0 : i32
    %dma_wait3A_423 = tpu.memref_slice %arg7[%dma_wait3A_421, %dma_wait3A_422] : memref<256x128xf32, #tpu.memory_space<vmem>> -> memref<16x128xf32, #tpu.memory_space<vmem>>
    tpu.wait_dma2 semaphore(%arg12 : memref<!tpu.dma_semaphore, #tpu.memory_space<semaphore_mem>>) src(%dma_wait3A_423 : memref<16x128xf32, #tpu.memory_space<vmem>>) dst(%dma_wait3A_420 : memref<16x128xf32, #tpu.memory_space<hbm>>)
    %dma_wait3A_424 = arith.constant 128 : i32
    %dma_wait3A_425 = arith.constant 0 : i32
    %dma_wait3A_426 = tpu.memref_slice %arg7[%dma_wait3A_424, %dma_wait3A_425] : memref<256x128xf32, #tpu.memory_space<vmem>> -> memref<16x128xf32, #tpu.memory_space<vmem>>
    %dma_wait3A_427 = arith.constant 0 : i32
    %dma_wait3A_428 = tpu.memref_slice %arg5[%add3A_193, %dma_wait3A_427] : memref<8192x128xf32, #tpu.memory_space<hbm>> -> memref<16x128xf32, #tpu.memory_space<hbm>>
    %dma_wait3A_429 = arith.constant 0 : i32
    %dma_wait3A_430 = tpu.memref_slice %arg5[%add3A_193, %dma_wait3A_429] : memref<8192x128xf32, #tpu.memory_space<hbm>> -> memref<16x128xf32, #tpu.memory_space<hbm>>
    %dma_wait3A_431 = arith.constant 128 : i32
    %dma_wait3A_432 = arith.constant 0 : i32
    %dma_wait3A_433 = tpu.memref_slice %arg7[%dma_wait3A_431, %dma_wait3A_432] : memref<256x128xf32, #tpu.memory_space<vmem>> -> memref<16x128xf32, #tpu.memory_space<vmem>>
    tpu.wait_dma2 semaphore(%arg12 : memref<!tpu.dma_semaphore, #tpu.memory_space<semaphore_mem>>) src(%dma_wait3A_433 : memref<16x128xf32, #tpu.memory_space<vmem>>) dst(%dma_wait3A_430 : memref<16x128xf32, #tpu.memory_space<hbm>>)
    %dma_wait3A_434 = arith.constant 192 : i32
    %dma_wait3A_435 = arith.constant 0 : i32
    %dma_wait3A_436 = tpu.memref_slice %arg7[%dma_wait3A_434, %dma_wait3A_435] : memref<256x128xf32, #tpu.memory_space<vmem>> -> memref<16x128xf32, #tpu.memory_space<vmem>>
    %dma_wait3A_437 = arith.constant 0 : i32
    %dma_wait3A_438 = tpu.memref_slice %arg5[%add3A_207, %dma_wait3A_437] : memref<8192x128xf32, #tpu.memory_space<hbm>> -> memref<16x128xf32, #tpu.memory_space<hbm>>
    %dma_wait3A_439 = arith.constant 0 : i32
    %dma_wait3A_440 = tpu.memref_slice %arg5[%add3A_207, %dma_wait3A_439] : memref<8192x128xf32, #tpu.memory_space<hbm>> -> memref<16x128xf32, #tpu.memory_space<hbm>>
    %dma_wait3A_441 = arith.constant 192 : i32
    %dma_wait3A_442 = arith.constant 0 : i32
    %dma_wait3A_443 = tpu.memref_slice %arg7[%dma_wait3A_441, %dma_wait3A_442] : memref<256x128xf32, #tpu.memory_space<vmem>> -> memref<16x128xf32, #tpu.memory_space<vmem>>
    tpu.wait_dma2 semaphore(%arg12 : memref<!tpu.dma_semaphore, #tpu.memory_space<semaphore_mem>>) src(%dma_wait3A_443 : memref<16x128xf32, #tpu.memory_space<vmem>>) dst(%dma_wait3A_440 : memref<16x128xf32, #tpu.memory_space<hbm>>)
    %dma_wait3A_444 = arith.constant 16 : i32
    %dma_wait3A_445 = arith.constant 0 : i32
    %dma_wait3A_446 = tpu.memref_slice %arg7[%dma_wait3A_444, %dma_wait3A_445] : memref<256x128xf32, #tpu.memory_space<vmem>> -> memref<16x128xf32, #tpu.memory_space<vmem>>
    %dma_wait3A_447 = arith.constant 0 : i32
    %dma_wait3A_448 = tpu.memref_slice %arg5[%add3A_227, %dma_wait3A_447] : memref<8192x128xf32, #tpu.memory_space<hbm>> -> memref<16x128xf32, #tpu.memory_space<hbm>>
    %dma_wait3A_449 = arith.constant 0 : i32
    %dma_wait3A_450 = tpu.memref_slice %arg5[%add3A_227, %dma_wait3A_449] : memref<8192x128xf32, #tpu.memory_space<hbm>> -> memref<16x128xf32, #tpu.memory_space<hbm>>
    %dma_wait3A_451 = arith.constant 16 : i32
    %dma_wait3A_452 = arith.constant 0 : i32
    %dma_wait3A_453 = tpu.memref_slice %arg7[%dma_wait3A_451, %dma_wait3A_452] : memref<256x128xf32, #tpu.memory_space<vmem>> -> memref<16x128xf32, #tpu.memory_space<vmem>>
    tpu.wait_dma2 semaphore(%arg12 : memref<!tpu.dma_semaphore, #tpu.memory_space<semaphore_mem>>) src(%dma_wait3A_453 : memref<16x128xf32, #tpu.memory_space<vmem>>) dst(%dma_wait3A_450 : memref<16x128xf32, #tpu.memory_space<hbm>>)
    %dma_wait3A_454 = arith.constant 80 : i32
    %dma_wait3A_455 = arith.constant 0 : i32
    %dma_wait3A_456 = tpu.memref_slice %arg7[%dma_wait3A_454, %dma_wait3A_455] : memref<256x128xf32, #tpu.memory_space<vmem>> -> memref<16x128xf32, #tpu.memory_space<vmem>>
    %dma_wait3A_457 = arith.constant 0 : i32
    %dma_wait3A_458 = tpu.memref_slice %arg5[%add3A_241, %dma_wait3A_457] : memref<8192x128xf32, #tpu.memory_space<hbm>> -> memref<16x128xf32, #tpu.memory_space<hbm>>
    %dma_wait3A_459 = arith.constant 0 : i32
    %dma_wait3A_460 = tpu.memref_slice %arg5[%add3A_241, %dma_wait3A_459] : memref<8192x128xf32, #tpu.memory_space<hbm>> -> memref<16x128xf32, #tpu.memory_space<hbm>>
    %dma_wait3A_461 = arith.constant 80 : i32
    %dma_wait3A_462 = arith.constant 0 : i32
    %dma_wait3A_463 = tpu.memref_slice %arg7[%dma_wait3A_461, %dma_wait3A_462] : memref<256x128xf32, #tpu.memory_space<vmem>> -> memref<16x128xf32, #tpu.memory_space<vmem>>
    tpu.wait_dma2 semaphore(%arg12 : memref<!tpu.dma_semaphore, #tpu.memory_space<semaphore_mem>>) src(%dma_wait3A_463 : memref<16x128xf32, #tpu.memory_space<vmem>>) dst(%dma_wait3A_460 : memref<16x128xf32, #tpu.memory_space<hbm>>)
    %dma_wait3A_464 = arith.constant 144 : i32
    %dma_wait3A_465 = arith.constant 0 : i32
    %dma_wait3A_466 = tpu.memref_slice %arg7[%dma_wait3A_464, %dma_wait3A_465] : memref<256x128xf32, #tpu.memory_space<vmem>> -> memref<16x128xf32, #tpu.memory_space<vmem>>
    %dma_wait3A_467 = arith.constant 0 : i32
    %dma_wait3A_468 = tpu.memref_slice %arg5[%add3A_255, %dma_wait3A_467] : memref<8192x128xf32, #tpu.memory_space<hbm>> -> memref<16x128xf32, #tpu.memory_space<hbm>>
    %dma_wait3A_469 = arith.constant 0 : i32
    %dma_wait3A_470 = tpu.memref_slice %arg5[%add3A_255, %dma_wait3A_469] : memref<8192x128xf32, #tpu.memory_space<hbm>> -> memref<16x128xf32, #tpu.memory_space<hbm>>
    %dma_wait3A_471 = arith.constant 144 : i32
    %dma_wait3A_472 = arith.constant 0 : i32
    %dma_wait3A_473 = tpu.memref_slice %arg7[%dma_wait3A_471, %dma_wait3A_472] : memref<256x128xf32, #tpu.memory_space<vmem>> -> memref<16x128xf32, #tpu.memory_space<vmem>>
    tpu.wait_dma2 semaphore(%arg12 : memref<!tpu.dma_semaphore, #tpu.memory_space<semaphore_mem>>) src(%dma_wait3A_473 : memref<16x128xf32, #tpu.memory_space<vmem>>) dst(%dma_wait3A_470 : memref<16x128xf32, #tpu.memory_space<hbm>>)
    %dma_wait3A_474 = arith.constant 208 : i32
    %dma_wait3A_475 = arith.constant 0 : i32
    %dma_wait3A_476 = tpu.memref_slice %arg7[%dma_wait3A_474, %dma_wait3A_475] : memref<256x128xf32, #tpu.memory_space<vmem>> -> memref<16x128xf32, #tpu.memory_space<vmem>>
    %dma_wait3A_477 = arith.constant 0 : i32
    %dma_wait3A_478 = tpu.memref_slice %arg5[%add3A_269, %dma_wait3A_477] : memref<8192x128xf32, #tpu.memory_space<hbm>> -> memref<16x128xf32, #tpu.memory_space<hbm>>
    %dma_wait3A_479 = arith.constant 0 : i32
    %dma_wait3A_480 = tpu.memref_slice %arg5[%add3A_269, %dma_wait3A_479] : memref<8192x128xf32, #tpu.memory_space<hbm>> -> memref<16x128xf32, #tpu.memory_space<hbm>>
    %dma_wait3A_481 = arith.constant 208 : i32
    %dma_wait3A_482 = arith.constant 0 : i32
    %dma_wait3A_483 = tpu.memref_slice %arg7[%dma_wait3A_481, %dma_wait3A_482] : memref<256x128xf32, #tpu.memory_space<vmem>> -> memref<16x128xf32, #tpu.memory_space<vmem>>
    tpu.wait_dma2 semaphore(%arg12 : memref<!tpu.dma_semaphore, #tpu.memory_space<semaphore_mem>>) src(%dma_wait3A_483 : memref<16x128xf32, #tpu.memory_space<vmem>>) dst(%dma_wait3A_480 : memref<16x128xf32, #tpu.memory_space<hbm>>)
    %dma_wait3A_484 = arith.constant 32 : i32
    %dma_wait3A_485 = arith.constant 0 : i32
    %dma_wait3A_486 = tpu.memref_slice %arg7[%dma_wait3A_484, %dma_wait3A_485] : memref<256x128xf32, #tpu.memory_space<vmem>> -> memref<16x128xf32, #tpu.memory_space<vmem>>
    %dma_wait3A_487 = arith.constant 0 : i32
    %dma_wait3A_488 = tpu.memref_slice %arg5[%add3A_289, %dma_wait3A_487] : memref<8192x128xf32, #tpu.memory_space<hbm>> -> memref<16x128xf32, #tpu.memory_space<hbm>>
    %dma_wait3A_489 = arith.constant 0 : i32
    %dma_wait3A_490 = tpu.memref_slice %arg5[%add3A_289, %dma_wait3A_489] : memref<8192x128xf32, #tpu.memory_space<hbm>> -> memref<16x128xf32, #tpu.memory_space<hbm>>
    %dma_wait3A_491 = arith.constant 32 : i32
    %dma_wait3A_492 = arith.constant 0 : i32
    %dma_wait3A_493 = tpu.memref_slice %arg7[%dma_wait3A_491, %dma_wait3A_492] : memref<256x128xf32, #tpu.memory_space<vmem>> -> memref<16x128xf32, #tpu.memory_space<vmem>>
    tpu.wait_dma2 semaphore(%arg12 : memref<!tpu.dma_semaphore, #tpu.memory_space<semaphore_mem>>) src(%dma_wait3A_493 : memref<16x128xf32, #tpu.memory_space<vmem>>) dst(%dma_wait3A_490 : memref<16x128xf32, #tpu.memory_space<hbm>>)
    %dma_wait3A_494 = arith.constant 96 : i32
    %dma_wait3A_495 = arith.constant 0 : i32
    %dma_wait3A_496 = tpu.memref_slice %arg7[%dma_wait3A_494, %dma_wait3A_495] : memref<256x128xf32, #tpu.memory_space<vmem>> -> memref<16x128xf32, #tpu.memory_space<vmem>>
    %dma_wait3A_497 = arith.constant 0 : i32
    %dma_wait3A_498 = tpu.memref_slice %arg5[%add3A_303, %dma_wait3A_497] : memref<8192x128xf32, #tpu.memory_space<hbm>> -> memref<16x128xf32, #tpu.memory_space<hbm>>
    %dma_wait3A_499 = arith.constant 0 : i32
    %dma_wait3A_500 = tpu.memref_slice %arg5[%add3A_303, %dma_wait3A_499] : memref<8192x128xf32, #tpu.memory_space<hbm>> -> memref<16x128xf32, #tpu.memory_space<hbm>>
    %dma_wait3A_501 = arith.constant 96 : i32
    %dma_wait3A_502 = arith.constant 0 : i32
    %dma_wait3A_503 = tpu.memref_slice %arg7[%dma_wait3A_501, %dma_wait3A_502] : memref<256x128xf32, #tpu.memory_space<vmem>> -> memref<16x128xf32, #tpu.memory_space<vmem>>
    tpu.wait_dma2 semaphore(%arg12 : memref<!tpu.dma_semaphore, #tpu.memory_space<semaphore_mem>>) src(%dma_wait3A_503 : memref<16x128xf32, #tpu.memory_space<vmem>>) dst(%dma_wait3A_500 : memref<16x128xf32, #tpu.memory_space<hbm>>)
    %dma_wait3A_504 = arith.constant 160 : i32
    %dma_wait3A_505 = arith.constant 0 : i32
    %dma_wait3A_506 = tpu.memref_slice %arg7[%dma_wait3A_504, %dma_wait3A_505] : memref<256x128xf32, #tpu.memory_space<vmem>> -> memref<16x128xf32, #tpu.memory_space<vmem>>
    %dma_wait3A_507 = arith.constant 0 : i32
    %dma_wait3A_508 = tpu.memref_slice %arg5[%add3A_317, %dma_wait3A_507] : memref<8192x128xf32, #tpu.memory_space<hbm>> -> memref<16x128xf32, #tpu.memory_space<hbm>>
    %dma_wait3A_509 = arith.constant 0 : i32
    %dma_wait3A_510 = tpu.memref_slice %arg5[%add3A_317, %dma_wait3A_509] : memref<8192x128xf32, #tpu.memory_space<hbm>> -> memref<16x128xf32, #tpu.memory_space<hbm>>
    %dma_wait3A_511 = arith.constant 160 : i32
    %dma_wait3A_512 = arith.constant 0 : i32
    %dma_wait3A_513 = tpu.memref_slice %arg7[%dma_wait3A_511, %dma_wait3A_512] : memref<256x128xf32, #tpu.memory_space<vmem>> -> memref<16x128xf32, #tpu.memory_space<vmem>>
    tpu.wait_dma2 semaphore(%arg12 : memref<!tpu.dma_semaphore, #tpu.memory_space<semaphore_mem>>) src(%dma_wait3A_513 : memref<16x128xf32, #tpu.memory_space<vmem>>) dst(%dma_wait3A_510 : memref<16x128xf32, #tpu.memory_space<hbm>>)
    %dma_wait3A_514 = arith.constant 224 : i32
    %dma_wait3A_515 = arith.constant 0 : i32
    %dma_wait3A_516 = tpu.memref_slice %arg7[%dma_wait3A_514, %dma_wait3A_515] : memref<256x128xf32, #tpu.memory_space<vmem>> -> memref<16x128xf32, #tpu.memory_space<vmem>>
    %dma_wait3A_517 = arith.constant 0 : i32
    %dma_wait3A_518 = tpu.memref_slice %arg5[%add3A_331, %dma_wait3A_517] : memref<8192x128xf32, #tpu.memory_space<hbm>> -> memref<16x128xf32, #tpu.memory_space<hbm>>
    %dma_wait3A_519 = arith.constant 0 : i32
    %dma_wait3A_520 = tpu.memref_slice %arg5[%add3A_331, %dma_wait3A_519] : memref<8192x128xf32, #tpu.memory_space<hbm>> -> memref<16x128xf32, #tpu.memory_space<hbm>>
    %dma_wait3A_521 = arith.constant 224 : i32
    %dma_wait3A_522 = arith.constant 0 : i32
    %dma_wait3A_523 = tpu.memref_slice %arg7[%dma_wait3A_521, %dma_wait3A_522] : memref<256x128xf32, #tpu.memory_space<vmem>> -> memref<16x128xf32, #tpu.memory_space<vmem>>
    tpu.wait_dma2 semaphore(%arg12 : memref<!tpu.dma_semaphore, #tpu.memory_space<semaphore_mem>>) src(%dma_wait3A_523 : memref<16x128xf32, #tpu.memory_space<vmem>>) dst(%dma_wait3A_520 : memref<16x128xf32, #tpu.memory_space<hbm>>)
    %dma_wait3A_524 = arith.constant 48 : i32
    %dma_wait3A_525 = arith.constant 0 : i32
    %dma_wait3A_526 = tpu.memref_slice %arg7[%dma_wait3A_524, %dma_wait3A_525] : memref<256x128xf32, #tpu.memory_space<vmem>> -> memref<16x128xf32, #tpu.memory_space<vmem>>
    %dma_wait3A_527 = arith.constant 0 : i32
    %dma_wait3A_528 = tpu.memref_slice %arg5[%add3A_351, %dma_wait3A_527] : memref<8192x128xf32, #tpu.memory_space<hbm>> -> memref<16x128xf32, #tpu.memory_space<hbm>>
    %dma_wait3A_529 = arith.constant 0 : i32
    %dma_wait3A_530 = tpu.memref_slice %arg5[%add3A_351, %dma_wait3A_529] : memref<8192x128xf32, #tpu.memory_space<hbm>> -> memref<16x128xf32, #tpu.memory_space<hbm>>
    %dma_wait3A_531 = arith.constant 48 : i32
    %dma_wait3A_532 = arith.constant 0 : i32
    %dma_wait3A_533 = tpu.memref_slice %arg7[%dma_wait3A_531, %dma_wait3A_532] : memref<256x128xf32, #tpu.memory_space<vmem>> -> memref<16x128xf32, #tpu.memory_space<vmem>>
    tpu.wait_dma2 semaphore(%arg12 : memref<!tpu.dma_semaphore, #tpu.memory_space<semaphore_mem>>) src(%dma_wait3A_533 : memref<16x128xf32, #tpu.memory_space<vmem>>) dst(%dma_wait3A_530 : memref<16x128xf32, #tpu.memory_space<hbm>>)
    %dma_wait3A_534 = arith.constant 112 : i32
    %dma_wait3A_535 = arith.constant 0 : i32
    %dma_wait3A_536 = tpu.memref_slice %arg7[%dma_wait3A_534, %dma_wait3A_535] : memref<256x128xf32, #tpu.memory_space<vmem>> -> memref<16x128xf32, #tpu.memory_space<vmem>>
    %dma_wait3A_537 = arith.constant 0 : i32
    %dma_wait3A_538 = tpu.memref_slice %arg5[%add3A_365, %dma_wait3A_537] : memref<8192x128xf32, #tpu.memory_space<hbm>> -> memref<16x128xf32, #tpu.memory_space<hbm>>
    %dma_wait3A_539 = arith.constant 0 : i32
    %dma_wait3A_540 = tpu.memref_slice %arg5[%add3A_365, %dma_wait3A_539] : memref<8192x128xf32, #tpu.memory_space<hbm>> -> memref<16x128xf32, #tpu.memory_space<hbm>>
    %dma_wait3A_541 = arith.constant 112 : i32
    %dma_wait3A_542 = arith.constant 0 : i32
    %dma_wait3A_543 = tpu.memref_slice %arg7[%dma_wait3A_541, %dma_wait3A_542] : memref<256x128xf32, #tpu.memory_space<vmem>> -> memref<16x128xf32, #tpu.memory_space<vmem>>
    tpu.wait_dma2 semaphore(%arg12 : memref<!tpu.dma_semaphore, #tpu.memory_space<semaphore_mem>>) src(%dma_wait3A_543 : memref<16x128xf32, #tpu.memory_space<vmem>>) dst(%dma_wait3A_540 : memref<16x128xf32, #tpu.memory_space<hbm>>)
    %dma_wait3A_544 = arith.constant 176 : i32
    %dma_wait3A_545 = arith.constant 0 : i32
    %dma_wait3A_546 = tpu.memref_slice %arg7[%dma_wait3A_544, %dma_wait3A_545] : memref<256x128xf32, #tpu.memory_space<vmem>> -> memref<16x128xf32, #tpu.memory_space<vmem>>
    %dma_wait3A_547 = arith.constant 0 : i32
    %dma_wait3A_548 = tpu.memref_slice %arg5[%add3A_379, %dma_wait3A_547] : memref<8192x128xf32, #tpu.memory_space<hbm>> -> memref<16x128xf32, #tpu.memory_space<hbm>>
    %dma_wait3A_549 = arith.constant 0 : i32
    %dma_wait3A_550 = tpu.memref_slice %arg5[%add3A_379, %dma_wait3A_549] : memref<8192x128xf32, #tpu.memory_space<hbm>> -> memref<16x128xf32, #tpu.memory_space<hbm>>
    %dma_wait3A_551 = arith.constant 176 : i32
    %dma_wait3A_552 = arith.constant 0 : i32
    %dma_wait3A_553 = tpu.memref_slice %arg7[%dma_wait3A_551, %dma_wait3A_552] : memref<256x128xf32, #tpu.memory_space<vmem>> -> memref<16x128xf32, #tpu.memory_space<vmem>>
    tpu.wait_dma2 semaphore(%arg12 : memref<!tpu.dma_semaphore, #tpu.memory_space<semaphore_mem>>) src(%dma_wait3A_553 : memref<16x128xf32, #tpu.memory_space<vmem>>) dst(%dma_wait3A_550 : memref<16x128xf32, #tpu.memory_space<hbm>>)
    %dma_wait3A_554 = arith.constant 240 : i32
    %dma_wait3A_555 = arith.constant 0 : i32
    %dma_wait3A_556 = tpu.memref_slice %arg7[%dma_wait3A_554, %dma_wait3A_555] : memref<256x128xf32, #tpu.memory_space<vmem>> -> memref<16x128xf32, #tpu.memory_space<vmem>>
    %dma_wait3A_557 = arith.constant 0 : i32
    %dma_wait3A_558 = tpu.memref_slice %arg5[%add3A_393, %dma_wait3A_557] : memref<8192x128xf32, #tpu.memory_space<hbm>> -> memref<16x128xf32, #tpu.memory_space<hbm>>
    %dma_wait3A_559 = arith.constant 0 : i32
    %dma_wait3A_560 = tpu.memref_slice %arg5[%add3A_393, %dma_wait3A_559] : memref<8192x128xf32, #tpu.memory_space<hbm>> -> memref<16x128xf32, #tpu.memory_space<hbm>>
    %dma_wait3A_561 = arith.constant 240 : i32
    %dma_wait3A_562 = arith.constant 0 : i32
    %dma_wait3A_563 = tpu.memref_slice %arg7[%dma_wait3A_561, %dma_wait3A_562] : memref<256x128xf32, #tpu.memory_space<vmem>> -> memref<16x128xf32, #tpu.memory_space<vmem>>
    tpu.wait_dma2 semaphore(%arg12 : memref<!tpu.dma_semaphore, #tpu.memory_space<semaphore_mem>>) src(%dma_wait3A_563 : memref<16x128xf32, #tpu.memory_space<vmem>>) dst(%dma_wait3A_560 : memref<16x128xf32, #tpu.memory_space<hbm>>)
    return
  }
}

</mosaic_0001>

<sc_bundles>
// kernel: _sc_embed.3.cloned.1.call-start
scs
__scs_entry_jumppad:
0x0: {  	(pc) =	sbr.rel $0x88, $3  }
0x1: {  	(tag) =	ssettag $0x0;
	lr =	simm.s32 $0x1  }
0x2: {  	[smem:$0x3F9E] =	sst lr;
	_ =	strace $0xD0000000  }
0x3: {  	_ = 	snop  }
0x4: {  	_ = 	snop  }
0x5: {  	_ = 	snop  }
0x6: {  	_ = 	snop  }
0x7: {  	_ = 	snop  }
__scs_overlays_trampoline_lowered:
0x8: {  	[smem:$0x3FAD] =	sst s0  }
0x9: {  	[smem:$0x3FAE] =	sst s1  }
0xa: {  	[smem:$0x3FAF] =	sst s2  }
0xb: {  	[smem:$0x3FB0] =	sst s3  }
0xc: {  	[smem:$0x3FB1] =	sst s4  }
0xd: {  	[smem:$0x3FB2] =	sst s5  }
0xe: {  	[smem:$0x3FB3] =	sst s6  }
0xf: {  	[smem:$0x3FB4] =	sst s7  }
0x10: {  	[smem:$0x3FB5] =	sst s8  }
0x11: {  	[smem:$0x3FB6] =	sst s9;
	s0 =	simm.s32 @!p0 $0x0  }
0x12: {  	s1 =	sld [smem:$0x3F9C];
	s0 =	simm.s32 @p0 $0x1  }
0x13: {  	[smem:$0x3FB7] =	sst s0;
	s0 =	simm.s32 @!p1 $0x0  }
0x14: {  	s2 =	sld [smem:$0x3F9B];
	s0 =	simm.s32 @p1 $0x1  }
0x15: {  	[smem:$0x3FB8] =	sst s0;
	s0 =	simm.s32 @!p2 $0x0  }
0x16: {  	s3 =	sld [smem:$0x3FDB];
	s0 =	simm.s32 @p2 $0x1  }
0x17: {  	s4 =	simm.s32 $0x1BF5;
	[smem:$0x3FBA] =	sst s0  }
0x18: {  	s0 =	sld [smem:$0x3F9D];
	_ =	swait.ge [sflag:s4], $0x0  }
0x19: {  	s7 =	sld [smem:$0x3F9E]  }
0x1a: {  	s8 =	sadd.s32 $0xFFFFE003, lr  }
0x1b: {  	s9 =	sadd.s32 $0xFFFFFEF7, lr;
	s5 =	simm.s32 $0xFFFFFFFF;
	p2 =	slt.u32 s8, $0xFFFFF086  }
0x1c: {  	p1 =	slt.u32 s9, $0xF7A;
	s5 =	simm.s32 @!p2 $0x0  }
0x1d: {  	s5 =	simm.s32 @p1 $0x1;
	p0 =	seq.s32 s7, s2  }
0x1e: {  	s7 =	smul.u32 @!p0 $0xF7A, s2;
	p2 =	seq.s32 @!p0 s5, $0x0  }
0x1f: {  	s9 =	smul.u32 $0xF7A, s1;
	s8 =	simm.s32 @!p0 $0x1BF5;
	p2 =	por !p2, p0  }
0x20: {  	[sflag:s8] =	ssyncset.s32 @!p0 $0xFFFFF086;
	s6 =	sadd.s32 @!p0 s3, s7;
	s7 =	simm.s32 @!p0 $0x108  }
0x21: {  	s3 =	sadd.s32 s3, s9;
	s6 =	sadd.s32 @!p0 $0x88, s6;
	s7 =	simm.s32 @p2 $0x1082  }
0x22: {  	[simem:s7], [sflag:s8] =	dma.local @!p0 [hbm:s6], $0xF7A  }
0x23: {  	s9 =	sor.u32 $0xD0000000, s2;
	s6 =	simm.s32 $0x108;
	_ =	swait.ge @!p0 [sflag:s8], $0x0  }
0x24: {  	s3 =	sadd.s32 $0x88, s3;
	s6 =	simm.s32 @!p1 $0x1082;
	[sflag:s4] =	ssyncset.s32 $0xFFFFF086  }
0x25: {  	[simem:s6], [sflag:s4] =	dma.local [hbm:s3], $0xF7A  }
0x26: {  	[smem:$0x3F9E] =	sst s1;
	(tag) =	ssettag s2;
	_ =	strace s9  }
0x27: {  	s1 =	sld [smem:$0x3FAE]  }
0x28: {  	s2 =	sld [smem:$0x3FAF]  }
0x29: {  	s4 =	sld [smem:$0x3FB1]  }
0x2a: {  	p0 =	seq.s32 s5, $0x0;
	s5 =	sld [smem:$0x3FB2]  }
0x2b: {  	s6 =	sld [smem:$0x3FB3]  }
0x2c: {  	s7 =	sld [smem:$0x3FB4]  }
0x2d: {  	s3 =	simm.s32 $0x108;
	s8 =	sld [smem:$0x3FB5]  }
0x2e: {  	s3 =	simm.s32 @!p0 $0x1082;
	s9 =	sld [smem:$0x3FB6]  }
0x2f: {  	lr =	sadd.s32 s0, s3;
	s0 =	sld [smem:$0x3FAD]  }
0x30: {  	s3 =	sld [smem:$0x3FB0]  }
0x31: {  	[smem:$0x3FB9] =	sst s10  }
0x32: {  	s10 =	sld [smem:$0x3FB7];
	_ =	sdelay $0x3  }
0x33: {  	p0 =	seq.s32 s10, $0x1;
	s10 =	sld [smem:$0x3FB9];
	_ =	sdelay $0x3  }
0x34: {  	[smem:$0x3FB9] =	sst s10  }
0x35: {  	s10 =	sld [smem:$0x3FB8];
	_ =	sdelay $0x3  }
0x36: {  	p1 =	seq.s32 s10, $0x1;
	s10 =	sld [smem:$0x3FB9];
	_ =	sdelay $0x3  }
0x37: {  	[smem:$0x3FB9] =	sst s10  }
0x38: {  	s10 =	sld [smem:$0x3FBA]  }
0x39: {  	_ = 	snop;
	(pc) =	sbr.ind lr, $3  }
0x3a: {  	_ = 	snop  }
0x3b: {  	_ = 	snop  }
0x3c: {  	p2 =	seq.s32 s10, $0x1;
	s10 =	sld [smem:$0x3FB9]  }
0x3d: {  	_ =	shalt  }
0x3e: {  	_ =	shalt  }
0x3f: {  	_ =	shalt  }
0x40: {  	_ =	shalt  }
0x41: {  	_ =	shalt  }
0x42: {  	_ =	shalt  }
0x43: {  	_ =	shalt  }
0x44: {  	_ =	shalt  }
0x45: {  	_ =	shalt  }
0x46: {  	_ =	shalt  }
0x47: {  	_ =	shalt  }
0x48: {  	_ =	shalt  }
0x49: {  	_ =	shalt  }
0x4a: {  	_ =	shalt  }
0x4b: {  	_ =	shalt  }
0x4c: {  	_ =	shalt  }
0x4d: {  	_ =	shalt  }
0x4e: {  	_ =	shalt  }
0x4f: {  	_ =	shalt  }
0x50: {  	_ =	shalt  }
0x51: {  	_ =	shalt  }
0x52: {  	_ =	shalt  }
0x53: {  	_ =	shalt  }
0x54: {  	_ =	shalt  }
0x55: {  	_ =	shalt  }
0x56: {  	_ =	shalt  }
0x57: {  	_ =	shalt  }
0x58: {  	_ =	shalt  }
0x59: {  	_ =	shalt  }
0x5a: {  	_ =	shalt  }
0x5b: {  	_ =	shalt  }
0x5c: {  	_ =	shalt  }
0x5d: {  	_ =	shalt  }
0x5e: {  	_ =	shalt  }
0x5f: {  	_ =	shalt  }
0x60: {  	_ =	shalt  }
0x61: {  	_ =	shalt  }
0x62: {  	_ =	shalt  }
0x63: {  	_ =	shalt  }
0x64: {  	_ =	shalt  }
0x65: {  	_ =	shalt  }
0x66: {  	_ =	shalt  }
0x67: {  	_ =	shalt  }
0x68: {  	_ =	shalt  }
0x69: {  	_ =	shalt  }
0x6a: {  	_ =	shalt  }
0x6b: {  	_ =	shalt  }
0x6c: {  	_ =	shalt  }
0x6d: {  	_ =	shalt  }
0x6e: {  	_ =	shalt  }
0x6f: {  	_ =	shalt  }
0x70: {  	_ =	shalt  }
0x71: {  	_ =	shalt  }
0x72: {  	_ =	shalt  }
0x73: {  	_ =	shalt  }
0x74: {  	_ =	shalt  }
0x75: {  	_ =	shalt  }
0x76: {  	_ =	shalt  }
0x77: {  	_ =	shalt  }
0x78: {  	_ =	shalt  }
0x79: {  	_ =	shalt  }
0x7a: {  	_ =	shalt  }
0x7b: {  	_ =	shalt  }
0x7c: {  	_ =	shalt  }
0x7d: {  	_ =	shalt  }
0x7e: {  	_ =	shalt  }
0x7f: {  	_ =	shalt  }
0x80: {  	_ =	shalt  }
0x81: {  	_ =	shalt  }
0x82: {  	_ =	shalt  }
0x83: {  	_ =	shalt  }
0x84: {  	_ =	shalt  }
0x85: {  	_ =	shalt  }
0x86: {  	_ =	shalt  }
0x87: {  	_ =	shalt  }
.Lfunc_end0:
.L_simem_size_0:
called_computation_lowered:
.L_overlay_start_0:
0x88: {  	s2 =	sld [smem:$0x3FD9]  }
0x89: {  	s3 =	sld [smem:$0x3FFE];
	_ =	sdelay $0x1  }
0x8a: {  	s1 =	srdreg.scid  }
0x8b: {  	s0 =	sand.u32 $0x1, s1  }
0x8c: {  	s18 =	sshll.u32 s0, $0xA;
	s2 =	sadd.s32 s3, s2  }
0x8d: {  	s2 =	sadd.s32 s2, s18  }
0x8e: {  	[smem:$0x3FC5] =	sst s2  }
0x8f: {  	_ = 	snop  }
0x90: {  	s2 =	sld [smem:$0x3FC9]  }
0x91: {  	s19 =	sld [smem:$0x3FC8]  }
0x92: {  	s4 =	sld [smem:$0x3FC7]  }
0x93: {  	s5 =	sld [smem:$0x3FD0];
	(tm) =	ssettm $0x1  }
0x94: {  	s6 =	sld [smem:$0x3FFB];
	_ =	sdelay $0x3  }
0x95: {  	_ =	strace s6  }
0x96: {  	s6 =	sld [smem:$0x3FFC];
	_ =	sdelay $0x3  }
0x97: {  	_ =	strace s6  }
0x98: {  	s6 =	sld [smem:$0x3FFD];
	_ =	sdelay $0x3  }
0x99: {  	_ =	strace s6  }
0x9a: {  	_ =	strace $0x8FFFFFFF  }
0x9b: {  	s20 =	sld [smem:$0x3FDB];
	_ =	sdelay $0x1  }
0x9c: {  	s7 =	simm.s32 $_scs_section_size  }
0x9d: {  	s8 =	simm.s32 $_size__tile_overlayer_lowered;
	s9 =	simm.s32 $_tile_overlayer_lowered  }
0x9e: {  	s23 =	simm.s32 $0x1BFF;
	s22 =	sshll.u32 s9, $0x1;
	s6 =	sadd.s32 s7, s20  }
0x9f: {  	s10 =	simm.s32 $0x0;
	s21 =	sshll.u32 s8, $0x1;
	s8 =	sadd.s32 s22, s6  }
0xa0: {  	[timem:s10], [sflag:s23] =	dma.local [hbm:s8], s21  }
0xa1: {  	_ =	swait.ge [sflag:s23], s21  }
0xa2: {  	s7 =	ssub.s32 $0x0, s21;
	[sflag:s23] =	ssyncset.done $0x0  }
0xa3: {  	[sflag:s23] =	ssyncadd.s32 s7;
	_ =	sdelay $0x1  }
0xa4: {  	s24 =	simm.s32 $0x1B8B  }
0xa5: {  	_ =	swait.ge [sflag:s24], $0x1  }
0xa6: {  	[sflag:s24] =	ssyncset.done $0x0  }
0xa7: {  	s25 =	simm.s32 $0x1B8E;
	[sflag:s24] =	ssyncadd.s32 $0xFFFFFFFF  }
0xa8: {  	s26 =	simm.s32 $execute0_lowered;
	[smem:$0x3FD2] =	sst s25  }
0xa9: {  	s7 =	sshll.u32 s26, $0x1;
	_ =	strace $0x80000046;
	[dreg:$0x1] =	wrdreg $0xFFFFFFFF  }
0xaa: {  	s28 =	simm.s32 $_size_execute0_lowered;
	s6 =	sadd.s32 s6, s7;
	[dreg:$0x0] =	wrdreg $0x0  }
0xab: {  	s7 =	sshll.u32 s28, $0x1;
	[dreg:$0x2] =	wrdreg s6  }
0xac: {  	[dreg:$0x3] =	wrdreg s7  }
0xad: {  	[dreg:$0x4] =	wrdreg $0xC0  }
0xae: {  	_ =	task [dreg:s10], $0x5FFFF  }
0xaf: {  	[dreg:$0x1] =	wrdreg $0xFFFFFFFF  }
0xb0: {  	[dreg:$0x0] =	wrdreg $0x60  }
0xb1: {  	[dreg:$0x2] =	wrdreg s2  }
0xb2: {  	[dreg:$0x3] =	wrdreg s19  }
0xb3: {  	[dreg:$0x4] =	wrdreg s4  }
0xb4: {  	[dreg:$0x5] =	wrdreg s5  }
0xb5: {  	[dreg:$0x6] =	wrdreg $0x9  }
0xb6: {  	_ =	task.clear_ibuf [dreg:s10], $0x7FFFF;
	_ =	strace $0x90000046  }
0xb7: {  	s29 =	simm.s32 $0x9;
	_ =	strace $0x80000048  }
0xb8: {  	_ =	swait.ge [sflag:s29], $0x1  }
0xb9: {  	[sflag:s29] =	ssyncadd.s32 $0xFFFFFFFF  }
0xba: {  	_ =	strace $0x90000048  }
0xbb: {  	_ =	sfence  }
0xbc: {  	s30 =	sld [smem:$0x0];
	_ =	sdelay $0x2  }
0xbd: {  	s31 =	sshll.u32 s1, $0xD;
	s1 =	sshrl.u32 s1, $0x2  }
0xbe: {  	s3 =	sand.u32 $0x4000, s31;
	s1 =	sadd.s32 s1, s30  }
0xbf: {  	s0 =	sor.u32 s3, s0;
	s1 =	sshll.u32 s1, $0x11  }
0xc0: {  	s0 =	sor.u32 s1, s0  }
0xc1: {  	s0 =	sadd.s32 $0x8F2B, s0  }
0xc2: {  	[sflag:s0] =	ssyncadd.remote.s32 $0x1  }
0xc3: {  	_ =	sfence.sel $0xFFFF  }
0xc4: {  	[dreg:$0x0] =	wrdreg $0xFFFFFFFF;
	(pc) =	sbr.abs _section_cstart, $3  }
0xc5: {  	[dreg:$0x1] =	wrdreg $0xFFFFFFFF  }
0xc6: {  	_ =	task.clear_ibuf [dreg:s10], $0x2FFFF;
	_ =	strace $0x9FFFFFFF  }
0xc7: {  	(tm) =	ssettm $0x7FFFFFFF  }
tec
execute0_lowered:
.L_overlay_start_1:
0x0: {  	(tag) =	ssettag $0x1  }
0x1: {  	s0 =	rddreg [dreg:$0x0];
	s1 =	srdreg.scid  }
0x2: {  	s2 =	rddreg [dreg:$0x2];
	s3 =	stileid.u32  }
0x3: {  	s4 =	rddreg [dreg:$0x3];
	s29 =	simm.s32 $0x80;
	s31 =	simm.s32 $0x4  }
0x4: {  	s28 =	simm.s32 $0x2;
	s30 =	simm.s32 $0x3;
	s1 =	sand.u32 $0x1, s1  }
0x5: {  	s3 =	sshll.u32 s3, $0x7;
	s5 =	sshll.u32 s1, $0x6;
	s1 =	ssub.s32 $0x2, s1  }
0x6: {  	s6 =	sor.u32 s5, s3;
	s3 =	simm.s32 $0x0;
	s8 =	sshrl.u32 s1, $0x1  }
0x7: {  	s7 =	sshll.u32 s6, $0x2;
	[smem:$0x7FF] =	sst s3;
	s1 =	ssub.s32 s1, s8  }
0x8: {  	s6 =	sshll.u32 s6, $0x4;
	s9 =	sand.u32 $0x1E00, s7;
	_ =	strace $0x80000047  }
0x9: {  	s7 =	sor.u32 s5, s7;
	s2 =	sadd.s32 s2, s6;
	s23 =	sor.u32 s5, s9  }
0xa: {  	[dreg:$0x5] =	wrdreg s2;
	s24 =	sshrl.u32 s7, $0x3;
	s9 =	sadd.s32 s4, s6  }
0xb: {  	s4 =	simm.s32 $0x0;
	s8 =	sshrl.u32 s23, $0x3;
	s26 =	sor.u32 $0x20, s24  }
0xc: {  	s2 =	sor.u32 $0x30, s24;
	s10 =	sadd.s32 $0x8000, s9;
	s11 =	sadd.s32 $0x10000, s9  }
0xd: {  	s12 =	sadd.s32 $0x18000, s9;
	s13 =	sadd.s32 $0x100, s9;
	s14 =	sadd.s32 $0x8100, s9  }
0xe: {  	s15 =	sadd.s32 $0x10100, s9;
	s16 =	sadd.s32 $0x18100, s9;
	s17 =	sadd.s32 $0x200, s9  }
0xf: {  	s18 =	sadd.s32 $0x8200, s9;
	s19 =	sadd.s32 $0x10200, s9;
	s20 =	sadd.s32 $0x18200, s9  }
0x10: {  	s21 =	sadd.s32 $0x300, s9;
	s22 =	sadd.s32 $0x8300, s9;
	s23 =	sadd.s32 $0x10300, s9  }
0x11: {  	s24 =	sadd.s32 $0x18300, s9;
	s5 =	sadd.s32 s0, s8;
	s7 =	sadd.s32 s0, s26  }
0x12: {  	s8 =	sadd.s32 s0, s2;
	s2 =	simm.s32 $0x100;
	s0 =	simm.s32 $0x4100  }
0x13: {  	s26 =	simm.s32 $0x1;
	s25 =	sadd.s32 $0x10, s5;
	[dreg:$0x7] =	wrdreg s7  }
0x14: {  	[dreg:$0x6] =	wrdreg s25;
	s25 =	smax.u32 s1, $0x1;
	s1 =	simm.s32 $0x5  }
.LBB2_1:
0x15: {  	s6 =	rddreg [dreg:$0x5];
	s7 =	simm.s32 $0x8100  }
0x16: {  	[tilespmem:s7], [sflag:$0x3] =	stream.linear.gather [hbm4b:s6+s3], $0x2000, $0x38;
	[tilespmem:$0xA100] =	vst v63  }
0x17: {  	_ = 	snop  }
0x18: {  	[tilespmem:s3], [sflag:$0x4] =	stream.linear.gather [hbm4b:s5+s3], $0x40, $0x38;
	[tilespmem:$0xA100] =	vst v63  }
0x19: {  	s6 =	rddreg [dreg:$0x6];
	s7 =	simm.s32 $0x40  }
0x1a: {  	[tilespmem:s7], [sflag:$0x4] =	stream.linear.gather [hbm4b:s6+s3], $0x40, $0x38;
	[tilespmem:$0xA100] =	vst v63  }
0x1b: {  	s7 =	rddreg [dreg:$0x7]  }
0x1c: {  	[tilespmem:s29], [sflag:$0x4] =	stream.linear.gather [hbm4b:s7+s3], $0x40, $0x38;
	[tilespmem:$0xA100] =	vst v63  }
0x1d: {  	s7 =	simm.s32 $0xC0  }
0x1e: {  	[tilespmem:s7], [sflag:$0x4] =	stream.linear.gather [hbm4b:s8+s3], $0x40, $0x38;
	[tilespmem:$0xA100] =	vst v63  }
0x1f: {  	_ =	swait.ge [sflag:s31], $0x40  }
0x20: {  	[sflag:s31] =	ssyncset.done $0x0  }
0x21: {  	[sflag:s31] =	ssyncadd.s32 $0xFFFFFFC0  }
0x22: {  	_ =	swait.ge [sflag:s31], $0x40  }
0x23: {  	[sflag:s31] =	ssyncset.done $0x0  }
0x24: {  	[sflag:s31] =	ssyncadd.s32 $0xFFFFFFC0  }
0x25: {  	_ =	swait.ge [sflag:s31], $0x40  }
0x26: {  	[sflag:s31] =	ssyncset.done $0x0  }
0x27: {  	[sflag:s31] =	ssyncadd.s32 $0xFFFFFFC0  }
0x28: {  	_ =	swait.ge [sflag:s31], $0x40  }
0x29: {  	[sflag:s31] =	ssyncset.done $0x0  }
0x2a: {  	[sflag:s31] =	ssyncadd.s32 $0xFFFFFFC0  }
0x2b: {  	s7 =	rddreg [dreg:$0x1]  }
0x2c: {  	[tilespmem:s2], [sflag:$0x1] =	stream.indirect.gather [hbm4b:s7+s29], $0x80, s3, s29, $0xb8;
	[tilespmem:$0xA100] =	vst v63  }
0x2d: {  	_ = 	snop  }
0x2e: {  	[tilespmem:s0], [sflag:$0x2] =	stream.indirect.gather [hbm4b:s7+s29], $0x80, s29, s29, $0xb8;
	[tilespmem:$0xA100] =	vst v63  }
0x2f: {  	_ =	swait.ge [sflag:s26], $0x4000  }
0x30: {  	[sflag:s26] =	ssyncset.done $0x0  }
0x31: {  	[sflag:s26] =	ssyncadd.s32 $0xFFFFC000  }
0x32: {  	_ =	swait.ge [sflag:s28], $0x4000  }
0x33: {  	[sflag:s28] =	ssyncset.done $0x0  }
0x34: {  	[sflag:s28] =	ssyncadd.s32 $0xFFFFC000  }
0x35: {  	_ =	swait.ge [sflag:s30], $0x2000  }
0x36: {  	[sflag:s30] =	ssyncset.done $0x0  }
0x37: {  	s6 =	simm.s32 $0x0;
	s7 =	simm.s32 $0x200;
	[sflag:s30] =	ssyncadd.s32 $0xFFFFE000  }
.LBB2_2:
0x38: {  	p0 =	sne.s32 s7, $0x1E00;
	v0 =	vld [tilespmem:s6+$0x8170]  }
0x39: {  	v1 =	vld [tilespmem:s6+$0x8100]  }
0x3a: {  	v2 =	vld [tilespmem:s6+$0x8110]  }
0x3b: {  	v3 =	vld [tilespmem:s6+$0x8120]  }
0x3c: {  	v4 =	vld [tilespmem:s6+$0x8130]  }
0x3d: {  	[tilespmem:s6+$0x6170] =	vst.add.f32.msk $0xffff, v0  }
0x3e: {  	v5 =	vld [tilespmem:s6+$0x8140]  }
0x3f: {  	v6 =	vld [tilespmem:s6+$0x8150]  }
0x40: {  	v7 =	vld [tilespmem:s6+$0x8160]  }
0x41: {  	[tilespmem:s6+$0x100] =	vst.add.f32.msk $0xffff, v1  }
0x42: {  	[tilespmem:s6+$0x2100] =	vst.add.f32.msk $0xffff, v1  }
0x43: {  	[tilespmem:s6+$0x4100] =	vst.add.f32.msk $0xffff, v1  }
0x44: {  	[tilespmem:s6+$0x6100] =	vst.add.f32.msk $0xffff, v1  }
0x45: {  	[tilespmem:s6+$0x110] =	vst.add.f32.msk $0xffff, v2  }
0x46: {  	[tilespmem:s6+$0x2110] =	vst.add.f32.msk $0xffff, v2  }
0x47: {  	[tilespmem:s6+$0x4110] =	vst.add.f32.msk $0xffff, v2  }
0x48: {  	[tilespmem:s6+$0x6110] =	vst.add.f32.msk $0xffff, v2  }
0x49: {  	[tilespmem:s6+$0x120] =	vst.add.f32.msk $0xffff, v3  }
0x4a: {  	[tilespmem:s6+$0x2120] =	vst.add.f32.msk $0xffff, v3  }
0x4b: {  	[tilespmem:s6+$0x4120] =	vst.add.f32.msk $0xffff, v3  }
0x4c: {  	[tilespmem:s6+$0x6120] =	vst.add.f32.msk $0xffff, v3  }
0x4d: {  	[tilespmem:s6+$0x130] =	vst.add.f32.msk $0xffff, v4  }
0x4e: {  	[tilespmem:s6+$0x2130] =	vst.add.f32.msk $0xffff, v4  }
0x4f: {  	[tilespmem:s6+$0x4130] =	vst.add.f32.msk $0xffff, v4  }
0x50: {  	[tilespmem:s6+$0x6130] =	vst.add.f32.msk $0xffff, v4  }
0x51: {  	[tilespmem:s6+$0x140] =	vst.add.f32.msk $0xffff, v5  }
0x52: {  	[tilespmem:s6+$0x2140] =	vst.add.f32.msk $0xffff, v5  }
0x53: {  	[tilespmem:s6+$0x4140] =	vst.add.f32.msk $0xffff, v5  }
0x54: {  	[tilespmem:s6+$0x6140] =	vst.add.f32.msk $0xffff, v5  }
0x55: {  	[tilespmem:s6+$0x150] =	vst.add.f32.msk $0xffff, v6  }
0x56: {  	[tilespmem:s6+$0x2150] =	vst.add.f32.msk $0xffff, v6  }
0x57: {  	[tilespmem:s6+$0x4150] =	vst.add.f32.msk $0xffff, v6  }
0x58: {  	[tilespmem:s6+$0x6150] =	vst.add.f32.msk $0xffff, v6  }
0x59: {  	[tilespmem:s6+$0x160] =	vst.add.f32.msk $0xffff, v7  }
0x5a: {  	[tilespmem:s6+$0x2160] =	vst.add.f32.msk $0xffff, v7  }
.Ltmp0:
0x5b: {  	[tilespmem:s6+$0x4160] =	vst.add.f32.msk $0xffff, v7;
	(pc) =	sbr.rel @p0 .LBB2_2-.Ltmp0, $4  }
0x5c: {  	[tilespmem:s6+$0x6160] =	vst.add.f32.msk $0xffff, v7  }
0x5d: {  	[tilespmem:s6+$0x170] =	vst.add.f32.msk $0xffff, v0  }
0x5e: {  	[tilespmem:s6+$0x2170] =	vst.add.f32.msk $0xffff, v0  }
0x5f: {  	[tilespmem:s6+$0x4170] =	vst.add.f32.msk $0xffff, v0;
	s6 =	sshra.s32 s7, $0x2;
	s7 =	sadd.s32 $0x200, s7  }
0x60: {  	v0 =	vld [tilespmem:s6+$0x8170]  }
0x61: {  	v1 =	vld [tilespmem:s6+$0x8100]  }
0x62: {  	v2 =	vld [tilespmem:s6+$0x8110]  }
0x63: {  	v3 =	vld [tilespmem:s6+$0x8120]  }
0x64: {  	v4 =	vld [tilespmem:s6+$0x8130]  }
0x65: {  	v5 =	vld [tilespmem:s6+$0x8140]  }
0x66: {  	v6 =	vld [tilespmem:s6+$0x8150]  }
0x67: {  	v7 =	vld [tilespmem:s6+$0x8160]  }
0x68: {  	[tilespmem:s6+$0x6170] =	vst.add.f32.msk $0xffff, v0  }
0x69: {  	[tilespmem:s6+$0x100] =	vst.add.f32.msk $0xffff, v1  }
0x6a: {  	[tilespmem:s6+$0x2100] =	vst.add.f32.msk $0xffff, v1  }
0x6b: {  	[tilespmem:s6+$0x4100] =	vst.add.f32.msk $0xffff, v1  }
0x6c: {  	[tilespmem:s6+$0x6100] =	vst.add.f32.msk $0xffff, v1  }
0x6d: {  	[tilespmem:s6+$0x110] =	vst.add.f32.msk $0xffff, v2  }
0x6e: {  	[tilespmem:s6+$0x2110] =	vst.add.f32.msk $0xffff, v2  }
0x6f: {  	[tilespmem:s6+$0x4110] =	vst.add.f32.msk $0xffff, v2  }
0x70: {  	[tilespmem:s6+$0x6110] =	vst.add.f32.msk $0xffff, v2  }
0x71: {  	[tilespmem:s6+$0x120] =	vst.add.f32.msk $0xffff, v3  }
0x72: {  	[tilespmem:s6+$0x2120] =	vst.add.f32.msk $0xffff, v3  }
0x73: {  	[tilespmem:s6+$0x4120] =	vst.add.f32.msk $0xffff, v3  }
0x74: {  	[tilespmem:s6+$0x6120] =	vst.add.f32.msk $0xffff, v3  }
0x75: {  	[tilespmem:s6+$0x130] =	vst.add.f32.msk $0xffff, v4  }
0x76: {  	[tilespmem:s6+$0x2130] =	vst.add.f32.msk $0xffff, v4  }
0x77: {  	[tilespmem:s6+$0x4130] =	vst.add.f32.msk $0xffff, v4  }
0x78: {  	[tilespmem:s6+$0x6130] =	vst.add.f32.msk $0xffff, v4  }
0x79: {  	[tilespmem:s6+$0x140] =	vst.add.f32.msk $0xffff, v5  }
0x7a: {  	[tilespmem:s6+$0x2140] =	vst.add.f32.msk $0xffff, v5  }
0x7b: {  	[tilespmem:s6+$0x4140] =	vst.add.f32.msk $0xffff, v5  }
0x7c: {  	[tilespmem:s6+$0x6140] =	vst.add.f32.msk $0xffff, v5  }
0x7d: {  	[tilespmem:s6+$0x150] =	vst.add.f32.msk $0xffff, v6  }
0x7e: {  	[tilespmem:s6+$0x2150] =	vst.add.f32.msk $0xffff, v6  }
0x7f: {  	[tilespmem:s6+$0x4150] =	vst.add.f32.msk $0xffff, v6  }
0x80: {  	[tilespmem:s6+$0x6150] =	vst.add.f32.msk $0xffff, v6  }
0x81: {  	[tilespmem:s6+$0x160] =	vst.add.f32.msk $0xffff, v7  }
0x82: {  	[tilespmem:s6+$0x2160] =	vst.add.f32.msk $0xffff, v7  }
0x83: {  	[tilespmem:s6+$0x4160] =	vst.add.f32.msk $0xffff, v7  }
0x84: {  	[tilespmem:s6+$0x6160] =	vst.add.f32.msk $0xffff, v7  }
0x85: {  	[tilespmem:s6+$0x170] =	vst.add.f32.msk $0xffff, v0  }
0x86: {  	[tilespmem:s6+$0x2170] =	vst.add.f32.msk $0xffff, v0  }
0x87: {  	[tilespmem:s6+$0x4170] =	vst.add.f32.msk $0xffff, v0;
	s6 =	simm.s32 $0x0  }
0x88: {  	[hbm4b:s9+s6] =	stream.linear.scatter [tilespmem:s2], [sflag:$0x5], $0x800, $0x38;
	[tilespmem:$0xA100] =	vst v63  }
0x89: {  	s7 =	simm.s32 $0x2100  }
0x8a: {  	[hbm4b:s10+s6] =	stream.linear.scatter [tilespmem:s7], [sflag:$0x5], $0x800, $0x38;
	[tilespmem:$0xA100] =	vst v63  }
0x8b: {  	_ = 	snop  }
0x8c: {  	[hbm4b:s11+s6] =	stream.linear.scatter [tilespmem:s0], [sflag:$0x5], $0x800, $0x38;
	[tilespmem:$0xA100] =	vst v63  }
0x8d: {  	s7 =	simm.s32 $0x6100  }
0x8e: {  	[hbm4b:s12+s6] =	stream.linear.scatter [tilespmem:s7], [sflag:$0x5], $0x800, $0x38;
	[tilespmem:$0xA100] =	vst v63  }
0x8f: {  	s6 =	simm.s32 $0x0;
	s7 =	simm.s32 $0x200  }
.LBB2_4:
0x90: {  	p0 =	sne.s32 s7, $0x1E00;
	v0 =	vld [tilespmem:s6+$0x8970]  }
0x91: {  	v1 =	vld [tilespmem:s6+$0x8900]  }
0x92: {  	v2 =	vld [tilespmem:s6+$0x8910]  }
0x93: {  	v3 =	vld [tilespmem:s6+$0x8920]  }
0x94: {  	v4 =	vld [tilespmem:s6+$0x8930]  }
0x95: {  	[tilespmem:s6+$0x6970] =	vst.add.f32.msk $0xffff, v0  }
0x96: {  	v5 =	vld [tilespmem:s6+$0x8940]  }
0x97: {  	v6 =	vld [tilespmem:s6+$0x8950]  }
0x98: {  	v7 =	vld [tilespmem:s6+$0x8960]  }
0x99: {  	[tilespmem:s6+$0x900] =	vst.add.f32.msk $0xffff, v1  }
0x9a: {  	[tilespmem:s6+$0x2900] =	vst.add.f32.msk $0xffff, v1  }
0x9b: {  	[tilespmem:s6+$0x4900] =	vst.add.f32.msk $0xffff, v1  }
0x9c: {  	[tilespmem:s6+$0x6900] =	vst.add.f32.msk $0xffff, v1  }
0x9d: {  	[tilespmem:s6+$0x910] =	vst.add.f32.msk $0xffff, v2  }
0x9e: {  	[tilespmem:s6+$0x2910] =	vst.add.f32.msk $0xffff, v2  }
0x9f: {  	[tilespmem:s6+$0x4910] =	vst.add.f32.msk $0xffff, v2  }
0xa0: {  	[tilespmem:s6+$0x6910] =	vst.add.f32.msk $0xffff, v2  }
0xa1: {  	[tilespmem:s6+$0x920] =	vst.add.f32.msk $0xffff, v3  }
0xa2: {  	[tilespmem:s6+$0x2920] =	vst.add.f32.msk $0xffff, v3  }
0xa3: {  	[tilespmem:s6+$0x4920] =	vst.add.f32.msk $0xffff, v3  }
0xa4: {  	[tilespmem:s6+$0x6920] =	vst.add.f32.msk $0xffff, v3  }
0xa5: {  	[tilespmem:s6+$0x930] =	vst.add.f32.msk $0xffff, v4  }
0xa6: {  	[tilespmem:s6+$0x2930] =	vst.add.f32.msk $0xffff, v4  }
0xa7: {  	[tilespmem:s6+$0x4930] =	vst.add.f32.msk $0xffff, v4  }
0xa8: {  	[tilespmem:s6+$0x6930] =	vst.add.f32.msk $0xffff, v4  }
0xa9: {  	[tilespmem:s6+$0x940] =	vst.add.f32.msk $0xffff, v5  }
0xaa: {  	[tilespmem:s6+$0x2940] =	vst.add.f32.msk $0xffff, v5  }
0xab: {  	[tilespmem:s6+$0x4940] =	vst.add.f32.msk $0xffff, v5  }
0xac: {  	[tilespmem:s6+$0x6940] =	vst.add.f32.msk $0xffff, v5  }
0xad: {  	[tilespmem:s6+$0x950] =	vst.add.f32.msk $0xffff, v6  }
0xae: {  	[tilespmem:s6+$0x2950] =	vst.add.f32.msk $0xffff, v6  }
0xaf: {  	[tilespmem:s6+$0x4950] =	vst.add.f32.msk $0xffff, v6  }
0xb0: {  	[tilespmem:s6+$0x6950] =	vst.add.f32.msk $0xffff, v6  }
0xb1: {  	[tilespmem:s6+$0x960] =	vst.add.f32.msk $0xffff, v7  }
0xb2: {  	[tilespmem:s6+$0x2960] =	vst.add.f32.msk $0xffff, v7  }
.Ltmp1:
0xb3: {  	[tilespmem:s6+$0x4960] =	vst.add.f32.msk $0xffff, v7;
	(pc) =	sbr.rel @p0 .LBB2_4-.Ltmp1, $4  }
0xb4: {  	[tilespmem:s6+$0x6960] =	vst.add.f32.msk $0xffff, v7  }
0xb5: {  	[tilespmem:s6+$0x970] =	vst.add.f32.msk $0xffff, v0  }
0xb6: {  	[tilespmem:s6+$0x2970] =	vst.add.f32.msk $0xffff, v0  }
0xb7: {  	[tilespmem:s6+$0x4970] =	vst.add.f32.msk $0xffff, v0;
	s6 =	sshra.s32 s7, $0x2;
	s7 =	sadd.s32 $0x200, s7  }
0xb8: {  	v0 =	vld [tilespmem:s6+$0x8970]  }
0xb9: {  	v1 =	vld [tilespmem:s6+$0x8900]  }
0xba: {  	v2 =	vld [tilespmem:s6+$0x8910]  }
0xbb: {  	v3 =	vld [tilespmem:s6+$0x8920]  }
0xbc: {  	v4 =	vld [tilespmem:s6+$0x8930]  }
0xbd: {  	v5 =	vld [tilespmem:s6+$0x8940]  }
0xbe: {  	v6 =	vld [tilespmem:s6+$0x8950]  }
0xbf: {  	v7 =	vld [tilespmem:s6+$0x8960]  }
0xc0: {  	[tilespmem:s6+$0x6970] =	vst.add.f32.msk $0xffff, v0  }
0xc1: {  	[tilespmem:s6+$0x900] =	vst.add.f32.msk $0xffff, v1  }
0xc2: {  	[tilespmem:s6+$0x2900] =	vst.add.f32.msk $0xffff, v1  }
0xc3: {  	[tilespmem:s6+$0x4900] =	vst.add.f32.msk $0xffff, v1  }
0xc4: {  	[tilespmem:s6+$0x6900] =	vst.add.f32.msk $0xffff, v1  }
0xc5: {  	[tilespmem:s6+$0x910] =	vst.add.f32.msk $0xffff, v2  }
0xc6: {  	[tilespmem:s6+$0x2910] =	vst.add.f32.msk $0xffff, v2  }
0xc7: {  	[tilespmem:s6+$0x4910] =	vst.add.f32.msk $0xffff, v2  }
0xc8: {  	[tilespmem:s6+$0x6910] =	vst.add.f32.msk $0xffff, v2  }
0xc9: {  	[tilespmem:s6+$0x920] =	vst.add.f32.msk $0xffff, v3  }
0xca: {  	[tilespmem:s6+$0x2920] =	vst.add.f32.msk $0xffff, v3  }
0xcb: {  	[tilespmem:s6+$0x4920] =	vst.add.f32.msk $0xffff, v3  }
0xcc: {  	[tilespmem:s6+$0x6920] =	vst.add.f32.msk $0xffff, v3  }
0xcd: {  	[tilespmem:s6+$0x930] =	vst.add.f32.msk $0xffff, v4  }
0xce: {  	[tilespmem:s6+$0x2930] =	vst.add.f32.msk $0xffff, v4  }
0xcf: {  	[tilespmem:s6+$0x4930] =	vst.add.f32.msk $0xffff, v4  }
0xd0: {  	[tilespmem:s6+$0x6930] =	vst.add.f32.msk $0xffff, v4  }
0xd1: {  	[tilespmem:s6+$0x940] =	vst.add.f32.msk $0xffff, v5  }
0xd2: {  	[tilespmem:s6+$0x2940] =	vst.add.f32.msk $0xffff, v5  }
0xd3: {  	[tilespmem:s6+$0x4940] =	vst.add.f32.msk $0xffff, v5  }
0xd4: {  	[tilespmem:s6+$0x6940] =	vst.add.f32.msk $0xffff, v5  }
0xd5: {  	[tilespmem:s6+$0x950] =	vst.add.f32.msk $0xffff, v6  }
0xd6: {  	[tilespmem:s6+$0x2950] =	vst.add.f32.msk $0xffff, v6  }
0xd7: {  	[tilespmem:s6+$0x4950] =	vst.add.f32.msk $0xffff, v6  }
0xd8: {  	[tilespmem:s6+$0x6950] =	vst.add.f32.msk $0xffff, v6  }
0xd9: {  	[tilespmem:s6+$0x960] =	vst.add.f32.msk $0xffff, v7  }
0xda: {  	[tilespmem:s6+$0x2960] =	vst.add.f32.msk $0xffff, v7  }
0xdb: {  	[tilespmem:s6+$0x4960] =	vst.add.f32.msk $0xffff, v7  }
0xdc: {  	[tilespmem:s6+$0x6960] =	vst.add.f32.msk $0xffff, v7  }
0xdd: {  	[tilespmem:s6+$0x970] =	vst.add.f32.msk $0xffff, v0  }
0xde: {  	[tilespmem:s6+$0x2970] =	vst.add.f32.msk $0xffff, v0  }
0xdf: {  	s7 =	simm.s32 $0x900;
	[tilespmem:s6+$0x4970] =	vst.add.f32.msk $0xffff, v0;
	s6 =	simm.s32 $0x0  }
0xe0: {  	[hbm4b:s13+s6] =	stream.linear.scatter [tilespmem:s7], [sflag:$0x5], $0x800, $0x38;
	[tilespmem:$0xA100] =	vst v63  }
0xe1: {  	s7 =	simm.s32 $0x2900  }
0xe2: {  	[hbm4b:s14+s6] =	stream.linear.scatter [tilespmem:s7], [sflag:$0x5], $0x800, $0x38;
	[tilespmem:$0xA100] =	vst v63  }
0xe3: {  	s7 =	simm.s32 $0x4900  }
0xe4: {  	[hbm4b:s15+s6] =	stream.linear.scatter [tilespmem:s7], [sflag:$0x5], $0x800, $0x38;
	[tilespmem:$0xA100] =	vst v63  }
0xe5: {  	s7 =	simm.s32 $0x6900  }
0xe6: {  	[hbm4b:s16+s6] =	stream.linear.scatter [tilespmem:s7], [sflag:$0x5], $0x800, $0x38;
	[tilespmem:$0xA100] =	vst v63  }
0xe7: {  	s6 =	simm.s32 $0x0;
	s7 =	simm.s32 $0x200  }
.LBB2_6:
0xe8: {  	p0 =	sne.s32 s7, $0x1E00;
	v0 =	vld [tilespmem:s6+$0x9170]  }
0xe9: {  	v1 =	vld [tilespmem:s6+$0x9100]  }
0xea: {  	v2 =	vld [tilespmem:s6+$0x9110]  }
0xeb: {  	v3 =	vld [tilespmem:s6+$0x9120]  }
0xec: {  	v4 =	vld [tilespmem:s6+$0x9130]  }
0xed: {  	[tilespmem:s6+$0x7170] =	vst.add.f32.msk $0xffff, v0  }
0xee: {  	v5 =	vld [tilespmem:s6+$0x9140]  }
0xef: {  	v6 =	vld [tilespmem:s6+$0x9150]  }
0xf0: {  	v7 =	vld [tilespmem:s6+$0x9160]  }
0xf1: {  	[tilespmem:s6+$0x1100] =	vst.add.f32.msk $0xffff, v1  }
0xf2: {  	[tilespmem:s6+$0x3100] =	vst.add.f32.msk $0xffff, v1  }
0xf3: {  	[tilespmem:s6+$0x5100] =	vst.add.f32.msk $0xffff, v1  }
0xf4: {  	[tilespmem:s6+$0x7100] =	vst.add.f32.msk $0xffff, v1  }
0xf5: {  	[tilespmem:s6+$0x1110] =	vst.add.f32.msk $0xffff, v2  }
0xf6: {  	[tilespmem:s6+$0x3110] =	vst.add.f32.msk $0xffff, v2  }
0xf7: {  	[tilespmem:s6+$0x5110] =	vst.add.f32.msk $0xffff, v2  }
0xf8: {  	[tilespmem:s6+$0x7110] =	vst.add.f32.msk $0xffff, v2  }
0xf9: {  	[tilespmem:s6+$0x1120] =	vst.add.f32.msk $0xffff, v3  }
0xfa: {  	[tilespmem:s6+$0x3120] =	vst.add.f32.msk $0xffff, v3  }
0xfb: {  	[tilespmem:s6+$0x5120] =	vst.add.f32.msk $0xffff, v3  }
0xfc: {  	[tilespmem:s6+$0x7120] =	vst.add.f32.msk $0xffff, v3  }
0xfd: {  	[tilespmem:s6+$0x1130] =	vst.add.f32.msk $0xffff, v4  }
0xfe: {  	[tilespmem:s6+$0x3130] =	vst.add.f32.msk $0xffff, v4  }
0xff: {  	[tilespmem:s6+$0x5130] =	vst.add.f32.msk $0xffff, v4  }
0x100: {  	[tilespmem:s6+$0x7130] =	vst.add.f32.msk $0xffff, v4  }
0x101: {  	[tilespmem:s6+$0x1140] =	vst.add.f32.msk $0xffff, v5  }
0x102: {  	[tilespmem:s6+$0x3140] =	vst.add.f32.msk $0xffff, v5  }
0x103: {  	[tilespmem:s6+$0x5140] =	vst.add.f32.msk $0xffff, v5  }
0x104: {  	[tilespmem:s6+$0x7140] =	vst.add.f32.msk $0xffff, v5  }
0x105: {  	[tilespmem:s6+$0x1150] =	vst.add.f32.msk $0xffff, v6  }
0x106: {  	[tilespmem:s6+$0x3150] =	vst.add.f32.msk $0xffff, v6  }
0x107: {  	[tilespmem:s6+$0x5150] =	vst.add.f32.msk $0xffff, v6  }
0x108: {  	[tilespmem:s6+$0x7150] =	vst.add.f32.msk $0xffff, v6  }
0x109: {  	[tilespmem:s6+$0x1160] =	vst.add.f32.msk $0xffff, v7  }
0x10a: {  	[tilespmem:s6+$0x3160] =	vst.add.f32.msk $0xffff, v7  }
.Ltmp2:
0x10b: {  	[tilespmem:s6+$0x5160] =	vst.add.f32.msk $0xffff, v7;
	(pc) =	sbr.rel @p0 .LBB2_6-.Ltmp2, $4  }
0x10c: {  	[tilespmem:s6+$0x7160] =	vst.add.f32.msk $0xffff, v7  }
0x10d: {  	[tilespmem:s6+$0x1170] =	vst.add.f32.msk $0xffff, v0  }
0x10e: {  	[tilespmem:s6+$0x3170] =	vst.add.f32.msk $0xffff, v0  }
0x10f: {  	[tilespmem:s6+$0x5170] =	vst.add.f32.msk $0xffff, v0;
	s6 =	sshra.s32 s7, $0x2;
	s7 =	sadd.s32 $0x200, s7  }
0x110: {  	v0 =	vld [tilespmem:s6+$0x9170]  }
0x111: {  	v1 =	vld [tilespmem:s6+$0x9100]  }
0x112: {  	v2 =	vld [tilespmem:s6+$0x9110]  }
0x113: {  	v3 =	vld [tilespmem:s6+$0x9120]  }
0x114: {  	v4 =	vld [tilespmem:s6+$0x9130]  }
0x115: {  	v5 =	vld [tilespmem:s6+$0x9140]  }
0x116: {  	v6 =	vld [tilespmem:s6+$0x9150]  }
0x117: {  	v7 =	vld [tilespmem:s6+$0x9160]  }
0x118: {  	[tilespmem:s6+$0x7170] =	vst.add.f32.msk $0xffff, v0  }
0x119: {  	[tilespmem:s6+$0x1100] =	vst.add.f32.msk $0xffff, v1  }
0x11a: {  	[tilespmem:s6+$0x3100] =	vst.add.f32.msk $0xffff, v1  }
0x11b: {  	[tilespmem:s6+$0x5100] =	vst.add.f32.msk $0xffff, v1  }
0x11c: {  	[tilespmem:s6+$0x7100] =	vst.add.f32.msk $0xffff, v1  }
0x11d: {  	[tilespmem:s6+$0x1110] =	vst.add.f32.msk $0xffff, v2  }
0x11e: {  	[tilespmem:s6+$0x3110] =	vst.add.f32.msk $0xffff, v2  }
0x11f: {  	[tilespmem:s6+$0x5110] =	vst.add.f32.msk $0xffff, v2  }
0x120: {  	[tilespmem:s6+$0x7110] =	vst.add.f32.msk $0xffff, v2  }
0x121: {  	[tilespmem:s6+$0x1120] =	vst.add.f32.msk $0xffff, v3  }
0x122: {  	[tilespmem:s6+$0x3120] =	vst.add.f32.msk $0xffff, v3  }
0x123: {  	[tilespmem:s6+$0x5120] =	vst.add.f32.msk $0xffff, v3  }
0x124: {  	[tilespmem:s6+$0x7120] =	vst.add.f32.msk $0xffff, v3  }
0x125: {  	[tilespmem:s6+$0x1130] =	vst.add.f32.msk $0xffff, v4  }
0x126: {  	[tilespmem:s6+$0x3130] =	vst.add.f32.msk $0xffff, v4  }
0x127: {  	[tilespmem:s6+$0x5130] =	vst.add.f32.msk $0xffff, v4  }
0x128: {  	[tilespmem:s6+$0x7130] =	vst.add.f32.msk $0xffff, v4  }
0x129: {  	[tilespmem:s6+$0x1140] =	vst.add.f32.msk $0xffff, v5  }
0x12a: {  	[tilespmem:s6+$0x3140] =	vst.add.f32.msk $0xffff, v5  }
0x12b: {  	[tilespmem:s6+$0x5140] =	vst.add.f32.msk $0xffff, v5  }
0x12c: {  	[tilespmem:s6+$0x7140] =	vst.add.f32.msk $0xffff, v5  }
0x12d: {  	[tilespmem:s6+$0x1150] =	vst.add.f32.msk $0xffff, v6  }
0x12e: {  	[tilespmem:s6+$0x3150] =	vst.add.f32.msk $0xffff, v6  }
0x12f: {  	[tilespmem:s6+$0x5150] =	vst.add.f32.msk $0xffff, v6  }
0x130: {  	[tilespmem:s6+$0x7150] =	vst.add.f32.msk $0xffff, v6  }
0x131: {  	[tilespmem:s6+$0x1160] =	vst.add.f32.msk $0xffff, v7  }
0x132: {  	[tilespmem:s6+$0x3160] =	vst.add.f32.msk $0xffff, v7  }
0x133: {  	[tilespmem:s6+$0x5160] =	vst.add.f32.msk $0xffff, v7  }
0x134: {  	[tilespmem:s6+$0x7160] =	vst.add.f32.msk $0xffff, v7  }
0x135: {  	[tilespmem:s6+$0x1170] =	vst.add.f32.msk $0xffff, v0  }
0x136: {  	[tilespmem:s6+$0x3170] =	vst.add.f32.msk $0xffff, v0  }
0x137: {  	s7 =	simm.s32 $0x1100;
	[tilespmem:s6+$0x5170] =	vst.add.f32.msk $0xffff, v0;
	s6 =	simm.s32 $0x0  }
0x138: {  	[hbm4b:s17+s6] =	stream.linear.scatter [tilespmem:s7], [sflag:$0x5], $0x800, $0x38;
	[tilespmem:$0xA100] =	vst v63  }
0x139: {  	s7 =	simm.s32 $0x3100  }
0x13a: {  	[hbm4b:s18+s6] =	stream.linear.scatter [tilespmem:s7], [sflag:$0x5], $0x800, $0x38;
	[tilespmem:$0xA100] =	vst v63  }
0x13b: {  	s7 =	simm.s32 $0x5100  }
0x13c: {  	[hbm4b:s19+s6] =	stream.linear.scatter [tilespmem:s7], [sflag:$0x5], $0x800, $0x38;
	[tilespmem:$0xA100] =	vst v63  }
0x13d: {  	s7 =	simm.s32 $0x7100  }
0x13e: {  	[hbm4b:s20+s6] =	stream.linear.scatter [tilespmem:s7], [sflag:$0x5], $0x800, $0x38;
	[tilespmem:$0xA100] =	vst v63  }
0x13f: {  	s6 =	simm.s32 $0x0;
	s7 =	simm.s32 $0x200  }
.LBB2_8:
0x140: {  	p0 =	sne.s32 s7, $0x1E00;
	v0 =	vld [tilespmem:s6+$0x9970]  }
0x141: {  	v1 =	vld [tilespmem:s6+$0x9900]  }
0x142: {  	v2 =	vld [tilespmem:s6+$0x9910]  }
0x143: {  	v3 =	vld [tilespmem:s6+$0x9920]  }
0x144: {  	v4 =	vld [tilespmem:s6+$0x9930]  }
0x145: {  	[tilespmem:s6+$0x7970] =	vst.add.f32.msk $0xffff, v0  }
0x146: {  	v5 =	vld [tilespmem:s6+$0x9940]  }
0x147: {  	v6 =	vld [tilespmem:s6+$0x9950]  }
0x148: {  	v7 =	vld [tilespmem:s6+$0x9960]  }
0x149: {  	[tilespmem:s6+$0x1900] =	vst.add.f32.msk $0xffff, v1  }
0x14a: {  	[tilespmem:s6+$0x3900] =	vst.add.f32.msk $0xffff, v1  }
0x14b: {  	[tilespmem:s6+$0x5900] =	vst.add.f32.msk $0xffff, v1  }
0x14c: {  	[tilespmem:s6+$0x7900] =	vst.add.f32.msk $0xffff, v1  }
0x14d: {  	[tilespmem:s6+$0x1910] =	vst.add.f32.msk $0xffff, v2  }
0x14e: {  	[tilespmem:s6+$0x3910] =	vst.add.f32.msk $0xffff, v2  }
0x14f: {  	[tilespmem:s6+$0x5910] =	vst.add.f32.msk $0xffff, v2  }
0x150: {  	[tilespmem:s6+$0x7910] =	vst.add.f32.msk $0xffff, v2  }
0x151: {  	[tilespmem:s6+$0x1920] =	vst.add.f32.msk $0xffff, v3  }
0x152: {  	[tilespmem:s6+$0x3920] =	vst.add.f32.msk $0xffff, v3  }
0x153: {  	[tilespmem:s6+$0x5920] =	vst.add.f32.msk $0xffff, v3  }
0x154: {  	[tilespmem:s6+$0x7920] =	vst.add.f32.msk $0xffff, v3  }
0x155: {  	[tilespmem:s6+$0x1930] =	vst.add.f32.msk $0xffff, v4  }
0x156: {  	[tilespmem:s6+$0x3930] =	vst.add.f32.msk $0xffff, v4  }
0x157: {  	[tilespmem:s6+$0x5930] =	vst.add.f32.msk $0xffff, v4  }
0x158: {  	[tilespmem:s6+$0x7930] =	vst.add.f32.msk $0xffff, v4  }
0x159: {  	[tilespmem:s6+$0x1940] =	vst.add.f32.msk $0xffff, v5  }
0x15a: {  	[tilespmem:s6+$0x3940] =	vst.add.f32.msk $0xffff, v5  }
0x15b: {  	[tilespmem:s6+$0x5940] =	vst.add.f32.msk $0xffff, v5  }
0x15c: {  	[tilespmem:s6+$0x7940] =	vst.add.f32.msk $0xffff, v5  }
0x15d: {  	[tilespmem:s6+$0x1950] =	vst.add.f32.msk $0xffff, v6  }
0x15e: {  	[tilespmem:s6+$0x3950] =	vst.add.f32.msk $0xffff, v6  }
0x15f: {  	[tilespmem:s6+$0x5950] =	vst.add.f32.msk $0xffff, v6  }
0x160: {  	[tilespmem:s6+$0x7950] =	vst.add.f32.msk $0xffff, v6  }
0x161: {  	[tilespmem:s6+$0x1960] =	vst.add.f32.msk $0xffff, v7  }
0x162: {  	[tilespmem:s6+$0x3960] =	vst.add.f32.msk $0xffff, v7  }
.Ltmp3:
0x163: {  	[tilespmem:s6+$0x5960] =	vst.add.f32.msk $0xffff, v7;
	(pc) =	sbr.rel @p0 .LBB2_8-.Ltmp3, $4  }
0x164: {  	[tilespmem:s6+$0x7960] =	vst.add.f32.msk $0xffff, v7  }
0x165: {  	[tilespmem:s6+$0x1970] =	vst.add.f32.msk $0xffff, v0  }
0x166: {  	[tilespmem:s6+$0x3970] =	vst.add.f32.msk $0xffff, v0  }
0x167: {  	[tilespmem:s6+$0x5970] =	vst.add.f32.msk $0xffff, v0;
	s6 =	sshra.s32 s7, $0x2;
	s7 =	sadd.s32 $0x200, s7  }
0x168: {  	v0 =	vld [tilespmem:s6+$0x9970]  }
0x169: {  	v1 =	vld [tilespmem:s6+$0x9900]  }
0x16a: {  	v2 =	vld [tilespmem:s6+$0x9910]  }
0x16b: {  	v3 =	vld [tilespmem:s6+$0x9920]  }
0x16c: {  	v4 =	vld [tilespmem:s6+$0x9930]  }
0x16d: {  	v5 =	vld [tilespmem:s6+$0x9940]  }
0x16e: {  	v6 =	vld [tilespmem:s6+$0x9950]  }
0x16f: {  	v7 =	vld [tilespmem:s6+$0x9960]  }
0x170: {  	[tilespmem:s6+$0x7970] =	vst.add.f32.msk $0xffff, v0  }
0x171: {  	[tilespmem:s6+$0x1900] =	vst.add.f32.msk $0xffff, v1  }
0x172: {  	[tilespmem:s6+$0x3900] =	vst.add.f32.msk $0xffff, v1  }
0x173: {  	[tilespmem:s6+$0x5900] =	vst.add.f32.msk $0xffff, v1  }
0x174: {  	[tilespmem:s6+$0x7900] =	vst.add.f32.msk $0xffff, v1  }
0x175: {  	[tilespmem:s6+$0x1910] =	vst.add.f32.msk $0xffff, v2  }
0x176: {  	[tilespmem:s6+$0x3910] =	vst.add.f32.msk $0xffff, v2  }
0x177: {  	[tilespmem:s6+$0x5910] =	vst.add.f32.msk $0xffff, v2  }
0x178: {  	[tilespmem:s6+$0x7910] =	vst.add.f32.msk $0xffff, v2  }
0x179: {  	[tilespmem:s6+$0x1920] =	vst.add.f32.msk $0xffff, v3  }
0x17a: {  	[tilespmem:s6+$0x3920] =	vst.add.f32.msk $0xffff, v3  }
0x17b: {  	[tilespmem:s6+$0x5920] =	vst.add.f32.msk $0xffff, v3  }
0x17c: {  	[tilespmem:s6+$0x7920] =	vst.add.f32.msk $0xffff, v3  }
0x17d: {  	[tilespmem:s6+$0x1930] =	vst.add.f32.msk $0xffff, v4  }
0x17e: {  	[tilespmem:s6+$0x3930] =	vst.add.f32.msk $0xffff, v4  }
0x17f: {  	[tilespmem:s6+$0x5930] =	vst.add.f32.msk $0xffff, v4  }
0x180: {  	[tilespmem:s6+$0x7930] =	vst.add.f32.msk $0xffff, v4  }
0x181: {  	[tilespmem:s6+$0x1940] =	vst.add.f32.msk $0xffff, v5  }
0x182: {  	[tilespmem:s6+$0x3940] =	vst.add.f32.msk $0xffff, v5  }
0x183: {  	[tilespmem:s6+$0x5940] =	vst.add.f32.msk $0xffff, v5  }
0x184: {  	[tilespmem:s6+$0x7940] =	vst.add.f32.msk $0xffff, v5  }
0x185: {  	[tilespmem:s6+$0x1950] =	vst.add.f32.msk $0xffff, v6  }
0x186: {  	[tilespmem:s6+$0x3950] =	vst.add.f32.msk $0xffff, v6  }
0x187: {  	[tilespmem:s6+$0x5950] =	vst.add.f32.msk $0xffff, v6  }
0x188: {  	[tilespmem:s6+$0x7950] =	vst.add.f32.msk $0xffff, v6  }
0x189: {  	[tilespmem:s6+$0x1960] =	vst.add.f32.msk $0xffff, v7  }
0x18a: {  	[tilespmem:s6+$0x3960] =	vst.add.f32.msk $0xffff, v7  }
0x18b: {  	[tilespmem:s6+$0x5960] =	vst.add.f32.msk $0xffff, v7  }
0x18c: {  	[tilespmem:s6+$0x7960] =	vst.add.f32.msk $0xffff, v7  }
0x18d: {  	[tilespmem:s6+$0x1970] =	vst.add.f32.msk $0xffff, v0  }
0x18e: {  	[tilespmem:s6+$0x3970] =	vst.add.f32.msk $0xffff, v0  }
0x18f: {  	s7 =	simm.s32 $0x1900;
	[tilespmem:s6+$0x5970] =	vst.add.f32.msk $0xffff, v0  }
0x190: {  	[hbm4b:s21+s3] =	stream.linear.scatter [tilespmem:s7], [sflag:$0x5], $0x800, $0x38;
	[tilespmem:$0xA100] =	vst v63  }
0x191: {  	s7 =	simm.s32 $0x3900  }
0x192: {  	[hbm4b:s22+s3] =	stream.linear.scatter [tilespmem:s7], [sflag:$0x5], $0x800, $0x38;
	[tilespmem:$0xA100] =	vst v63  }
0x193: {  	s7 =	simm.s32 $0x5900  }
0x194: {  	[hbm4b:s23+s3] =	stream.linear.scatter [tilespmem:s7], [sflag:$0x5], $0x800, $0x38;
	[tilespmem:$0xA100] =	vst v63  }
0x195: {  	s7 =	simm.s32 $0x7900  }
0x196: {  	[hbm4b:s24+s3] =	stream.linear.scatter [tilespmem:s7], [sflag:$0x5], $0x800, $0x38;
	[tilespmem:$0xA100] =	vst v63  }
0x197: {  	_ =	swait.ge [sflag:s1], $0x800  }
0x198: {  	[sflag:s1] =	ssyncset.done $0x0  }
0x199: {  	[sflag:s1] =	ssyncadd.s32 $0xFFFFF800  }
0x19a: {  	_ =	swait.ge [sflag:s1], $0x800  }
0x19b: {  	[sflag:s1] =	ssyncset.done $0x0  }
0x19c: {  	[sflag:s1] =	ssyncadd.s32 $0xFFFFF800  }
0x19d: {  	_ =	swait.ge [sflag:s1], $0x800  }
0x19e: {  	[sflag:s1] =	ssyncset.done $0x0  }
0x19f: {  	[sflag:s1] =	ssyncadd.s32 $0xFFFFF800  }
0x1a0: {  	_ =	swait.ge [sflag:s1], $0x800  }
0x1a1: {  	[sflag:s1] =	ssyncset.done $0x0  }
0x1a2: {  	[sflag:s1] =	ssyncadd.s32 $0xFFFFF800  }
0x1a3: {  	_ =	swait.ge [sflag:s1], $0x800  }
0x1a4: {  	[sflag:s1] =	ssyncset.done $0x0  }
0x1a5: {  	[sflag:s1] =	ssyncadd.s32 $0xFFFFF800  }
0x1a6: {  	_ =	swait.ge [sflag:s1], $0x800  }
0x1a7: {  	[sflag:s1] =	ssyncset.done $0x0  }
0x1a8: {  	[sflag:s1] =	ssyncadd.s32 $0xFFFFF800  }
0x1a9: {  	_ =	swait.ge [sflag:s1], $0x800  }
0x1aa: {  	[sflag:s1] =	ssyncset.done $0x0  }
0x1ab: {  	[sflag:s1] =	ssyncadd.s32 $0xFFFFF800  }
0x1ac: {  	_ =	swait.ge [sflag:s1], $0x800  }
0x1ad: {  	[sflag:s1] =	ssyncset.done $0x0  }
0x1ae: {  	[sflag:s1] =	ssyncadd.s32 $0xFFFFF800  }
0x1af: {  	_ =	swait.ge [sflag:s1], $0x800  }
0x1b0: {  	[sflag:s1] =	ssyncset.done $0x0  }
0x1b1: {  	[sflag:s1] =	ssyncadd.s32 $0xFFFFF800  }
0x1b2: {  	_ =	swait.ge [sflag:s1], $0x800  }
0x1b3: {  	[sflag:s1] =	ssyncset.done $0x0  }
0x1b4: {  	[sflag:s1] =	ssyncadd.s32 $0xFFFFF800  }
0x1b5: {  	_ =	swait.ge [sflag:s1], $0x800  }
0x1b6: {  	[sflag:s1] =	ssyncset.done $0x0  }
0x1b7: {  	[sflag:s1] =	ssyncadd.s32 $0xFFFFF800  }
0x1b8: {  	_ =	swait.ge [sflag:s1], $0x800  }
0x1b9: {  	[sflag:s1] =	ssyncset.done $0x0  }
0x1ba: {  	[sflag:s1] =	ssyncadd.s32 $0xFFFFF800  }
0x1bb: {  	_ =	swait.ge [sflag:s1], $0x800  }
0x1bc: {  	[sflag:s1] =	ssyncset.done $0x0  }
0x1bd: {  	[sflag:s1] =	ssyncadd.s32 $0xFFFFF800  }
0x1be: {  	_ =	swait.ge [sflag:s1], $0x800  }
0x1bf: {  	[sflag:s1] =	ssyncset.done $0x0  }
0x1c0: {  	s4 =	sadd.s32 $0x1, s4;
	[sflag:s1] =	ssyncadd.s32 $0xFFFFF800  }
0x1c1: {  	p0 =	sne.s32 s4, s25;
	_ =	swait.ge [sflag:s1], $0x800  }
.Ltmp4:
0x1c2: {  	[sflag:s1] =	ssyncset.done $0x0;
	(pc) =	sbr.rel @p0 .LBB2_1-.Ltmp4, $4  }
0x1c3: {  	[sflag:s1] =	ssyncadd.s32 $0xFFFFF800  }
0x1c4: {  	_ =	swait.ge [sflag:s1], $0x800  }
0x1c5: {  	[sflag:s1] =	ssyncset.done $0x0  }
0x1c6: {  	[sflag:s1] =	ssyncadd.s32 $0xFFFFF800  }
0x1c7: {  	_ =	sfence.sel $0x180000  }
0x1c8: {  	[bflag:$0x0] =	sbarrier.arrive $0xFFFF  }
0x1c9: {  	_ =	strace $0x90000047  }
0x1ca: {  	s0 =	stileid.u32;
	[bflag:$0x2] =	sbarrier.arrive $0xFFFF  }
0x1cb: {  	p0 =	sne.s32 s0, $0x0;
	s0 =	rddreg [dreg:$0x4]  }
0x1cc: {  	s0 =	sadd.s32 @!p0 $0x100000, s0  }
0x1cd: {  	[sflag:s0] =	ssyncadd.tile.s32 @!p0 $0x1;
	_ =	shalt  }
.Lfunc_end2:
_tile_overlayer_lowered:
.L_overlay_start_2:
0x1ce: {  	(tag) =	ssettag $0x2  }
0x1cf: {  	s0 =	rddreg [dreg:$0x0];
	s2 =	stileid.u32  }
0x1d0: {  	s1 =	rddreg [dreg:$0x1];
	p0 =	sne.s32 s2, $0x0  }
0x1d1: {  	s3 =	rddreg [dreg:$0x2];
	[bflag:$0x3] =	sbarrier.arrive $0xFFFF;
	s2 =	simm.s32 @!p0 $0x1C06  }
0x1d2: {  	[timem:s3], [sflag:s2] =	dma.local @!p0 [hbm:s0], s1  }
0x1d3: {  	s0 =	simm.s32 @!p0 $0x6  }
0x1d4: {  	_ =	swait.ge @!p0 [sflag:s0], s1  }
0x1d5: {  	s1 =	ssub.s32 @!p0 $0x0, s1;
	[sflag:s0] =	ssyncset.done @!p0 $0x0  }
0x1d6: {  	[sflag:s0] =	ssyncadd.s32 @!p0 s1  }
0x1d7: {  	[bflag:$0x3] =	sbarrier.arrive $0xFFFF  }
0x1d8: {  	_ =	shalt  }

</sc_bundles>
